<compile_context>
chip_gen: v7x
topology: tpu7x:2x2x1
jax: 0.10.2.dev20260603
libtpu: 0.0.44.dev20260713+nightly
codegen_flags: <defaults>
</compile_context>

<pallas_src>
import functools

import jax
import jax.numpy as jnp
from jax import lax
from jax.experimental import pallas as pl
from jax.experimental.pallas import tpu as pltpu
from jax.experimental.pallas import tpu_sc as plsc

_LB = 128


def _make_gather(B, H, V, D, NC, NS):
    NW = NC * NS
    blk_per_w = B // _LB // NW
    b_per_w = blk_per_w * _LB
    n_tiles = H * blk_per_w
    n_pairs = n_tiles // 2
    E8 = D // 8

    mesh = plsc.VectorSubcoreMesh(core_axis_name="c", subcore_axis_name="s")

    @functools.partial(
        pl.kernel,
        mesh=mesh,
        compiler_params=pltpu.CompilerParams(
            use_tc_tiling_on_sc=False, needs_layout_passes=False
        ),
        out_type=jax.ShapeDtypeStruct((H, E8, B // _LB, 8, _LB), jnp.float32),
        scratch_types=[
            pltpu.VMEM((H, b_per_w), jnp.int32),
            pltpu.VMEM((4, _LB, D), jnp.float32),
            pltpu.VMEM((2, E8, 8, _LB), jnp.float32),
            pltpu.SemaphoreType.DMA,
            pltpu.SemaphoreType.DMA,
            pltpu.SemaphoreType.DMA,
            pltpu.SemaphoreType.DMA,
            pltpu.SemaphoreType.DMA,
            pltpu.SemaphoreType.DMA,
        ],
    )
    def gather(xt_hbm, table_hbm, out_hbm, idx_v, rows_v, t_v,
               g0, g1, g2, g3, s0, s1):
        gsem = (g0, g1, g2, g3)
        ssem = (s0, s1)
        wid = lax.axis_index("s") * NC + lax.axis_index("c")
        bbase = wid * blk_per_w
        pltpu.sync_copy(
            xt_hbm.at[:, pl.ds(pl.multiple_of(wid * b_per_w, b_per_w), b_per_w)],
            idx_v,
        )

        lane = lax.iota(jnp.int32, 16)
        row_idx = [lane + (g * 16) for g in range(_LB // 16)]

        def tile_coords(t):
            h = lax.shift_right_logical(t, 2)
            blk = lax.bitwise_and(t, blk_per_w - 1)
            return h, blk

        def fire_gather(t, b):
            h, blk = tile_coords(t)
            pltpu.async_copy(
                table_hbm.at[idx_v.at[h, pl.ds(pl.multiple_of(blk * _LB, _LB), _LB)]],
                rows_v.at[b],
                gsem[b],
            )

        def wait_gather(b):
            pltpu.make_async_copy(
                table_hbm.at[pl.ds(0, _LB)], rows_v.at[b], gsem[b]
            ).wait()

        def transpose(b, tb):
            @plsc.parallel_loop(0, D, 1, unroll=16)
            def _(e):
                e8 = lax.shift_right_logical(e, 3)
                es = lax.bitwise_and(e, 7)
                ce = jnp.full((16,), e, jnp.int32)
                for g in range(_LB // 16):
                    v = plsc.load_gather(rows_v.at[b], [row_idx[g], ce])
                    t_v[tb, e8, es, pl.ds(g * 16, 16)] = v

        def fire_store(t, b):
            h, blk = tile_coords(t)
            pltpu.async_copy(t_v.at[b], out_hbm.at[h, :, bbase + blk], ssem[b])

        def wait_store(b):
            pltpu.make_async_copy(
                t_v.at[b], out_hbm.at[0, :, 0], ssem[b]
            ).wait()

        fire_gather(0, 0)
        fire_gather(1, 1)
        fire_gather(2, 2)

        n_quads = n_tiles // 4

        def quad(i, carry):
            t = pl.multiple_of(i * 4, 4)
            for b in range(4):
                tt = t + b
                tb = b % 2
                wait_gather(b)

                if b == 0:
                    fire_gather(tt + 3, 3)
                else:
                    @pl.when(i <= n_quads - 2)
                    def _():
                        fire_gather(tt + 3, (b + 3) % 4)

                if b < 2:
                    @pl.when(i > 0)
                    def _():
                        wait_store(tb)
                else:
                    wait_store(tb)

                transpose(b, tb)
                fire_store(tt, tb)
            return carry

        lax.fori_loop(0, n_quads, quad, 0)
        wait_store(0)
        wait_store(1)

    return gather


def kernel(x, table):
    B, H = x.shape
    V, D = table.shape
    xt = x.T.astype(jnp.int32)
    info = plsc.get_sparse_core_info()
    gather = _make_gather(B, H, V, D, info.num_cores, info.num_subcores)
    out5 = gather(xt, table)
    return out5.transpose(2, 4, 0, 1, 3).reshape(B, H, D)

# --- scband reference (transcript-rebuilt; emitter-appended) ---
"""Pipeline reference for scband-textseg-embedding-74397423501782 (READ-ONLY COPY).

The authoritative reference and input builder live on the scoring server;
editing this copy changes nothing except your own understanding.
"""

import jax, jax.numpy as jnp
import numpy as np

VOCAB = 1000000
EMBED_DIM = 32
BATCH = 16384
HIST = 50

def setup_inputs(seed: int = 0) -> dict:
    key = jax.random.key(seed)
    k_idx, k_tab = jax.random.split(key)
    x = jax.random.randint(k_idx, (BATCH, HIST), 0, VOCAB, dtype=jnp.int64 if jax.config.jax_enable_x64 else jnp.int32)
    table = jax.random.normal(k_tab, (VOCAB, EMBED_DIM), dtype=jnp.float32)
    return {"x": x, "table": table}

def reference(x, table):
    # nn.Embedding.from_pretrained(...) forward: gather rows of the table
    return jnp.take(table, x, axis=0)

if __name__ == "__main__":
    import jax
    _d = setup_inputs()
    print(jax.jit(kernel)(*tuple(_d.values())))

</pallas_src>

<mosaic_0001>
#map = affine_map<(d0, d1) -> (0, 0)>
#map1 = affine_map<(d0, d1) -> (0, 0, 0, 0, 0)>
module attributes {stable_mosaic.version = 14 : i64} {
  func.func @gather(%arg0: i32, %arg1: i32, %arg2: memref<50x16384xi32, #tpu.memory_space<hbm>>, %arg3: memref<1000000x32xf32, #tpu.memory_space<hbm>>, %arg4: memref<50x4x128x8x128xf32, #tpu.memory_space<hbm>>, %arg5: memref<50x512xi32, #tpu.memory_space<vmem>>, %arg6: memref<4x128x32xf32, #tpu.memory_space<vmem>>, %arg7: memref<2x4x8x128xf32, #tpu.memory_space<vmem>>, %arg8: memref<!tpu.dma_semaphore, #tpu.memory_space<semaphore_mem>>, %arg9: memref<!tpu.dma_semaphore, #tpu.memory_space<semaphore_mem>>, %arg10: memref<!tpu.dma_semaphore, #tpu.memory_space<semaphore_mem>>, %arg11: memref<!tpu.dma_semaphore, #tpu.memory_space<semaphore_mem>>, %arg12: memref<!tpu.dma_semaphore, #tpu.memory_space<semaphore_mem>>, %arg13: memref<!tpu.dma_semaphore, #tpu.memory_space<semaphore_mem>>) attributes {dimension_semantics = [#tpu.dimension_semantics<core_parallel>, #tpu.dimension_semantics<subcore_parallel>], iteration_bounds = array<i64: 2, 16>, scalar_prefetch = 0 : i64, scratch_operands = 9 : i64, tpu.core_type = #tpu.core_type<sc_vector_subcore>, window_params = [{transform_indices = #map}, {transform_indices = #map}, {transform_indices = #map1}]} {
    %mul3A = arith.constant 2 : i32
    %mul3A_0 = arith.muli %arg1, %mul3A : i32
    %add3A = arith.addi %mul3A_0, %arg0 : i32
    %mul3A_1 = arith.constant 4 : i32
    %mul3A_2 = arith.muli %add3A, %mul3A_1 : i32
    %mul3A_3 = arith.constant 512 : i32
    %mul3A_4 = arith.muli %add3A, %mul3A_3 : i32
    %multiple_of3A = tpu.assume_multiple %mul3A_4, 512 : i32
    "tpu.region"() ({
      %run_scoped3A = tpu.sem_alloc : memref<!tpu.dma_semaphore, #tpu.memory_space<semaphore_mem>>
      %dma_start3A_133 = arith.constant 0 : i32
      %dma_start3A_134 = tpu.memref_slice %arg2[%dma_start3A_133, %multiple_of3A] : memref<50x16384xi32, #tpu.memory_space<hbm>> -> memref<50x512xi32, #tpu.memory_space<hbm>>
      %dma_start3A_135 = arith.constant 0 : i32
      %dma_start3A_136 = tpu.memref_slice %arg2[%dma_start3A_135, %multiple_of3A] : memref<50x16384xi32, #tpu.memory_space<hbm>> -> memref<50x512xi32, #tpu.memory_space<hbm>>
      tpu.enqueue_dma source(%dma_start3A_136 : memref<50x512xi32, #tpu.memory_space<hbm>>) target(%arg5 : memref<50x512xi32, #tpu.memory_space<vmem>>) target_semaphore(%run_scoped3A : memref<!tpu.dma_semaphore, #tpu.memory_space<semaphore_mem>>)
      %dma_wait3A_137 = arith.constant 0 : i32
      %dma_wait3A_138 = tpu.memref_slice %arg2[%dma_wait3A_137, %multiple_of3A] : memref<50x16384xi32, #tpu.memory_space<hbm>> -> memref<50x512xi32, #tpu.memory_space<hbm>>
      %dma_wait3A_139 = arith.constant 0 : i32
      %dma_wait3A_140 = tpu.memref_slice %arg2[%dma_wait3A_139, %multiple_of3A] : memref<50x16384xi32, #tpu.memory_space<hbm>> -> memref<50x512xi32, #tpu.memory_space<hbm>>
      tpu.wait_dma2 semaphore(%run_scoped3A : memref<!tpu.dma_semaphore, #tpu.memory_space<semaphore_mem>>) src(%dma_wait3A_140 : memref<50x512xi32, #tpu.memory_space<hbm>>) dst(%arg5 : memref<50x512xi32, #tpu.memory_space<vmem>>)
      tpu.yield
    }) : () -> ()
    %iota3A = tpu.iota {dimensions = array<i32: 0>} : vector<16xi32>
    %add3A_5 = arith.constant 0 : i32
    %add3A_6 = vector.broadcast %add3A_5 : i32 to vector<16xi32>
    %add3A_7 = arith.addi %iota3A, %add3A_6 : vector<16xi32>
    %add3A_8 = arith.constant 16 : i32
    %add3A_9 = vector.broadcast %add3A_8 : i32 to vector<16xi32>
    %add3A_10 = arith.addi %iota3A, %add3A_9 : vector<16xi32>
    %add3A_11 = arith.constant 32 : i32
    %add3A_12 = vector.broadcast %add3A_11 : i32 to vector<16xi32>
    %add3A_13 = arith.addi %iota3A, %add3A_12 : vector<16xi32>
    %add3A_14 = arith.constant 48 : i32
    %add3A_15 = vector.broadcast %add3A_14 : i32 to vector<16xi32>
    %add3A_16 = arith.addi %iota3A, %add3A_15 : vector<16xi32>
    %add3A_17 = arith.constant 64 : i32
    %add3A_18 = vector.broadcast %add3A_17 : i32 to vector<16xi32>
    %add3A_19 = arith.addi %iota3A, %add3A_18 : vector<16xi32>
    %add3A_20 = arith.constant 80 : i32
    %add3A_21 = vector.broadcast %add3A_20 : i32 to vector<16xi32>
    %add3A_22 = arith.addi %iota3A, %add3A_21 : vector<16xi32>
    %add3A_23 = arith.constant 96 : i32
    %add3A_24 = vector.broadcast %add3A_23 : i32 to vector<16xi32>
    %add3A_25 = arith.addi %iota3A, %add3A_24 : vector<16xi32>
    %add3A_26 = arith.constant 112 : i32
    %add3A_27 = vector.broadcast %add3A_26 : i32 to vector<16xi32>
    %add3A_28 = arith.addi %iota3A, %add3A_27 : vector<16xi32>
    %shift_right_logical3A = arith.constant 0 : i32
    %shift_right_logical3A_29 = arith.constant 2 : i32
    %shift_right_logical3A_30 = arith.shrui %shift_right_logical3A, %shift_right_logical3A_29 : i32
    %and3A = arith.constant 0 : i32
    %and3A_31 = arith.constant 3 : i32
    %and3A_32 = arith.andi %and3A, %and3A_31 : i32
    %mul3A_33 = arith.constant 128 : i32
    %mul3A_34 = arith.muli %and3A_32, %mul3A_33 : i32
    %multiple_of3A_35 = tpu.assume_multiple %mul3A_34, 128 : i32
    %dma_start3A = arith.constant 0 : i32
    %dma_start3A_36 = arith.constant 0 : i32
    %dma_start3A_37 = arith.constant 0 : i32
    %dma_start3A_38 = tpu.memref_slice %arg6[%dma_start3A, %dma_start3A_36, %dma_start3A_37] : memref<4x128x32xf32, #tpu.memory_space<vmem>> -> memref<1x128x32xf32, #tpu.memory_space<vmem>>
    %dma_start3A_39 = tpu.memref_squeeze %dma_start3A_38 : memref<1x128x32xf32, #tpu.memory_space<vmem>> -> memref<128x32xf32, #tpu.memory_space<vmem>>
    %dma_start3A_40 = tpu.memref_slice %arg5[%shift_right_logical3A_30, %multiple_of3A_35] : memref<50x512xi32, #tpu.memory_space<vmem>> -> memref<1x128xi32, #tpu.memory_space<vmem>>
    %dma_start3A_41 = tpu.memref_squeeze %dma_start3A_40 : memref<1x128xi32, #tpu.memory_space<vmem>> -> memref<128xi32, #tpu.memory_space<vmem>>
    %dma_start3A_42 = arith.constant 0 : i32
    %dma_start3A_43 = arith.constant 0 : i32
    %dma_start3A_44 = tpu.memref_slice %arg3[%dma_start3A_42, %dma_start3A_43] : memref<1000000x32xf32, #tpu.memory_space<hbm>> -> memref<1000000x32xf32, #tpu.memory_space<hbm>>
    tpu.enqueue_indirect_dma source(%dma_start3A_44 : memref<1000000x32xf32, #tpu.memory_space<hbm>>) target(%dma_start3A_39 : memref<128x32xf32, #tpu.memory_space<vmem>>) offsets(%dma_start3A_41 : memref<128xi32, #tpu.memory_space<vmem>>) semaphore(%arg8 : memref<!tpu.dma_semaphore, #tpu.memory_space<semaphore_mem>>)
    %shift_right_logical3A_45 = arith.constant 1 : i32
    %shift_right_logical3A_46 = arith.constant 2 : i32
    %shift_right_logical3A_47 = arith.shrui %shift_right_logical3A_45, %shift_right_logical3A_46 : i32
    %and3A_48 = arith.constant 1 : i32
    %and3A_49 = arith.constant 3 : i32
    %and3A_50 = arith.andi %and3A_48, %and3A_49 : i32
    %mul3A_51 = arith.constant 128 : i32
    %mul3A_52 = arith.muli %and3A_50, %mul3A_51 : i32
    %multiple_of3A_53 = tpu.assume_multiple %mul3A_52, 128 : i32
    %dma_start3A_54 = arith.constant 1 : i32
    %dma_start3A_55 = arith.constant 0 : i32
    %dma_start3A_56 = arith.constant 0 : i32
    %dma_start3A_57 = tpu.memref_slice %arg6[%dma_start3A_54, %dma_start3A_55, %dma_start3A_56] : memref<4x128x32xf32, #tpu.memory_space<vmem>> -> memref<1x128x32xf32, #tpu.memory_space<vmem>>
    %dma_start3A_58 = tpu.memref_squeeze %dma_start3A_57 : memref<1x128x32xf32, #tpu.memory_space<vmem>> -> memref<128x32xf32, #tpu.memory_space<vmem>>
    %dma_start3A_59 = tpu.memref_slice %arg5[%shift_right_logical3A_47, %multiple_of3A_53] : memref<50x512xi32, #tpu.memory_space<vmem>> -> memref<1x128xi32, #tpu.memory_space<vmem>>
    %dma_start3A_60 = tpu.memref_squeeze %dma_start3A_59 : memref<1x128xi32, #tpu.memory_space<vmem>> -> memref<128xi32, #tpu.memory_space<vmem>>
    %dma_start3A_61 = arith.constant 0 : i32
    %dma_start3A_62 = arith.constant 0 : i32
    %dma_start3A_63 = tpu.memref_slice %arg3[%dma_start3A_61, %dma_start3A_62] : memref<1000000x32xf32, #tpu.memory_space<hbm>> -> memref<1000000x32xf32, #tpu.memory_space<hbm>>
    tpu.enqueue_indirect_dma source(%dma_start3A_63 : memref<1000000x32xf32, #tpu.memory_space<hbm>>) target(%dma_start3A_58 : memref<128x32xf32, #tpu.memory_space<vmem>>) offsets(%dma_start3A_60 : memref<128xi32, #tpu.memory_space<vmem>>) semaphore(%arg9 : memref<!tpu.dma_semaphore, #tpu.memory_space<semaphore_mem>>)
    %shift_right_logical3A_64 = arith.constant 2 : i32
    %shift_right_logical3A_65 = arith.constant 2 : i32
    %shift_right_logical3A_66 = arith.shrui %shift_right_logical3A_64, %shift_right_logical3A_65 : i32
    %and3A_67 = arith.constant 2 : i32
    %and3A_68 = arith.constant 3 : i32
    %and3A_69 = arith.andi %and3A_67, %and3A_68 : i32
    %mul3A_70 = arith.constant 128 : i32
    %mul3A_71 = arith.muli %and3A_69, %mul3A_70 : i32
    %multiple_of3A_72 = tpu.assume_multiple %mul3A_71, 128 : i32
    %dma_start3A_73 = arith.constant 2 : i32
    %dma_start3A_74 = arith.constant 0 : i32
    %dma_start3A_75 = arith.constant 0 : i32
    %dma_start3A_76 = tpu.memref_slice %arg6[%dma_start3A_73, %dma_start3A_74, %dma_start3A_75] : memref<4x128x32xf32, #tpu.memory_space<vmem>> -> memref<1x128x32xf32, #tpu.memory_space<vmem>>
    %dma_start3A_77 = tpu.memref_squeeze %dma_start3A_76 : memref<1x128x32xf32, #tpu.memory_space<vmem>> -> memref<128x32xf32, #tpu.memory_space<vmem>>
    %dma_start3A_78 = tpu.memref_slice %arg5[%shift_right_logical3A_66, %multiple_of3A_72] : memref<50x512xi32, #tpu.memory_space<vmem>> -> memref<1x128xi32, #tpu.memory_space<vmem>>
    %dma_start3A_79 = tpu.memref_squeeze %dma_start3A_78 : memref<1x128xi32, #tpu.memory_space<vmem>> -> memref<128xi32, #tpu.memory_space<vmem>>
    %dma_start3A_80 = arith.constant 0 : i32
    %dma_start3A_81 = arith.constant 0 : i32
    %dma_start3A_82 = tpu.memref_slice %arg3[%dma_start3A_80, %dma_start3A_81] : memref<1000000x32xf32, #tpu.memory_space<hbm>> -> memref<1000000x32xf32, #tpu.memory_space<hbm>>
    tpu.enqueue_indirect_dma source(%dma_start3A_82 : memref<1000000x32xf32, #tpu.memory_space<hbm>>) target(%dma_start3A_77 : memref<128x32xf32, #tpu.memory_space<vmem>>) offsets(%dma_start3A_79 : memref<128xi32, #tpu.memory_space<vmem>>) semaphore(%arg10 : memref<!tpu.dma_semaphore, #tpu.memory_space<semaphore_mem>>)
    %scan3A = arith.constant 0 : i32
    %scan3A_83 = arith.constant 0 : i32
    %scan3A_84 = arith.constant 50 : i32
    %scan3A_85 = arith.addi %scan3A_83, %scan3A_84 : i32
    %scan3A_86 = arith.constant 1 : i32
    scf.for %scan3A_133 = %scan3A_83 to %scan3A_85 step %scan3A_86  : i32 {
      %mul3A_134 = arith.constant 4 : i32
      %mul3A_135 = arith.muli %scan3A_133, %mul3A_134 : i32
      %multiple_of3A_136 = tpu.assume_multiple %mul3A_135, 4 : i32
      %add3A_137 = arith.constant 0 : i32
      %add3A_138 = arith.addi %multiple_of3A_136, %add3A_137 : i32
      %dma_wait3A_139 = arith.constant 0 : i32
      %dma_wait3A_140 = arith.constant 0 : i32
      %dma_wait3A_141 = arith.constant 0 : i32
      %dma_wait3A_142 = tpu.memref_slice %arg6[%dma_wait3A_139, %dma_wait3A_140, %dma_wait3A_141] : memref<4x128x32xf32, #tpu.memory_space<vmem>> -> memref<1x128x32xf32, #tpu.memory_space<vmem>>
      %dma_wait3A_143 = tpu.memref_squeeze %dma_wait3A_142 : memref<1x128x32xf32, #tpu.memory_space<vmem>> -> memref<128x32xf32, #tpu.memory_space<vmem>>
      %dma_wait3A_144 = arith.constant 0 : i32
      %dma_wait3A_145 = arith.constant 0 : i32
      %dma_wait3A_146 = tpu.memref_slice %arg3[%dma_wait3A_144, %dma_wait3A_145] : memref<1000000x32xf32, #tpu.memory_space<hbm>> -> memref<128x32xf32, #tpu.memory_space<hbm>>
      %dma_wait3A_147 = arith.constant 0 : i32
      %dma_wait3A_148 = arith.constant 0 : i32
      %dma_wait3A_149 = tpu.memref_slice %arg6[%dma_wait3A_139, %dma_wait3A_147, %dma_wait3A_148] : memref<4x128x32xf32, #tpu.memory_space<vmem>> -> memref<1x128x32xf32, #tpu.memory_space<vmem>>
      %dma_wait3A_150 = tpu.memref_squeeze %dma_wait3A_149 : memref<1x128x32xf32, #tpu.memory_space<vmem>> -> memref<128x32xf32, #tpu.memory_space<vmem>>
      %dma_wait3A_151 = arith.constant 0 : i32
      %dma_wait3A_152 = arith.constant 0 : i32
      %dma_wait3A_153 = tpu.memref_slice %arg3[%dma_wait3A_151, %dma_wait3A_152] : memref<1000000x32xf32, #tpu.memory_space<hbm>> -> memref<128x32xf32, #tpu.memory_space<hbm>>
      tpu.wait_dma2 semaphore(%arg8 : memref<!tpu.dma_semaphore, #tpu.memory_space<semaphore_mem>>) src(%dma_wait3A_153 : memref<128x32xf32, #tpu.memory_space<hbm>>) dst(%dma_wait3A_150 : memref<128x32xf32, #tpu.memory_space<vmem>>)
      %add3A_154 = arith.constant 3 : i32
      %add3A_155 = arith.addi %add3A_138, %add3A_154 : i32
      %shift_right_logical3A_156 = arith.constant 2 : i32
      %shift_right_logical3A_157 = arith.shrui %add3A_155, %shift_right_logical3A_156 : i32
      %and3A_158 = arith.constant 3 : i32
      %and3A_159 = arith.andi %add3A_155, %and3A_158 : i32
      %mul3A_160 = arith.constant 128 : i32
      %mul3A_161 = arith.muli %and3A_159, %mul3A_160 : i32
      %multiple_of3A_162 = tpu.assume_multiple %mul3A_161, 128 : i32
      %dma_start3A_163 = arith.constant 3 : i32
      %dma_start3A_164 = arith.constant 0 : i32
      %dma_start3A_165 = arith.constant 0 : i32
      %dma_start3A_166 = tpu.memref_slice %arg6[%dma_start3A_163, %dma_start3A_164, %dma_start3A_165] : memref<4x128x32xf32, #tpu.memory_space<vmem>> -> memref<1x128x32xf32, #tpu.memory_space<vmem>>
      %dma_start3A_167 = tpu.memref_squeeze %dma_start3A_166 : memref<1x128x32xf32, #tpu.memory_space<vmem>> -> memref<128x32xf32, #tpu.memory_space<vmem>>
      %dma_start3A_168 = tpu.memref_slice %arg5[%shift_right_logical3A_157, %multiple_of3A_162] : memref<50x512xi32, #tpu.memory_space<vmem>> -> memref<1x128xi32, #tpu.memory_space<vmem>>
      %dma_start3A_169 = tpu.memref_squeeze %dma_start3A_168 : memref<1x128xi32, #tpu.memory_space<vmem>> -> memref<128xi32, #tpu.memory_space<vmem>>
      %dma_start3A_170 = arith.constant 0 : i32
      %dma_start3A_171 = arith.constant 0 : i32
      %dma_start3A_172 = tpu.memref_slice %arg3[%dma_start3A_170, %dma_start3A_171] : memref<1000000x32xf32, #tpu.memory_space<hbm>> -> memref<1000000x32xf32, #tpu.memory_space<hbm>>
      tpu.enqueue_indirect_dma source(%dma_start3A_172 : memref<1000000x32xf32, #tpu.memory_space<hbm>>) target(%dma_start3A_167 : memref<128x32xf32, #tpu.memory_space<vmem>>) offsets(%dma_start3A_169 : memref<128xi32, #tpu.memory_space<vmem>>) semaphore(%arg11 : memref<!tpu.dma_semaphore, #tpu.memory_space<semaphore_mem>>)
      %gt3A = arith.constant 0 : i32
      %gt3A_173 = arith.cmpi sgt, %scan3A_133, %gt3A : i32
      %convert_element_type3A = arith.extui %gt3A_173 : i1 to i32
      %cond3A = arith.constant 0 : i32
      %cond3A_174 = arith.cmpi ne, %convert_element_type3A, %cond3A : i32
      scf.if %cond3A_174 {
        %dma_wait3A_406 = arith.constant 0 : i32
        %dma_wait3A_407 = arith.constant 0 : i32
        %dma_wait3A_408 = arith.constant 0 : i32
        %dma_wait3A_409 = arith.constant 0 : i32
        %dma_wait3A_410 = arith.constant 0 : i32
        %dma_wait3A_411 = arith.constant 0 : i32
        %dma_wait3A_412 = tpu.memref_slice %arg7[%dma_wait3A_406, %dma_wait3A_409, %dma_wait3A_410, %dma_wait3A_411] : memref<2x4x8x128xf32, #tpu.memory_space<vmem>> -> memref<1x4x8x128xf32, #tpu.memory_space<vmem>>
        %dma_wait3A_413 = tpu.memref_squeeze %dma_wait3A_412 : memref<1x4x8x128xf32, #tpu.memory_space<vmem>> -> memref<4x8x128xf32, #tpu.memory_space<vmem>>
        %dma_wait3A_414 = arith.constant 0 : i32
        %dma_wait3A_415 = arith.constant 0 : i32
        %dma_wait3A_416 = arith.constant 0 : i32
        %dma_wait3A_417 = tpu.memref_slice %arg4[%dma_wait3A_407, %dma_wait3A_414, %dma_wait3A_408, %dma_wait3A_415, %dma_wait3A_416] : memref<50x4x128x8x128xf32, #tpu.memory_space<hbm>> -> memref<1x4x1x8x128xf32, #tpu.memory_space<hbm>>
        %dma_wait3A_418 = tpu.memref_squeeze %dma_wait3A_417 : memref<1x4x1x8x128xf32, #tpu.memory_space<hbm>> -> memref<4x8x128xf32, #tpu.memory_space<hbm>>
        %dma_wait3A_419 = arith.constant 0 : i32
        %dma_wait3A_420 = arith.constant 0 : i32
        %dma_wait3A_421 = arith.constant 0 : i32
        %dma_wait3A_422 = tpu.memref_slice %arg4[%dma_wait3A_407, %dma_wait3A_419, %dma_wait3A_408, %dma_wait3A_420, %dma_wait3A_421] : memref<50x4x128x8x128xf32, #tpu.memory_space<hbm>> -> memref<1x4x1x8x128xf32, #tpu.memory_space<hbm>>
        %dma_wait3A_423 = tpu.memref_squeeze %dma_wait3A_422 : memref<1x4x1x8x128xf32, #tpu.memory_space<hbm>> -> memref<4x8x128xf32, #tpu.memory_space<hbm>>
        %dma_wait3A_424 = arith.constant 0 : i32
        %dma_wait3A_425 = arith.constant 0 : i32
        %dma_wait3A_426 = arith.constant 0 : i32
        %dma_wait3A_427 = tpu.memref_slice %arg7[%dma_wait3A_406, %dma_wait3A_424, %dma_wait3A_425, %dma_wait3A_426] : memref<2x4x8x128xf32, #tpu.memory_space<vmem>> -> memref<1x4x8x128xf32, #tpu.memory_space<vmem>>
        %dma_wait3A_428 = tpu.memref_squeeze %dma_wait3A_427 : memref<1x4x8x128xf32, #tpu.memory_space<vmem>> -> memref<4x8x128xf32, #tpu.memory_space<vmem>>
        tpu.wait_dma2 semaphore(%arg12 : memref<!tpu.dma_semaphore, #tpu.memory_space<semaphore_mem>>) src(%dma_wait3A_428 : memref<4x8x128xf32, #tpu.memory_space<vmem>>) dst(%dma_wait3A_423 : memref<4x8x128xf32, #tpu.memory_space<hbm>>)
      } else {
      }
      %parallel_loop3A = arith.constant 0 : i32
      %parallel_loop3A_175 = arith.constant 32 : i32
      %parallel_loop3A_176 = arith.constant 1 : i32
      scf.for %parallel_loop3A_406 = %parallel_loop3A to %parallel_loop3A_175 step %parallel_loop3A_176  : i32 {
        %parallel_loop3A_407 = arith.constant 3 : i32
        %parallel_loop3A_408 = arith.shrui %parallel_loop3A_406, %parallel_loop3A_407 : i32
        %parallel_loop3A_409 = arith.constant 7 : i32
        %parallel_loop3A_410 = arith.andi %parallel_loop3A_406, %parallel_loop3A_409 : i32
        %parallel_loop3A_411 = vector.broadcast %parallel_loop3A_406 : i32 to vector<16xi32>
        %parallel_loop3A_412 = arith.constant 0 : i32
        %parallel_loop3A_413 = arith.constant 0 : i32
        %parallel_loop3A_414 = arith.constant 0 : i32
        %parallel_loop3A_415 = tpu.memref_slice %arg6[%parallel_loop3A_412, %parallel_loop3A_413, %parallel_loop3A_414] : memref<4x128x32xf32, #tpu.memory_space<vmem>> -> memref<1x128x32xf32, #tpu.memory_space<vmem>>
        %parallel_loop3A_416 = tpu.memref_squeeze %parallel_loop3A_415 : memref<1x128x32xf32, #tpu.memory_space<vmem>> -> memref<128x32xf32, #tpu.memory_space<vmem>>
        %parallel_loop3A_417 = tpu.vector_load_idx %parallel_loop3A_416[%add3A_7, %parallel_loop3A_411] : memref<128x32xf32, #tpu.memory_space<vmem>>[vector<16xi32>, vector<16xi32>], vector<16xf32>,
        %parallel_loop3A_418 = arith.constant 0 : i32
        %parallel_loop3A_419 = arith.index_cast %parallel_loop3A_418 : i32 to index
        %parallel_loop3A_420 = arith.index_cast %parallel_loop3A_408 : i32 to index
        %parallel_loop3A_421 = arith.index_cast %parallel_loop3A_410 : i32 to index
        %parallel_loop3A_422 = arith.constant 0 : index
        %parallel_loop3A_423 = tpu.vector_load %arg7[%parallel_loop3A_419, %parallel_loop3A_420, %parallel_loop3A_421, %parallel_loop3A_422] {strides = array<i32>} : memref<2x4x8x128xf32, #tpu.memory_space<vmem>>, vector<16xf32>,
        tpu.vector_store %arg7[%parallel_loop3A_419, %parallel_loop3A_420, %parallel_loop3A_421, %parallel_loop3A_422], %parallel_loop3A_417 {strides = array<i32>} : memref<2x4x8x128xf32, #tpu.memory_space<vmem>>, vector<16xf32>,
        %parallel_loop3A_424 = arith.constant 0 : i32
        %parallel_loop3A_425 = arith.constant 0 : i32
        %parallel_loop3A_426 = arith.constant 0 : i32
        %parallel_loop3A_427 = tpu.memref_slice %arg6[%parallel_loop3A_424, %parallel_loop3A_425, %parallel_loop3A_426] : memref<4x128x32xf32, #tpu.memory_space<vmem>> -> memref<1x128x32xf32, #tpu.memory_space<vmem>>
        %parallel_loop3A_428 = tpu.memref_squeeze %parallel_loop3A_427 : memref<1x128x32xf32, #tpu.memory_space<vmem>> -> memref<128x32xf32, #tpu.memory_space<vmem>>
        %parallel_loop3A_429 = tpu.vector_load_idx %parallel_loop3A_428[%add3A_10, %parallel_loop3A_411] : memref<128x32xf32, #tpu.memory_space<vmem>>[vector<16xi32>, vector<16xi32>], vector<16xf32>,
        %parallel_loop3A_430 = arith.constant 0 : i32
        %parallel_loop3A_431 = arith.index_cast %parallel_loop3A_430 : i32 to index
        %parallel_loop3A_432 = arith.index_cast %parallel_loop3A_408 : i32 to index
        %parallel_loop3A_433 = arith.index_cast %parallel_loop3A_410 : i32 to index
        %parallel_loop3A_434 = arith.constant 16 : index
        %parallel_loop3A_435 = tpu.vector_load %arg7[%parallel_loop3A_431, %parallel_loop3A_432, %parallel_loop3A_433, %parallel_loop3A_434] {strides = array<i32>} : memref<2x4x8x128xf32, #tpu.memory_space<vmem>>, vector<16xf32>,
        tpu.vector_store %arg7[%parallel_loop3A_431, %parallel_loop3A_432, %parallel_loop3A_433, %parallel_loop3A_434], %parallel_loop3A_429 {strides = array<i32>} : memref<2x4x8x128xf32, #tpu.memory_space<vmem>>, vector<16xf32>,
        %parallel_loop3A_436 = arith.constant 0 : i32
        %parallel_loop3A_437 = arith.constant 0 : i32
        %parallel_loop3A_438 = arith.constant 0 : i32
        %parallel_loop3A_439 = tpu.memref_slice %arg6[%parallel_loop3A_436, %parallel_loop3A_437, %parallel_loop3A_438] : memref<4x128x32xf32, #tpu.memory_space<vmem>> -> memref<1x128x32xf32, #tpu.memory_space<vmem>>
        %parallel_loop3A_440 = tpu.memref_squeeze %parallel_loop3A_439 : memref<1x128x32xf32, #tpu.memory_space<vmem>> -> memref<128x32xf32, #tpu.memory_space<vmem>>
        %parallel_loop3A_441 = tpu.vector_load_idx %parallel_loop3A_440[%add3A_13, %parallel_loop3A_411] : memref<128x32xf32, #tpu.memory_space<vmem>>[vector<16xi32>, vector<16xi32>], vector<16xf32>,
        %parallel_loop3A_442 = arith.constant 0 : i32
        %parallel_loop3A_443 = arith.index_cast %parallel_loop3A_442 : i32 to index
        %parallel_loop3A_444 = arith.index_cast %parallel_loop3A_408 : i32 to index
        %parallel_loop3A_445 = arith.index_cast %parallel_loop3A_410 : i32 to index
        %parallel_loop3A_446 = arith.constant 32 : index
        %parallel_loop3A_447 = tpu.vector_load %arg7[%parallel_loop3A_443, %parallel_loop3A_444, %parallel_loop3A_445, %parallel_loop3A_446] {strides = array<i32>} : memref<2x4x8x128xf32, #tpu.memory_space<vmem>>, vector<16xf32>,
        tpu.vector_store %arg7[%parallel_loop3A_443, %parallel_loop3A_444, %parallel_loop3A_445, %parallel_loop3A_446], %parallel_loop3A_441 {strides = array<i32>} : memref<2x4x8x128xf32, #tpu.memory_space<vmem>>, vector<16xf32>,
        %parallel_loop3A_448 = arith.constant 0 : i32
        %parallel_loop3A_449 = arith.constant 0 : i32
        %parallel_loop3A_450 = arith.constant 0 : i32
        %parallel_loop3A_451 = tpu.memref_slice %arg6[%parallel_loop3A_448, %parallel_loop3A_449, %parallel_loop3A_450] : memref<4x128x32xf32, #tpu.memory_space<vmem>> -> memref<1x128x32xf32, #tpu.memory_space<vmem>>
        %parallel_loop3A_452 = tpu.memref_squeeze %parallel_loop3A_451 : memref<1x128x32xf32, #tpu.memory_space<vmem>> -> memref<128x32xf32, #tpu.memory_space<vmem>>
        %parallel_loop3A_453 = tpu.vector_load_idx %parallel_loop3A_452[%add3A_16, %parallel_loop3A_411] : memref<128x32xf32, #tpu.memory_space<vmem>>[vector<16xi32>, vector<16xi32>], vector<16xf32>,
        %parallel_loop3A_454 = arith.constant 0 : i32
        %parallel_loop3A_455 = arith.index_cast %parallel_loop3A_454 : i32 to index
        %parallel_loop3A_456 = arith.index_cast %parallel_loop3A_408 : i32 to index
        %parallel_loop3A_457 = arith.index_cast %parallel_loop3A_410 : i32 to index
        %parallel_loop3A_458 = arith.constant 48 : index
        %parallel_loop3A_459 = tpu.vector_load %arg7[%parallel_loop3A_455, %parallel_loop3A_456, %parallel_loop3A_457, %parallel_loop3A_458] {strides = array<i32>} : memref<2x4x8x128xf32, #tpu.memory_space<vmem>>, vector<16xf32>,
        tpu.vector_store %arg7[%parallel_loop3A_455, %parallel_loop3A_456, %parallel_loop3A_457, %parallel_loop3A_458], %parallel_loop3A_453 {strides = array<i32>} : memref<2x4x8x128xf32, #tpu.memory_space<vmem>>, vector<16xf32>,
        %parallel_loop3A_460 = arith.constant 0 : i32
        %parallel_loop3A_461 = arith.constant 0 : i32
        %parallel_loop3A_462 = arith.constant 0 : i32
        %parallel_loop3A_463 = tpu.memref_slice %arg6[%parallel_loop3A_460, %parallel_loop3A_461, %parallel_loop3A_462] : memref<4x128x32xf32, #tpu.memory_space<vmem>> -> memref<1x128x32xf32, #tpu.memory_space<vmem>>
        %parallel_loop3A_464 = tpu.memref_squeeze %parallel_loop3A_463 : memref<1x128x32xf32, #tpu.memory_space<vmem>> -> memref<128x32xf32, #tpu.memory_space<vmem>>
        %parallel_loop3A_465 = tpu.vector_load_idx %parallel_loop3A_464[%add3A_19, %parallel_loop3A_411] : memref<128x32xf32, #tpu.memory_space<vmem>>[vector<16xi32>, vector<16xi32>], vector<16xf32>,
        %parallel_loop3A_466 = arith.constant 0 : i32
        %parallel_loop3A_467 = arith.index_cast %parallel_loop3A_466 : i32 to index
        %parallel_loop3A_468 = arith.index_cast %parallel_loop3A_408 : i32 to index
        %parallel_loop3A_469 = arith.index_cast %parallel_loop3A_410 : i32 to index
        %parallel_loop3A_470 = arith.constant 64 : index
        %parallel_loop3A_471 = tpu.vector_load %arg7[%parallel_loop3A_467, %parallel_loop3A_468, %parallel_loop3A_469, %parallel_loop3A_470] {strides = array<i32>} : memref<2x4x8x128xf32, #tpu.memory_space<vmem>>, vector<16xf32>,
        tpu.vector_store %arg7[%parallel_loop3A_467, %parallel_loop3A_468, %parallel_loop3A_469, %parallel_loop3A_470], %parallel_loop3A_465 {strides = array<i32>} : memref<2x4x8x128xf32, #tpu.memory_space<vmem>>, vector<16xf32>,
        %parallel_loop3A_472 = arith.constant 0 : i32
        %parallel_loop3A_473 = arith.constant 0 : i32
        %parallel_loop3A_474 = arith.constant 0 : i32
        %parallel_loop3A_475 = tpu.memref_slice %arg6[%parallel_loop3A_472, %parallel_loop3A_473, %parallel_loop3A_474] : memref<4x128x32xf32, #tpu.memory_space<vmem>> -> memref<1x128x32xf32, #tpu.memory_space<vmem>>
        %parallel_loop3A_476 = tpu.memref_squeeze %parallel_loop3A_475 : memref<1x128x32xf32, #tpu.memory_space<vmem>> -> memref<128x32xf32, #tpu.memory_space<vmem>>
        %parallel_loop3A_477 = tpu.vector_load_idx %parallel_loop3A_476[%add3A_22, %parallel_loop3A_411] : memref<128x32xf32, #tpu.memory_space<vmem>>[vector<16xi32>, vector<16xi32>], vector<16xf32>,
        %parallel_loop3A_478 = arith.constant 0 : i32
        %parallel_loop3A_479 = arith.index_cast %parallel_loop3A_478 : i32 to index
        %parallel_loop3A_480 = arith.index_cast %parallel_loop3A_408 : i32 to index
        %parallel_loop3A_481 = arith.index_cast %parallel_loop3A_410 : i32 to index
        %parallel_loop3A_482 = arith.constant 80 : index
        %parallel_loop3A_483 = tpu.vector_load %arg7[%parallel_loop3A_479, %parallel_loop3A_480, %parallel_loop3A_481, %parallel_loop3A_482] {strides = array<i32>} : memref<2x4x8x128xf32, #tpu.memory_space<vmem>>, vector<16xf32>,
        tpu.vector_store %arg7[%parallel_loop3A_479, %parallel_loop3A_480, %parallel_loop3A_481, %parallel_loop3A_482], %parallel_loop3A_477 {strides = array<i32>} : memref<2x4x8x128xf32, #tpu.memory_space<vmem>>, vector<16xf32>,
        %parallel_loop3A_484 = arith.constant 0 : i32
        %parallel_loop3A_485 = arith.constant 0 : i32
        %parallel_loop3A_486 = arith.constant 0 : i32
        %parallel_loop3A_487 = tpu.memref_slice %arg6[%parallel_loop3A_484, %parallel_loop3A_485, %parallel_loop3A_486] : memref<4x128x32xf32, #tpu.memory_space<vmem>> -> memref<1x128x32xf32, #tpu.memory_space<vmem>>
        %parallel_loop3A_488 = tpu.memref_squeeze %parallel_loop3A_487 : memref<1x128x32xf32, #tpu.memory_space<vmem>> -> memref<128x32xf32, #tpu.memory_space<vmem>>
        %parallel_loop3A_489 = tpu.vector_load_idx %parallel_loop3A_488[%add3A_25, %parallel_loop3A_411] : memref<128x32xf32, #tpu.memory_space<vmem>>[vector<16xi32>, vector<16xi32>], vector<16xf32>,
        %parallel_loop3A_490 = arith.constant 0 : i32
        %parallel_loop3A_491 = arith.index_cast %parallel_loop3A_490 : i32 to index
        %parallel_loop3A_492 = arith.index_cast %parallel_loop3A_408 : i32 to index
        %parallel_loop3A_493 = arith.index_cast %parallel_loop3A_410 : i32 to index
        %parallel_loop3A_494 = arith.constant 96 : index
        %parallel_loop3A_495 = tpu.vector_load %arg7[%parallel_loop3A_491, %parallel_loop3A_492, %parallel_loop3A_493, %parallel_loop3A_494] {strides = array<i32>} : memref<2x4x8x128xf32, #tpu.memory_space<vmem>>, vector<16xf32>,
        tpu.vector_store %arg7[%parallel_loop3A_491, %parallel_loop3A_492, %parallel_loop3A_493, %parallel_loop3A_494], %parallel_loop3A_489 {strides = array<i32>} : memref<2x4x8x128xf32, #tpu.memory_space<vmem>>, vector<16xf32>,
        %parallel_loop3A_496 = arith.constant 0 : i32
        %parallel_loop3A_497 = arith.constant 0 : i32
        %parallel_loop3A_498 = arith.constant 0 : i32
        %parallel_loop3A_499 = tpu.memref_slice %arg6[%parallel_loop3A_496, %parallel_loop3A_497, %parallel_loop3A_498] : memref<4x128x32xf32, #tpu.memory_space<vmem>> -> memref<1x128x32xf32, #tpu.memory_space<vmem>>
        %parallel_loop3A_500 = tpu.memref_squeeze %parallel_loop3A_499 : memref<1x128x32xf32, #tpu.memory_space<vmem>> -> memref<128x32xf32, #tpu.memory_space<vmem>>
        %parallel_loop3A_501 = tpu.vector_load_idx %parallel_loop3A_500[%add3A_28, %parallel_loop3A_411] : memref<128x32xf32, #tpu.memory_space<vmem>>[vector<16xi32>, vector<16xi32>], vector<16xf32>,
        %parallel_loop3A_502 = arith.constant 0 : i32
        %parallel_loop3A_503 = arith.index_cast %parallel_loop3A_502 : i32 to index
        %parallel_loop3A_504 = arith.index_cast %parallel_loop3A_408 : i32 to index
        %parallel_loop3A_505 = arith.index_cast %parallel_loop3A_410 : i32 to index
        %parallel_loop3A_506 = arith.constant 112 : index
        %parallel_loop3A_507 = tpu.vector_load %arg7[%parallel_loop3A_503, %parallel_loop3A_504, %parallel_loop3A_505, %parallel_loop3A_506] {strides = array<i32>} : memref<2x4x8x128xf32, #tpu.memory_space<vmem>>, vector<16xf32>,
        tpu.vector_store %arg7[%parallel_loop3A_503, %parallel_loop3A_504, %parallel_loop3A_505, %parallel_loop3A_506], %parallel_loop3A_501 {strides = array<i32>} : memref<2x4x8x128xf32, #tpu.memory_space<vmem>>, vector<16xf32>,
      } {sc.loop_unroll_factor = 16 : i64, sc.parallel_access}
      %shift_right_logical3A_177 = arith.constant 2 : i32
      %shift_right_logical3A_178 = arith.shrui %add3A_138, %shift_right_logical3A_177 : i32
      %and3A_179 = arith.constant 3 : i32
      %and3A_180 = arith.andi %add3A_138, %and3A_179 : i32
      %add3A_181 = arith.addi %mul3A_2, %and3A_180 : i32
      %dma_start3A_182 = arith.constant 0 : i32
      %dma_start3A_183 = arith.constant 0 : i32
      %dma_start3A_184 = arith.constant 0 : i32
      %dma_start3A_185 = arith.constant 0 : i32
      %dma_start3A_186 = tpu.memref_slice %arg7[%dma_start3A_182, %dma_start3A_183, %dma_start3A_184, %dma_start3A_185] : memref<2x4x8x128xf32, #tpu.memory_space<vmem>> -> memref<1x4x8x128xf32, #tpu.memory_space<vmem>>
      %dma_start3A_187 = tpu.memref_squeeze %dma_start3A_186 : memref<1x4x8x128xf32, #tpu.memory_space<vmem>> -> memref<4x8x128xf32, #tpu.memory_space<vmem>>
      %dma_start3A_188 = arith.constant 0 : i32
      %dma_start3A_189 = arith.constant 0 : i32
      %dma_start3A_190 = arith.constant 0 : i32
      %dma_start3A_191 = tpu.memref_slice %arg4[%shift_right_logical3A_178, %dma_start3A_188, %add3A_181, %dma_start3A_189, %dma_start3A_190] : memref<50x4x128x8x128xf32, #tpu.memory_space<hbm>> -> memref<1x4x1x8x128xf32, #tpu.memory_space<hbm>>
      %dma_start3A_192 = tpu.memref_squeeze %dma_start3A_191 : memref<1x4x1x8x128xf32, #tpu.memory_space<hbm>> -> memref<4x8x128xf32, #tpu.memory_space<hbm>>
      %dma_start3A_193 = arith.constant 0 : i32
      %dma_start3A_194 = arith.constant 0 : i32
      %dma_start3A_195 = arith.constant 0 : i32
      %dma_start3A_196 = tpu.memref_slice %arg4[%shift_right_logical3A_178, %dma_start3A_193, %add3A_181, %dma_start3A_194, %dma_start3A_195] : memref<50x4x128x8x128xf32, #tpu.memory_space<hbm>> -> memref<1x4x1x8x128xf32, #tpu.memory_space<hbm>>
      %dma_start3A_197 = tpu.memref_squeeze %dma_start3A_196 : memref<1x4x1x8x128xf32, #tpu.memory_space<hbm>> -> memref<4x8x128xf32, #tpu.memory_space<hbm>>
      %dma_start3A_198 = arith.constant 0 : i32
      %dma_start3A_199 = arith.constant 0 : i32
      %dma_start3A_200 = arith.constant 0 : i32
      %dma_start3A_201 = tpu.memref_slice %arg7[%dma_start3A_182, %dma_start3A_198, %dma_start3A_199, %dma_start3A_200] : memref<2x4x8x128xf32, #tpu.memory_space<vmem>> -> memref<1x4x8x128xf32, #tpu.memory_space<vmem>>
      %dma_start3A_202 = tpu.memref_squeeze %dma_start3A_201 : memref<1x4x8x128xf32, #tpu.memory_space<vmem>> -> memref<4x8x128xf32, #tpu.memory_space<vmem>>
      tpu.enqueue_dma source(%dma_start3A_202 : memref<4x8x128xf32, #tpu.memory_space<vmem>>) target(%dma_start3A_197 : memref<4x8x128xf32, #tpu.memory_space<hbm>>) target_semaphore(%arg12 : memref<!tpu.dma_semaphore, #tpu.memory_space<semaphore_mem>>)
      %add3A_203 = arith.constant 1 : i32
      %add3A_204 = arith.addi %multiple_of3A_136, %add3A_203 : i32
      %dma_wait3A_205 = arith.constant 1 : i32
      %dma_wait3A_206 = arith.constant 0 : i32
      %dma_wait3A_207 = arith.constant 0 : i32
      %dma_wait3A_208 = tpu.memref_slice %arg6[%dma_wait3A_205, %dma_wait3A_206, %dma_wait3A_207] : memref<4x128x32xf32, #tpu.memory_space<vmem>> -> memref<1x128x32xf32, #tpu.memory_space<vmem>>
      %dma_wait3A_209 = tpu.memref_squeeze %dma_wait3A_208 : memref<1x128x32xf32, #tpu.memory_space<vmem>> -> memref<128x32xf32, #tpu.memory_space<vmem>>
      %dma_wait3A_210 = arith.constant 0 : i32
      %dma_wait3A_211 = arith.constant 0 : i32
      %dma_wait3A_212 = tpu.memref_slice %arg3[%dma_wait3A_210, %dma_wait3A_211] : memref<1000000x32xf32, #tpu.memory_space<hbm>> -> memref<128x32xf32, #tpu.memory_space<hbm>>
      %dma_wait3A_213 = arith.constant 0 : i32
      %dma_wait3A_214 = arith.constant 0 : i32
      %dma_wait3A_215 = tpu.memref_slice %arg6[%dma_wait3A_205, %dma_wait3A_213, %dma_wait3A_214] : memref<4x128x32xf32, #tpu.memory_space<vmem>> -> memref<1x128x32xf32, #tpu.memory_space<vmem>>
      %dma_wait3A_216 = tpu.memref_squeeze %dma_wait3A_215 : memref<1x128x32xf32, #tpu.memory_space<vmem>> -> memref<128x32xf32, #tpu.memory_space<vmem>>
      %dma_wait3A_217 = arith.constant 0 : i32
      %dma_wait3A_218 = arith.constant 0 : i32
      %dma_wait3A_219 = tpu.memref_slice %arg3[%dma_wait3A_217, %dma_wait3A_218] : memref<1000000x32xf32, #tpu.memory_space<hbm>> -> memref<128x32xf32, #tpu.memory_space<hbm>>
      tpu.wait_dma2 semaphore(%arg9 : memref<!tpu.dma_semaphore, #tpu.memory_space<semaphore_mem>>) src(%dma_wait3A_219 : memref<128x32xf32, #tpu.memory_space<hbm>>) dst(%dma_wait3A_216 : memref<128x32xf32, #tpu.memory_space<vmem>>)
      %le3A = arith.constant 48 : i32
      %le3A_220 = arith.cmpi sle, %scan3A_133, %le3A : i32
      %convert_element_type3A_221 = arith.extui %le3A_220 : i1 to i32
      %cond3A_222 = arith.constant 0 : i32
      %cond3A_223 = arith.cmpi ne, %convert_element_type3A_221, %cond3A_222 : i32
      scf.if %cond3A_223 {
        %add3A_406 = arith.constant 3 : i32
        %add3A_407 = arith.addi %add3A_204, %add3A_406 : i32
        %shift_right_logical3A_408 = arith.constant 2 : i32
        %shift_right_logical3A_409 = arith.shrui %add3A_407, %shift_right_logical3A_408 : i32
        %and3A_410 = arith.constant 3 : i32
        %and3A_411 = arith.andi %add3A_407, %and3A_410 : i32
        %mul3A_412 = arith.constant 128 : i32
        %mul3A_413 = arith.muli %and3A_411, %mul3A_412 : i32
        %multiple_of3A_414 = tpu.assume_multiple %mul3A_413, 128 : i32
        %dma_start3A_415 = arith.constant 0 : i32
        %dma_start3A_416 = arith.constant 0 : i32
        %dma_start3A_417 = arith.constant 0 : i32
        %dma_start3A_418 = tpu.memref_slice %arg6[%dma_start3A_415, %dma_start3A_416, %dma_start3A_417] : memref<4x128x32xf32, #tpu.memory_space<vmem>> -> memref<1x128x32xf32, #tpu.memory_space<vmem>>
        %dma_start3A_419 = tpu.memref_squeeze %dma_start3A_418 : memref<1x128x32xf32, #tpu.memory_space<vmem>> -> memref<128x32xf32, #tpu.memory_space<vmem>>
        %dma_start3A_420 = tpu.memref_slice %arg5[%shift_right_logical3A_409, %multiple_of3A_414] : memref<50x512xi32, #tpu.memory_space<vmem>> -> memref<1x128xi32, #tpu.memory_space<vmem>>
        %dma_start3A_421 = tpu.memref_squeeze %dma_start3A_420 : memref<1x128xi32, #tpu.memory_space<vmem>> -> memref<128xi32, #tpu.memory_space<vmem>>
        %dma_start3A_422 = arith.constant 0 : i32
        %dma_start3A_423 = arith.constant 0 : i32
        %dma_start3A_424 = tpu.memref_slice %arg3[%dma_start3A_422, %dma_start3A_423] : memref<1000000x32xf32, #tpu.memory_space<hbm>> -> memref<1000000x32xf32, #tpu.memory_space<hbm>>
        tpu.enqueue_indirect_dma source(%dma_start3A_424 : memref<1000000x32xf32, #tpu.memory_space<hbm>>) target(%dma_start3A_419 : memref<128x32xf32, #tpu.memory_space<vmem>>) offsets(%dma_start3A_421 : memref<128xi32, #tpu.memory_space<vmem>>) semaphore(%arg8 : memref<!tpu.dma_semaphore, #tpu.memory_space<semaphore_mem>>)
      } else {
      }
      %gt3A_224 = arith.constant 0 : i32
      %gt3A_225 = arith.cmpi sgt, %scan3A_133, %gt3A_224 : i32
      %convert_element_type3A_226 = arith.extui %gt3A_225 : i1 to i32
      %cond3A_227 = arith.constant 0 : i32
      %cond3A_228 = arith.cmpi ne, %convert_element_type3A_226, %cond3A_227 : i32
      scf.if %cond3A_228 {
        %dma_wait3A_406 = arith.constant 1 : i32
        %dma_wait3A_407 = arith.constant 0 : i32
        %dma_wait3A_408 = arith.constant 0 : i32
        %dma_wait3A_409 = arith.constant 0 : i32
        %dma_wait3A_410 = arith.constant 0 : i32
        %dma_wait3A_411 = arith.constant 0 : i32
        %dma_wait3A_412 = tpu.memref_slice %arg7[%dma_wait3A_406, %dma_wait3A_409, %dma_wait3A_410, %dma_wait3A_411] : memref<2x4x8x128xf32, #tpu.memory_space<vmem>> -> memref<1x4x8x128xf32, #tpu.memory_space<vmem>>
        %dma_wait3A_413 = tpu.memref_squeeze %dma_wait3A_412 : memref<1x4x8x128xf32, #tpu.memory_space<vmem>> -> memref<4x8x128xf32, #tpu.memory_space<vmem>>
        %dma_wait3A_414 = arith.constant 0 : i32
        %dma_wait3A_415 = arith.constant 0 : i32
        %dma_wait3A_416 = arith.constant 0 : i32
        %dma_wait3A_417 = tpu.memref_slice %arg4[%dma_wait3A_407, %dma_wait3A_414, %dma_wait3A_408, %dma_wait3A_415, %dma_wait3A_416] : memref<50x4x128x8x128xf32, #tpu.memory_space<hbm>> -> memref<1x4x1x8x128xf32, #tpu.memory_space<hbm>>
        %dma_wait3A_418 = tpu.memref_squeeze %dma_wait3A_417 : memref<1x4x1x8x128xf32, #tpu.memory_space<hbm>> -> memref<4x8x128xf32, #tpu.memory_space<hbm>>
        %dma_wait3A_419 = arith.constant 0 : i32
        %dma_wait3A_420 = arith.constant 0 : i32
        %dma_wait3A_421 = arith.constant 0 : i32
        %dma_wait3A_422 = tpu.memref_slice %arg4[%dma_wait3A_407, %dma_wait3A_419, %dma_wait3A_408, %dma_wait3A_420, %dma_wait3A_421] : memref<50x4x128x8x128xf32, #tpu.memory_space<hbm>> -> memref<1x4x1x8x128xf32, #tpu.memory_space<hbm>>
        %dma_wait3A_423 = tpu.memref_squeeze %dma_wait3A_422 : memref<1x4x1x8x128xf32, #tpu.memory_space<hbm>> -> memref<4x8x128xf32, #tpu.memory_space<hbm>>
        %dma_wait3A_424 = arith.constant 0 : i32
        %dma_wait3A_425 = arith.constant 0 : i32
        %dma_wait3A_426 = arith.constant 0 : i32
        %dma_wait3A_427 = tpu.memref_slice %arg7[%dma_wait3A_406, %dma_wait3A_424, %dma_wait3A_425, %dma_wait3A_426] : memref<2x4x8x128xf32, #tpu.memory_space<vmem>> -> memref<1x4x8x128xf32, #tpu.memory_space<vmem>>
        %dma_wait3A_428 = tpu.memref_squeeze %dma_wait3A_427 : memref<1x4x8x128xf32, #tpu.memory_space<vmem>> -> memref<4x8x128xf32, #tpu.memory_space<vmem>>
        tpu.wait_dma2 semaphore(%arg13 : memref<!tpu.dma_semaphore, #tpu.memory_space<semaphore_mem>>) src(%dma_wait3A_428 : memref<4x8x128xf32, #tpu.memory_space<vmem>>) dst(%dma_wait3A_423 : memref<4x8x128xf32, #tpu.memory_space<hbm>>)
      } else {
      }
      %parallel_loop3A_229 = arith.constant 0 : i32
      %parallel_loop3A_230 = arith.constant 32 : i32
      %parallel_loop3A_231 = arith.constant 1 : i32
      scf.for %parallel_loop3A_406 = %parallel_loop3A_229 to %parallel_loop3A_230 step %parallel_loop3A_231  : i32 {
        %parallel_loop3A_407 = arith.constant 3 : i32
        %parallel_loop3A_408 = arith.shrui %parallel_loop3A_406, %parallel_loop3A_407 : i32
        %parallel_loop3A_409 = arith.constant 7 : i32
        %parallel_loop3A_410 = arith.andi %parallel_loop3A_406, %parallel_loop3A_409 : i32
        %parallel_loop3A_411 = vector.broadcast %parallel_loop3A_406 : i32 to vector<16xi32>
        %parallel_loop3A_412 = arith.constant 1 : i32
        %parallel_loop3A_413 = arith.constant 0 : i32
        %parallel_loop3A_414 = arith.constant 0 : i32
        %parallel_loop3A_415 = tpu.memref_slice %arg6[%parallel_loop3A_412, %parallel_loop3A_413, %parallel_loop3A_414] : memref<4x128x32xf32, #tpu.memory_space<vmem>> -> memref<1x128x32xf32, #tpu.memory_space<vmem>>
        %parallel_loop3A_416 = tpu.memref_squeeze %parallel_loop3A_415 : memref<1x128x32xf32, #tpu.memory_space<vmem>> -> memref<128x32xf32, #tpu.memory_space<vmem>>
        %parallel_loop3A_417 = tpu.vector_load_idx %parallel_loop3A_416[%add3A_7, %parallel_loop3A_411] : memref<128x32xf32, #tpu.memory_space<vmem>>[vector<16xi32>, vector<16xi32>], vector<16xf32>,
        %parallel_loop3A_418 = arith.constant 1 : i32
        %parallel_loop3A_419 = arith.index_cast %parallel_loop3A_418 : i32 to index
        %parallel_loop3A_420 = arith.index_cast %parallel_loop3A_408 : i32 to index
        %parallel_loop3A_421 = arith.index_cast %parallel_loop3A_410 : i32 to index
        %parallel_loop3A_422 = arith.constant 0 : index
        %parallel_loop3A_423 = tpu.vector_load %arg7[%parallel_loop3A_419, %parallel_loop3A_420, %parallel_loop3A_421, %parallel_loop3A_422] {strides = array<i32>} : memref<2x4x8x128xf32, #tpu.memory_space<vmem>>, vector<16xf32>,
        tpu.vector_store %arg7[%parallel_loop3A_419, %parallel_loop3A_420, %parallel_loop3A_421, %parallel_loop3A_422], %parallel_loop3A_417 {strides = array<i32>} : memref<2x4x8x128xf32, #tpu.memory_space<vmem>>, vector<16xf32>,
        %parallel_loop3A_424 = arith.constant 1 : i32
        %parallel_loop3A_425 = arith.constant 0 : i32
        %parallel_loop3A_426 = arith.constant 0 : i32
        %parallel_loop3A_427 = tpu.memref_slice %arg6[%parallel_loop3A_424, %parallel_loop3A_425, %parallel_loop3A_426] : memref<4x128x32xf32, #tpu.memory_space<vmem>> -> memref<1x128x32xf32, #tpu.memory_space<vmem>>
        %parallel_loop3A_428 = tpu.memref_squeeze %parallel_loop3A_427 : memref<1x128x32xf32, #tpu.memory_space<vmem>> -> memref<128x32xf32, #tpu.memory_space<vmem>>
        %parallel_loop3A_429 = tpu.vector_load_idx %parallel_loop3A_428[%add3A_10, %parallel_loop3A_411] : memref<128x32xf32, #tpu.memory_space<vmem>>[vector<16xi32>, vector<16xi32>], vector<16xf32>,
        %parallel_loop3A_430 = arith.constant 1 : i32
        %parallel_loop3A_431 = arith.index_cast %parallel_loop3A_430 : i32 to index
        %parallel_loop3A_432 = arith.index_cast %parallel_loop3A_408 : i32 to index
        %parallel_loop3A_433 = arith.index_cast %parallel_loop3A_410 : i32 to index
        %parallel_loop3A_434 = arith.constant 16 : index
        %parallel_loop3A_435 = tpu.vector_load %arg7[%parallel_loop3A_431, %parallel_loop3A_432, %parallel_loop3A_433, %parallel_loop3A_434] {strides = array<i32>} : memref<2x4x8x128xf32, #tpu.memory_space<vmem>>, vector<16xf32>,
        tpu.vector_store %arg7[%parallel_loop3A_431, %parallel_loop3A_432, %parallel_loop3A_433, %parallel_loop3A_434], %parallel_loop3A_429 {strides = array<i32>} : memref<2x4x8x128xf32, #tpu.memory_space<vmem>>, vector<16xf32>,
        %parallel_loop3A_436 = arith.constant 1 : i32
        %parallel_loop3A_437 = arith.constant 0 : i32
        %parallel_loop3A_438 = arith.constant 0 : i32
        %parallel_loop3A_439 = tpu.memref_slice %arg6[%parallel_loop3A_436, %parallel_loop3A_437, %parallel_loop3A_438] : memref<4x128x32xf32, #tpu.memory_space<vmem>> -> memref<1x128x32xf32, #tpu.memory_space<vmem>>
        %parallel_loop3A_440 = tpu.memref_squeeze %parallel_loop3A_439 : memref<1x128x32xf32, #tpu.memory_space<vmem>> -> memref<128x32xf32, #tpu.memory_space<vmem>>
        %parallel_loop3A_441 = tpu.vector_load_idx %parallel_loop3A_440[%add3A_13, %parallel_loop3A_411] : memref<128x32xf32, #tpu.memory_space<vmem>>[vector<16xi32>, vector<16xi32>], vector<16xf32>,
        %parallel_loop3A_442 = arith.constant 1 : i32
        %parallel_loop3A_443 = arith.index_cast %parallel_loop3A_442 : i32 to index
        %parallel_loop3A_444 = arith.index_cast %parallel_loop3A_408 : i32 to index
        %parallel_loop3A_445 = arith.index_cast %parallel_loop3A_410 : i32 to index
        %parallel_loop3A_446 = arith.constant 32 : index
        %parallel_loop3A_447 = tpu.vector_load %arg7[%parallel_loop3A_443, %parallel_loop3A_444, %parallel_loop3A_445, %parallel_loop3A_446] {strides = array<i32>} : memref<2x4x8x128xf32, #tpu.memory_space<vmem>>, vector<16xf32>,
        tpu.vector_store %arg7[%parallel_loop3A_443, %parallel_loop3A_444, %parallel_loop3A_445, %parallel_loop3A_446], %parallel_loop3A_441 {strides = array<i32>} : memref<2x4x8x128xf32, #tpu.memory_space<vmem>>, vector<16xf32>,
        %parallel_loop3A_448 = arith.constant 1 : i32
        %parallel_loop3A_449 = arith.constant 0 : i32
        %parallel_loop3A_450 = arith.constant 0 : i32
        %parallel_loop3A_451 = tpu.memref_slice %arg6[%parallel_loop3A_448, %parallel_loop3A_449, %parallel_loop3A_450] : memref<4x128x32xf32, #tpu.memory_space<vmem>> -> memref<1x128x32xf32, #tpu.memory_space<vmem>>
        %parallel_loop3A_452 = tpu.memref_squeeze %parallel_loop3A_451 : memref<1x128x32xf32, #tpu.memory_space<vmem>> -> memref<128x32xf32, #tpu.memory_space<vmem>>
        %parallel_loop3A_453 = tpu.vector_load_idx %parallel_loop3A_452[%add3A_16, %parallel_loop3A_411] : memref<128x32xf32, #tpu.memory_space<vmem>>[vector<16xi32>, vector<16xi32>], vector<16xf32>,
        %parallel_loop3A_454 = arith.constant 1 : i32
        %parallel_loop3A_455 = arith.index_cast %parallel_loop3A_454 : i32 to index
        %parallel_loop3A_456 = arith.index_cast %parallel_loop3A_408 : i32 to index
        %parallel_loop3A_457 = arith.index_cast %parallel_loop3A_410 : i32 to index
        %parallel_loop3A_458 = arith.constant 48 : index
        %parallel_loop3A_459 = tpu.vector_load %arg7[%parallel_loop3A_455, %parallel_loop3A_456, %parallel_loop3A_457, %parallel_loop3A_458] {strides = array<i32>} : memref<2x4x8x128xf32, #tpu.memory_space<vmem>>, vector<16xf32>,
        tpu.vector_store %arg7[%parallel_loop3A_455, %parallel_loop3A_456, %parallel_loop3A_457, %parallel_loop3A_458], %parallel_loop3A_453 {strides = array<i32>} : memref<2x4x8x128xf32, #tpu.memory_space<vmem>>, vector<16xf32>,
        %parallel_loop3A_460 = arith.constant 1 : i32
        %parallel_loop3A_461 = arith.constant 0 : i32
        %parallel_loop3A_462 = arith.constant 0 : i32
        %parallel_loop3A_463 = tpu.memref_slice %arg6[%parallel_loop3A_460, %parallel_loop3A_461, %parallel_loop3A_462] : memref<4x128x32xf32, #tpu.memory_space<vmem>> -> memref<1x128x32xf32, #tpu.memory_space<vmem>>
        %parallel_loop3A_464 = tpu.memref_squeeze %parallel_loop3A_463 : memref<1x128x32xf32, #tpu.memory_space<vmem>> -> memref<128x32xf32, #tpu.memory_space<vmem>>
        %parallel_loop3A_465 = tpu.vector_load_idx %parallel_loop3A_464[%add3A_19, %parallel_loop3A_411] : memref<128x32xf32, #tpu.memory_space<vmem>>[vector<16xi32>, vector<16xi32>], vector<16xf32>,
        %parallel_loop3A_466 = arith.constant 1 : i32
        %parallel_loop3A_467 = arith.index_cast %parallel_loop3A_466 : i32 to index
        %parallel_loop3A_468 = arith.index_cast %parallel_loop3A_408 : i32 to index
        %parallel_loop3A_469 = arith.index_cast %parallel_loop3A_410 : i32 to index
        %parallel_loop3A_470 = arith.constant 64 : index
        %parallel_loop3A_471 = tpu.vector_load %arg7[%parallel_loop3A_467, %parallel_loop3A_468, %parallel_loop3A_469, %parallel_loop3A_470] {strides = array<i32>} : memref<2x4x8x128xf32, #tpu.memory_space<vmem>>, vector<16xf32>,
        tpu.vector_store %arg7[%parallel_loop3A_467, %parallel_loop3A_468, %parallel_loop3A_469, %parallel_loop3A_470], %parallel_loop3A_465 {strides = array<i32>} : memref<2x4x8x128xf32, #tpu.memory_space<vmem>>, vector<16xf32>,
        %parallel_loop3A_472 = arith.constant 1 : i32
        %parallel_loop3A_473 = arith.constant 0 : i32
        %parallel_loop3A_474 = arith.constant 0 : i32
        %parallel_loop3A_475 = tpu.memref_slice %arg6[%parallel_loop3A_472, %parallel_loop3A_473, %parallel_loop3A_474] : memref<4x128x32xf32, #tpu.memory_space<vmem>> -> memref<1x128x32xf32, #tpu.memory_space<vmem>>
        %parallel_loop3A_476 = tpu.memref_squeeze %parallel_loop3A_475 : memref<1x128x32xf32, #tpu.memory_space<vmem>> -> memref<128x32xf32, #tpu.memory_space<vmem>>
        %parallel_loop3A_477 = tpu.vector_load_idx %parallel_loop3A_476[%add3A_22, %parallel_loop3A_411] : memref<128x32xf32, #tpu.memory_space<vmem>>[vector<16xi32>, vector<16xi32>], vector<16xf32>,
        %parallel_loop3A_478 = arith.constant 1 : i32
        %parallel_loop3A_479 = arith.index_cast %parallel_loop3A_478 : i32 to index
        %parallel_loop3A_480 = arith.index_cast %parallel_loop3A_408 : i32 to index
        %parallel_loop3A_481 = arith.index_cast %parallel_loop3A_410 : i32 to index
        %parallel_loop3A_482 = arith.constant 80 : index
        %parallel_loop3A_483 = tpu.vector_load %arg7[%parallel_loop3A_479, %parallel_loop3A_480, %parallel_loop3A_481, %parallel_loop3A_482] {strides = array<i32>} : memref<2x4x8x128xf32, #tpu.memory_space<vmem>>, vector<16xf32>,
        tpu.vector_store %arg7[%parallel_loop3A_479, %parallel_loop3A_480, %parallel_loop3A_481, %parallel_loop3A_482], %parallel_loop3A_477 {strides = array<i32>} : memref<2x4x8x128xf32, #tpu.memory_space<vmem>>, vector<16xf32>,
        %parallel_loop3A_484 = arith.constant 1 : i32
        %parallel_loop3A_485 = arith.constant 0 : i32
        %parallel_loop3A_486 = arith.constant 0 : i32
        %parallel_loop3A_487 = tpu.memref_slice %arg6[%parallel_loop3A_484, %parallel_loop3A_485, %parallel_loop3A_486] : memref<4x128x32xf32, #tpu.memory_space<vmem>> -> memref<1x128x32xf32, #tpu.memory_space<vmem>>
        %parallel_loop3A_488 = tpu.memref_squeeze %parallel_loop3A_487 : memref<1x128x32xf32, #tpu.memory_space<vmem>> -> memref<128x32xf32, #tpu.memory_space<vmem>>
        %parallel_loop3A_489 = tpu.vector_load_idx %parallel_loop3A_488[%add3A_25, %parallel_loop3A_411] : memref<128x32xf32, #tpu.memory_space<vmem>>[vector<16xi32>, vector<16xi32>], vector<16xf32>,
        %parallel_loop3A_490 = arith.constant 1 : i32
        %parallel_loop3A_491 = arith.index_cast %parallel_loop3A_490 : i32 to index
        %parallel_loop3A_492 = arith.index_cast %parallel_loop3A_408 : i32 to index
        %parallel_loop3A_493 = arith.index_cast %parallel_loop3A_410 : i32 to index
        %parallel_loop3A_494 = arith.constant 96 : index
        %parallel_loop3A_495 = tpu.vector_load %arg7[%parallel_loop3A_491, %parallel_loop3A_492, %parallel_loop3A_493, %parallel_loop3A_494] {strides = array<i32>} : memref<2x4x8x128xf32, #tpu.memory_space<vmem>>, vector<16xf32>,
        tpu.vector_store %arg7[%parallel_loop3A_491, %parallel_loop3A_492, %parallel_loop3A_493, %parallel_loop3A_494], %parallel_loop3A_489 {strides = array<i32>} : memref<2x4x8x128xf32, #tpu.memory_space<vmem>>, vector<16xf32>,
        %parallel_loop3A_496 = arith.constant 1 : i32
        %parallel_loop3A_497 = arith.constant 0 : i32
        %parallel_loop3A_498 = arith.constant 0 : i32
        %parallel_loop3A_499 = tpu.memref_slice %arg6[%parallel_loop3A_496, %parallel_loop3A_497, %parallel_loop3A_498] : memref<4x128x32xf32, #tpu.memory_space<vmem>> -> memref<1x128x32xf32, #tpu.memory_space<vmem>>
        %parallel_loop3A_500 = tpu.memref_squeeze %parallel_loop3A_499 : memref<1x128x32xf32, #tpu.memory_space<vmem>> -> memref<128x32xf32, #tpu.memory_space<vmem>>
        %parallel_loop3A_501 = tpu.vector_load_idx %parallel_loop3A_500[%add3A_28, %parallel_loop3A_411] : memref<128x32xf32, #tpu.memory_space<vmem>>[vector<16xi32>, vector<16xi32>], vector<16xf32>,
        %parallel_loop3A_502 = arith.constant 1 : i32
        %parallel_loop3A_503 = arith.index_cast %parallel_loop3A_502 : i32 to index
        %parallel_loop3A_504 = arith.index_cast %parallel_loop3A_408 : i32 to index
        %parallel_loop3A_505 = arith.index_cast %parallel_loop3A_410 : i32 to index
        %parallel_loop3A_506 = arith.constant 112 : index
        %parallel_loop3A_507 = tpu.vector_load %arg7[%parallel_loop3A_503, %parallel_loop3A_504, %parallel_loop3A_505, %parallel_loop3A_506] {strides = array<i32>} : memref<2x4x8x128xf32, #tpu.memory_space<vmem>>, vector<16xf32>,
        tpu.vector_store %arg7[%parallel_loop3A_503, %parallel_loop3A_504, %parallel_loop3A_505, %parallel_loop3A_506], %parallel_loop3A_501 {strides = array<i32>} : memref<2x4x8x128xf32, #tpu.memory_space<vmem>>, vector<16xf32>,
      } {sc.loop_unroll_factor = 16 : i64, sc.parallel_access}
      %shift_right_logical3A_232 = arith.constant 2 : i32
      %shift_right_logical3A_233 = arith.shrui %add3A_204, %shift_right_logical3A_232 : i32
      %and3A_234 = arith.constant 3 : i32
      %and3A_235 = arith.andi %add3A_204, %and3A_234 : i32
      %add3A_236 = arith.addi %mul3A_2, %and3A_235 : i32
      %dma_start3A_237 = arith.constant 1 : i32
      %dma_start3A_238 = arith.constant 0 : i32
      %dma_start3A_239 = arith.constant 0 : i32
      %dma_start3A_240 = arith.constant 0 : i32
      %dma_start3A_241 = tpu.memref_slice %arg7[%dma_start3A_237, %dma_start3A_238, %dma_start3A_239, %dma_start3A_240] : memref<2x4x8x128xf32, #tpu.memory_space<vmem>> -> memref<1x4x8x128xf32, #tpu.memory_space<vmem>>
      %dma_start3A_242 = tpu.memref_squeeze %dma_start3A_241 : memref<1x4x8x128xf32, #tpu.memory_space<vmem>> -> memref<4x8x128xf32, #tpu.memory_space<vmem>>
      %dma_start3A_243 = arith.constant 0 : i32
      %dma_start3A_244 = arith.constant 0 : i32
      %dma_start3A_245 = arith.constant 0 : i32
      %dma_start3A_246 = tpu.memref_slice %arg4[%shift_right_logical3A_233, %dma_start3A_243, %add3A_236, %dma_start3A_244, %dma_start3A_245] : memref<50x4x128x8x128xf32, #tpu.memory_space<hbm>> -> memref<1x4x1x8x128xf32, #tpu.memory_space<hbm>>
      %dma_start3A_247 = tpu.memref_squeeze %dma_start3A_246 : memref<1x4x1x8x128xf32, #tpu.memory_space<hbm>> -> memref<4x8x128xf32, #tpu.memory_space<hbm>>
      %dma_start3A_248 = arith.constant 0 : i32
      %dma_start3A_249 = arith.constant 0 : i32
      %dma_start3A_250 = arith.constant 0 : i32
      %dma_start3A_251 = tpu.memref_slice %arg4[%shift_right_logical3A_233, %dma_start3A_248, %add3A_236, %dma_start3A_249, %dma_start3A_250] : memref<50x4x128x8x128xf32, #tpu.memory_space<hbm>> -> memref<1x4x1x8x128xf32, #tpu.memory_space<hbm>>
      %dma_start3A_252 = tpu.memref_squeeze %dma_start3A_251 : memref<1x4x1x8x128xf32, #tpu.memory_space<hbm>> -> memref<4x8x128xf32, #tpu.memory_space<hbm>>
      %dma_start3A_253 = arith.constant 0 : i32
      %dma_start3A_254 = arith.constant 0 : i32
      %dma_start3A_255 = arith.constant 0 : i32
      %dma_start3A_256 = tpu.memref_slice %arg7[%dma_start3A_237, %dma_start3A_253, %dma_start3A_254, %dma_start3A_255] : memref<2x4x8x128xf32, #tpu.memory_space<vmem>> -> memref<1x4x8x128xf32, #tpu.memory_space<vmem>>
      %dma_start3A_257 = tpu.memref_squeeze %dma_start3A_256 : memref<1x4x8x128xf32, #tpu.memory_space<vmem>> -> memref<4x8x128xf32, #tpu.memory_space<vmem>>
      tpu.enqueue_dma source(%dma_start3A_257 : memref<4x8x128xf32, #tpu.memory_space<vmem>>) target(%dma_start3A_252 : memref<4x8x128xf32, #tpu.memory_space<hbm>>) target_semaphore(%arg13 : memref<!tpu.dma_semaphore, #tpu.memory_space<semaphore_mem>>)
      %add3A_258 = arith.constant 2 : i32
      %add3A_259 = arith.addi %multiple_of3A_136, %add3A_258 : i32
      %dma_wait3A_260 = arith.constant 2 : i32
      %dma_wait3A_261 = arith.constant 0 : i32
      %dma_wait3A_262 = arith.constant 0 : i32
      %dma_wait3A_263 = tpu.memref_slice %arg6[%dma_wait3A_260, %dma_wait3A_261, %dma_wait3A_262] : memref<4x128x32xf32, #tpu.memory_space<vmem>> -> memref<1x128x32xf32, #tpu.memory_space<vmem>>
      %dma_wait3A_264 = tpu.memref_squeeze %dma_wait3A_263 : memref<1x128x32xf32, #tpu.memory_space<vmem>> -> memref<128x32xf32, #tpu.memory_space<vmem>>
      %dma_wait3A_265 = arith.constant 0 : i32
      %dma_wait3A_266 = arith.constant 0 : i32
      %dma_wait3A_267 = tpu.memref_slice %arg3[%dma_wait3A_265, %dma_wait3A_266] : memref<1000000x32xf32, #tpu.memory_space<hbm>> -> memref<128x32xf32, #tpu.memory_space<hbm>>
      %dma_wait3A_268 = arith.constant 0 : i32
      %dma_wait3A_269 = arith.constant 0 : i32
      %dma_wait3A_270 = tpu.memref_slice %arg6[%dma_wait3A_260, %dma_wait3A_268, %dma_wait3A_269] : memref<4x128x32xf32, #tpu.memory_space<vmem>> -> memref<1x128x32xf32, #tpu.memory_space<vmem>>
      %dma_wait3A_271 = tpu.memref_squeeze %dma_wait3A_270 : memref<1x128x32xf32, #tpu.memory_space<vmem>> -> memref<128x32xf32, #tpu.memory_space<vmem>>
      %dma_wait3A_272 = arith.constant 0 : i32
      %dma_wait3A_273 = arith.constant 0 : i32
      %dma_wait3A_274 = tpu.memref_slice %arg3[%dma_wait3A_272, %dma_wait3A_273] : memref<1000000x32xf32, #tpu.memory_space<hbm>> -> memref<128x32xf32, #tpu.memory_space<hbm>>
      tpu.wait_dma2 semaphore(%arg10 : memref<!tpu.dma_semaphore, #tpu.memory_space<semaphore_mem>>) src(%dma_wait3A_274 : memref<128x32xf32, #tpu.memory_space<hbm>>) dst(%dma_wait3A_271 : memref<128x32xf32, #tpu.memory_space<vmem>>)
      %le3A_275 = arith.constant 48 : i32
      %le3A_276 = arith.cmpi sle, %scan3A_133, %le3A_275 : i32
      %convert_element_type3A_277 = arith.extui %le3A_276 : i1 to i32
      %cond3A_278 = arith.constant 0 : i32
      %cond3A_279 = arith.cmpi ne, %convert_element_type3A_277, %cond3A_278 : i32
      scf.if %cond3A_279 {
        %add3A_406 = arith.constant 3 : i32
        %add3A_407 = arith.addi %add3A_259, %add3A_406 : i32
        %shift_right_logical3A_408 = arith.constant 2 : i32
        %shift_right_logical3A_409 = arith.shrui %add3A_407, %shift_right_logical3A_408 : i32
        %and3A_410 = arith.constant 3 : i32
        %and3A_411 = arith.andi %add3A_407, %and3A_410 : i32
        %mul3A_412 = arith.constant 128 : i32
        %mul3A_413 = arith.muli %and3A_411, %mul3A_412 : i32
        %multiple_of3A_414 = tpu.assume_multiple %mul3A_413, 128 : i32
        %dma_start3A_415 = arith.constant 1 : i32
        %dma_start3A_416 = arith.constant 0 : i32
        %dma_start3A_417 = arith.constant 0 : i32
        %dma_start3A_418 = tpu.memref_slice %arg6[%dma_start3A_415, %dma_start3A_416, %dma_start3A_417] : memref<4x128x32xf32, #tpu.memory_space<vmem>> -> memref<1x128x32xf32, #tpu.memory_space<vmem>>
        %dma_start3A_419 = tpu.memref_squeeze %dma_start3A_418 : memref<1x128x32xf32, #tpu.memory_space<vmem>> -> memref<128x32xf32, #tpu.memory_space<vmem>>
        %dma_start3A_420 = tpu.memref_slice %arg5[%shift_right_logical3A_409, %multiple_of3A_414] : memref<50x512xi32, #tpu.memory_space<vmem>> -> memref<1x128xi32, #tpu.memory_space<vmem>>
        %dma_start3A_421 = tpu.memref_squeeze %dma_start3A_420 : memref<1x128xi32, #tpu.memory_space<vmem>> -> memref<128xi32, #tpu.memory_space<vmem>>
        %dma_start3A_422 = arith.constant 0 : i32
        %dma_start3A_423 = arith.constant 0 : i32
        %dma_start3A_424 = tpu.memref_slice %arg3[%dma_start3A_422, %dma_start3A_423] : memref<1000000x32xf32, #tpu.memory_space<hbm>> -> memref<1000000x32xf32, #tpu.memory_space<hbm>>
        tpu.enqueue_indirect_dma source(%dma_start3A_424 : memref<1000000x32xf32, #tpu.memory_space<hbm>>) target(%dma_start3A_419 : memref<128x32xf32, #tpu.memory_space<vmem>>) offsets(%dma_start3A_421 : memref<128xi32, #tpu.memory_space<vmem>>) semaphore(%arg9 : memref<!tpu.dma_semaphore, #tpu.memory_space<semaphore_mem>>)
      } else {
      }
      %dma_wait3A_280 = arith.constant 0 : i32
      %dma_wait3A_281 = arith.constant 0 : i32
      %dma_wait3A_282 = arith.constant 0 : i32
      %dma_wait3A_283 = arith.constant 0 : i32
      %dma_wait3A_284 = arith.constant 0 : i32
      %dma_wait3A_285 = arith.constant 0 : i32
      %dma_wait3A_286 = tpu.memref_slice %arg7[%dma_wait3A_280, %dma_wait3A_283, %dma_wait3A_284, %dma_wait3A_285] : memref<2x4x8x128xf32, #tpu.memory_space<vmem>> -> memref<1x4x8x128xf32, #tpu.memory_space<vmem>>
      %dma_wait3A_287 = tpu.memref_squeeze %dma_wait3A_286 : memref<1x4x8x128xf32, #tpu.memory_space<vmem>> -> memref<4x8x128xf32, #tpu.memory_space<vmem>>
      %dma_wait3A_288 = arith.constant 0 : i32
      %dma_wait3A_289 = arith.constant 0 : i32
      %dma_wait3A_290 = arith.constant 0 : i32
      %dma_wait3A_291 = tpu.memref_slice %arg4[%dma_wait3A_281, %dma_wait3A_288, %dma_wait3A_282, %dma_wait3A_289, %dma_wait3A_290] : memref<50x4x128x8x128xf32, #tpu.memory_space<hbm>> -> memref<1x4x1x8x128xf32, #tpu.memory_space<hbm>>
      %dma_wait3A_292 = tpu.memref_squeeze %dma_wait3A_291 : memref<1x4x1x8x128xf32, #tpu.memory_space<hbm>> -> memref<4x8x128xf32, #tpu.memory_space<hbm>>
      %dma_wait3A_293 = arith.constant 0 : i32
      %dma_wait3A_294 = arith.constant 0 : i32
      %dma_wait3A_295 = arith.constant 0 : i32
      %dma_wait3A_296 = tpu.memref_slice %arg4[%dma_wait3A_281, %dma_wait3A_293, %dma_wait3A_282, %dma_wait3A_294, %dma_wait3A_295] : memref<50x4x128x8x128xf32, #tpu.memory_space<hbm>> -> memref<1x4x1x8x128xf32, #tpu.memory_space<hbm>>
      %dma_wait3A_297 = tpu.memref_squeeze %dma_wait3A_296 : memref<1x4x1x8x128xf32, #tpu.memory_space<hbm>> -> memref<4x8x128xf32, #tpu.memory_space<hbm>>
      %dma_wait3A_298 = arith.constant 0 : i32
      %dma_wait3A_299 = arith.constant 0 : i32
      %dma_wait3A_300 = arith.constant 0 : i32
      %dma_wait3A_301 = tpu.memref_slice %arg7[%dma_wait3A_280, %dma_wait3A_298, %dma_wait3A_299, %dma_wait3A_300] : memref<2x4x8x128xf32, #tpu.memory_space<vmem>> -> memref<1x4x8x128xf32, #tpu.memory_space<vmem>>
      %dma_wait3A_302 = tpu.memref_squeeze %dma_wait3A_301 : memref<1x4x8x128xf32, #tpu.memory_space<vmem>> -> memref<4x8x128xf32, #tpu.memory_space<vmem>>
      tpu.wait_dma2 semaphore(%arg12 : memref<!tpu.dma_semaphore, #tpu.memory_space<semaphore_mem>>) src(%dma_wait3A_302 : memref<4x8x128xf32, #tpu.memory_space<vmem>>) dst(%dma_wait3A_297 : memref<4x8x128xf32, #tpu.memory_space<hbm>>)
      %parallel_loop3A_303 = arith.constant 0 : i32
      %parallel_loop3A_304 = arith.constant 32 : i32
      %parallel_loop3A_305 = arith.constant 1 : i32
      scf.for %parallel_loop3A_406 = %parallel_loop3A_303 to %parallel_loop3A_304 step %parallel_loop3A_305  : i32 {
        %parallel_loop3A_407 = arith.constant 3 : i32
        %parallel_loop3A_408 = arith.shrui %parallel_loop3A_406, %parallel_loop3A_407 : i32
        %parallel_loop3A_409 = arith.constant 7 : i32
        %parallel_loop3A_410 = arith.andi %parallel_loop3A_406, %parallel_loop3A_409 : i32
        %parallel_loop3A_411 = vector.broadcast %parallel_loop3A_406 : i32 to vector<16xi32>
        %parallel_loop3A_412 = arith.constant 2 : i32
        %parallel_loop3A_413 = arith.constant 0 : i32
        %parallel_loop3A_414 = arith.constant 0 : i32
        %parallel_loop3A_415 = tpu.memref_slice %arg6[%parallel_loop3A_412, %parallel_loop3A_413, %parallel_loop3A_414] : memref<4x128x32xf32, #tpu.memory_space<vmem>> -> memref<1x128x32xf32, #tpu.memory_space<vmem>>
        %parallel_loop3A_416 = tpu.memref_squeeze %parallel_loop3A_415 : memref<1x128x32xf32, #tpu.memory_space<vmem>> -> memref<128x32xf32, #tpu.memory_space<vmem>>
        %parallel_loop3A_417 = tpu.vector_load_idx %parallel_loop3A_416[%add3A_7, %parallel_loop3A_411] : memref<128x32xf32, #tpu.memory_space<vmem>>[vector<16xi32>, vector<16xi32>], vector<16xf32>,
        %parallel_loop3A_418 = arith.constant 0 : i32
        %parallel_loop3A_419 = arith.index_cast %parallel_loop3A_418 : i32 to index
        %parallel_loop3A_420 = arith.index_cast %parallel_loop3A_408 : i32 to index
        %parallel_loop3A_421 = arith.index_cast %parallel_loop3A_410 : i32 to index
        %parallel_loop3A_422 = arith.constant 0 : index
        %parallel_loop3A_423 = tpu.vector_load %arg7[%parallel_loop3A_419, %parallel_loop3A_420, %parallel_loop3A_421, %parallel_loop3A_422] {strides = array<i32>} : memref<2x4x8x128xf32, #tpu.memory_space<vmem>>, vector<16xf32>,
        tpu.vector_store %arg7[%parallel_loop3A_419, %parallel_loop3A_420, %parallel_loop3A_421, %parallel_loop3A_422], %parallel_loop3A_417 {strides = array<i32>} : memref<2x4x8x128xf32, #tpu.memory_space<vmem>>, vector<16xf32>,
        %parallel_loop3A_424 = arith.constant 2 : i32
        %parallel_loop3A_425 = arith.constant 0 : i32
        %parallel_loop3A_426 = arith.constant 0 : i32
        %parallel_loop3A_427 = tpu.memref_slice %arg6[%parallel_loop3A_424, %parallel_loop3A_425, %parallel_loop3A_426] : memref<4x128x32xf32, #tpu.memory_space<vmem>> -> memref<1x128x32xf32, #tpu.memory_space<vmem>>
        %parallel_loop3A_428 = tpu.memref_squeeze %parallel_loop3A_427 : memref<1x128x32xf32, #tpu.memory_space<vmem>> -> memref<128x32xf32, #tpu.memory_space<vmem>>
        %parallel_loop3A_429 = tpu.vector_load_idx %parallel_loop3A_428[%add3A_10, %parallel_loop3A_411] : memref<128x32xf32, #tpu.memory_space<vmem>>[vector<16xi32>, vector<16xi32>], vector<16xf32>,
        %parallel_loop3A_430 = arith.constant 0 : i32
        %parallel_loop3A_431 = arith.index_cast %parallel_loop3A_430 : i32 to index
        %parallel_loop3A_432 = arith.index_cast %parallel_loop3A_408 : i32 to index
        %parallel_loop3A_433 = arith.index_cast %parallel_loop3A_410 : i32 to index
        %parallel_loop3A_434 = arith.constant 16 : index
        %parallel_loop3A_435 = tpu.vector_load %arg7[%parallel_loop3A_431, %parallel_loop3A_432, %parallel_loop3A_433, %parallel_loop3A_434] {strides = array<i32>} : memref<2x4x8x128xf32, #tpu.memory_space<vmem>>, vector<16xf32>,
        tpu.vector_store %arg7[%parallel_loop3A_431, %parallel_loop3A_432, %parallel_loop3A_433, %parallel_loop3A_434], %parallel_loop3A_429 {strides = array<i32>} : memref<2x4x8x128xf32, #tpu.memory_space<vmem>>, vector<16xf32>,
        %parallel_loop3A_436 = arith.constant 2 : i32
        %parallel_loop3A_437 = arith.constant 0 : i32
        %parallel_loop3A_438 = arith.constant 0 : i32
        %parallel_loop3A_439 = tpu.memref_slice %arg6[%parallel_loop3A_436, %parallel_loop3A_437, %parallel_loop3A_438] : memref<4x128x32xf32, #tpu.memory_space<vmem>> -> memref<1x128x32xf32, #tpu.memory_space<vmem>>
        %parallel_loop3A_440 = tpu.memref_squeeze %parallel_loop3A_439 : memref<1x128x32xf32, #tpu.memory_space<vmem>> -> memref<128x32xf32, #tpu.memory_space<vmem>>
        %parallel_loop3A_441 = tpu.vector_load_idx %parallel_loop3A_440[%add3A_13, %parallel_loop3A_411] : memref<128x32xf32, #tpu.memory_space<vmem>>[vector<16xi32>, vector<16xi32>], vector<16xf32>,
        %parallel_loop3A_442 = arith.constant 0 : i32
        %parallel_loop3A_443 = arith.index_cast %parallel_loop3A_442 : i32 to index
        %parallel_loop3A_444 = arith.index_cast %parallel_loop3A_408 : i32 to index
        %parallel_loop3A_445 = arith.index_cast %parallel_loop3A_410 : i32 to index
        %parallel_loop3A_446 = arith.constant 32 : index
        %parallel_loop3A_447 = tpu.vector_load %arg7[%parallel_loop3A_443, %parallel_loop3A_444, %parallel_loop3A_445, %parallel_loop3A_446] {strides = array<i32>} : memref<2x4x8x128xf32, #tpu.memory_space<vmem>>, vector<16xf32>,
        tpu.vector_store %arg7[%parallel_loop3A_443, %parallel_loop3A_444, %parallel_loop3A_445, %parallel_loop3A_446], %parallel_loop3A_441 {strides = array<i32>} : memref<2x4x8x128xf32, #tpu.memory_space<vmem>>, vector<16xf32>,
        %parallel_loop3A_448 = arith.constant 2 : i32
        %parallel_loop3A_449 = arith.constant 0 : i32
        %parallel_loop3A_450 = arith.constant 0 : i32
        %parallel_loop3A_451 = tpu.memref_slice %arg6[%parallel_loop3A_448, %parallel_loop3A_449, %parallel_loop3A_450] : memref<4x128x32xf32, #tpu.memory_space<vmem>> -> memref<1x128x32xf32, #tpu.memory_space<vmem>>
        %parallel_loop3A_452 = tpu.memref_squeeze %parallel_loop3A_451 : memref<1x128x32xf32, #tpu.memory_space<vmem>> -> memref<128x32xf32, #tpu.memory_space<vmem>>
        %parallel_loop3A_453 = tpu.vector_load_idx %parallel_loop3A_452[%add3A_16, %parallel_loop3A_411] : memref<128x32xf32, #tpu.memory_space<vmem>>[vector<16xi32>, vector<16xi32>], vector<16xf32>,
        %parallel_loop3A_454 = arith.constant 0 : i32
        %parallel_loop3A_455 = arith.index_cast %parallel_loop3A_454 : i32 to index
        %parallel_loop3A_456 = arith.index_cast %parallel_loop3A_408 : i32 to index
        %parallel_loop3A_457 = arith.index_cast %parallel_loop3A_410 : i32 to index
        %parallel_loop3A_458 = arith.constant 48 : index
        %parallel_loop3A_459 = tpu.vector_load %arg7[%parallel_loop3A_455, %parallel_loop3A_456, %parallel_loop3A_457, %parallel_loop3A_458] {strides = array<i32>} : memref<2x4x8x128xf32, #tpu.memory_space<vmem>>, vector<16xf32>,
        tpu.vector_store %arg7[%parallel_loop3A_455, %parallel_loop3A_456, %parallel_loop3A_457, %parallel_loop3A_458], %parallel_loop3A_453 {strides = array<i32>} : memref<2x4x8x128xf32, #tpu.memory_space<vmem>>, vector<16xf32>,
        %parallel_loop3A_460 = arith.constant 2 : i32
        %parallel_loop3A_461 = arith.constant 0 : i32
        %parallel_loop3A_462 = arith.constant 0 : i32
        %parallel_loop3A_463 = tpu.memref_slice %arg6[%parallel_loop3A_460, %parallel_loop3A_461, %parallel_loop3A_462] : memref<4x128x32xf32, #tpu.memory_space<vmem>> -> memref<1x128x32xf32, #tpu.memory_space<vmem>>
        %parallel_loop3A_464 = tpu.memref_squeeze %parallel_loop3A_463 : memref<1x128x32xf32, #tpu.memory_space<vmem>> -> memref<128x32xf32, #tpu.memory_space<vmem>>
        %parallel_loop3A_465 = tpu.vector_load_idx %parallel_loop3A_464[%add3A_19, %parallel_loop3A_411] : memref<128x32xf32, #tpu.memory_space<vmem>>[vector<16xi32>, vector<16xi32>], vector<16xf32>,
        %parallel_loop3A_466 = arith.constant 0 : i32
        %parallel_loop3A_467 = arith.index_cast %parallel_loop3A_466 : i32 to index
        %parallel_loop3A_468 = arith.index_cast %parallel_loop3A_408 : i32 to index
        %parallel_loop3A_469 = arith.index_cast %parallel_loop3A_410 : i32 to index
        %parallel_loop3A_470 = arith.constant 64 : index
        %parallel_loop3A_471 = tpu.vector_load %arg7[%parallel_loop3A_467, %parallel_loop3A_468, %parallel_loop3A_469, %parallel_loop3A_470] {strides = array<i32>} : memref<2x4x8x128xf32, #tpu.memory_space<vmem>>, vector<16xf32>,
        tpu.vector_store %arg7[%parallel_loop3A_467, %parallel_loop3A_468, %parallel_loop3A_469, %parallel_loop3A_470], %parallel_loop3A_465 {strides = array<i32>} : memref<2x4x8x128xf32, #tpu.memory_space<vmem>>, vector<16xf32>,
        %parallel_loop3A_472 = arith.constant 2 : i32
        %parallel_loop3A_473 = arith.constant 0 : i32
        %parallel_loop3A_474 = arith.constant 0 : i32
        %parallel_loop3A_475 = tpu.memref_slice %arg6[%parallel_loop3A_472, %parallel_loop3A_473, %parallel_loop3A_474] : memref<4x128x32xf32, #tpu.memory_space<vmem>> -> memref<1x128x32xf32, #tpu.memory_space<vmem>>
        %parallel_loop3A_476 = tpu.memref_squeeze %parallel_loop3A_475 : memref<1x128x32xf32, #tpu.memory_space<vmem>> -> memref<128x32xf32, #tpu.memory_space<vmem>>
        %parallel_loop3A_477 = tpu.vector_load_idx %parallel_loop3A_476[%add3A_22, %parallel_loop3A_411] : memref<128x32xf32, #tpu.memory_space<vmem>>[vector<16xi32>, vector<16xi32>], vector<16xf32>,
        %parallel_loop3A_478 = arith.constant 0 : i32
        %parallel_loop3A_479 = arith.index_cast %parallel_loop3A_478 : i32 to index
        %parallel_loop3A_480 = arith.index_cast %parallel_loop3A_408 : i32 to index
        %parallel_loop3A_481 = arith.index_cast %parallel_loop3A_410 : i32 to index
        %parallel_loop3A_482 = arith.constant 80 : index
        %parallel_loop3A_483 = tpu.vector_load %arg7[%parallel_loop3A_479, %parallel_loop3A_480, %parallel_loop3A_481, %parallel_loop3A_482] {strides = array<i32>} : memref<2x4x8x128xf32, #tpu.memory_space<vmem>>, vector<16xf32>,
        tpu.vector_store %arg7[%parallel_loop3A_479, %parallel_loop3A_480, %parallel_loop3A_481, %parallel_loop3A_482], %parallel_loop3A_477 {strides = array<i32>} : memref<2x4x8x128xf32, #tpu.memory_space<vmem>>, vector<16xf32>,
        %parallel_loop3A_484 = arith.constant 2 : i32
        %parallel_loop3A_485 = arith.constant 0 : i32
        %parallel_loop3A_486 = arith.constant 0 : i32
        %parallel_loop3A_487 = tpu.memref_slice %arg6[%parallel_loop3A_484, %parallel_loop3A_485, %parallel_loop3A_486] : memref<4x128x32xf32, #tpu.memory_space<vmem>> -> memref<1x128x32xf32, #tpu.memory_space<vmem>>
        %parallel_loop3A_488 = tpu.memref_squeeze %parallel_loop3A_487 : memref<1x128x32xf32, #tpu.memory_space<vmem>> -> memref<128x32xf32, #tpu.memory_space<vmem>>
        %parallel_loop3A_489 = tpu.vector_load_idx %parallel_loop3A_488[%add3A_25, %parallel_loop3A_411] : memref<128x32xf32, #tpu.memory_space<vmem>>[vector<16xi32>, vector<16xi32>], vector<16xf32>,
        %parallel_loop3A_490 = arith.constant 0 : i32
        %parallel_loop3A_491 = arith.index_cast %parallel_loop3A_490 : i32 to index
        %parallel_loop3A_492 = arith.index_cast %parallel_loop3A_408 : i32 to index
        %parallel_loop3A_493 = arith.index_cast %parallel_loop3A_410 : i32 to index
        %parallel_loop3A_494 = arith.constant 96 : index
        %parallel_loop3A_495 = tpu.vector_load %arg7[%parallel_loop3A_491, %parallel_loop3A_492, %parallel_loop3A_493, %parallel_loop3A_494] {strides = array<i32>} : memref<2x4x8x128xf32, #tpu.memory_space<vmem>>, vector<16xf32>,
        tpu.vector_store %arg7[%parallel_loop3A_491, %parallel_loop3A_492, %parallel_loop3A_493, %parallel_loop3A_494], %parallel_loop3A_489 {strides = array<i32>} : memref<2x4x8x128xf32, #tpu.memory_space<vmem>>, vector<16xf32>,
        %parallel_loop3A_496 = arith.constant 2 : i32
        %parallel_loop3A_497 = arith.constant 0 : i32
        %parallel_loop3A_498 = arith.constant 0 : i32
        %parallel_loop3A_499 = tpu.memref_slice %arg6[%parallel_loop3A_496, %parallel_loop3A_497, %parallel_loop3A_498] : memref<4x128x32xf32, #tpu.memory_space<vmem>> -> memref<1x128x32xf32, #tpu.memory_space<vmem>>
        %parallel_loop3A_500 = tpu.memref_squeeze %parallel_loop3A_499 : memref<1x128x32xf32, #tpu.memory_space<vmem>> -> memref<128x32xf32, #tpu.memory_space<vmem>>
        %parallel_loop3A_501 = tpu.vector_load_idx %parallel_loop3A_500[%add3A_28, %parallel_loop3A_411] : memref<128x32xf32, #tpu.memory_space<vmem>>[vector<16xi32>, vector<16xi32>], vector<16xf32>,
        %parallel_loop3A_502 = arith.constant 0 : i32
        %parallel_loop3A_503 = arith.index_cast %parallel_loop3A_502 : i32 to index
        %parallel_loop3A_504 = arith.index_cast %parallel_loop3A_408 : i32 to index
        %parallel_loop3A_505 = arith.index_cast %parallel_loop3A_410 : i32 to index
        %parallel_loop3A_506 = arith.constant 112 : index
        %parallel_loop3A_507 = tpu.vector_load %arg7[%parallel_loop3A_503, %parallel_loop3A_504, %parallel_loop3A_505, %parallel_loop3A_506] {strides = array<i32>} : memref<2x4x8x128xf32, #tpu.memory_space<vmem>>, vector<16xf32>,
        tpu.vector_store %arg7[%parallel_loop3A_503, %parallel_loop3A_504, %parallel_loop3A_505, %parallel_loop3A_506], %parallel_loop3A_501 {strides = array<i32>} : memref<2x4x8x128xf32, #tpu.memory_space<vmem>>, vector<16xf32>,
      } {sc.loop_unroll_factor = 16 : i64, sc.parallel_access}
      %shift_right_logical3A_306 = arith.constant 2 : i32
      %shift_right_logical3A_307 = arith.shrui %add3A_259, %shift_right_logical3A_306 : i32
      %and3A_308 = arith.constant 3 : i32
      %and3A_309 = arith.andi %add3A_259, %and3A_308 : i32
      %add3A_310 = arith.addi %mul3A_2, %and3A_309 : i32
      %dma_start3A_311 = arith.constant 0 : i32
      %dma_start3A_312 = arith.constant 0 : i32
      %dma_start3A_313 = arith.constant 0 : i32
      %dma_start3A_314 = arith.constant 0 : i32
      %dma_start3A_315 = tpu.memref_slice %arg7[%dma_start3A_311, %dma_start3A_312, %dma_start3A_313, %dma_start3A_314] : memref<2x4x8x128xf32, #tpu.memory_space<vmem>> -> memref<1x4x8x128xf32, #tpu.memory_space<vmem>>
      %dma_start3A_316 = tpu.memref_squeeze %dma_start3A_315 : memref<1x4x8x128xf32, #tpu.memory_space<vmem>> -> memref<4x8x128xf32, #tpu.memory_space<vmem>>
      %dma_start3A_317 = arith.constant 0 : i32
      %dma_start3A_318 = arith.constant 0 : i32
      %dma_start3A_319 = arith.constant 0 : i32
      %dma_start3A_320 = tpu.memref_slice %arg4[%shift_right_logical3A_307, %dma_start3A_317, %add3A_310, %dma_start3A_318, %dma_start3A_319] : memref<50x4x128x8x128xf32, #tpu.memory_space<hbm>> -> memref<1x4x1x8x128xf32, #tpu.memory_space<hbm>>
      %dma_start3A_321 = tpu.memref_squeeze %dma_start3A_320 : memref<1x4x1x8x128xf32, #tpu.memory_space<hbm>> -> memref<4x8x128xf32, #tpu.memory_space<hbm>>
      %dma_start3A_322 = arith.constant 0 : i32
      %dma_start3A_323 = arith.constant 0 : i32
      %dma_start3A_324 = arith.constant 0 : i32
      %dma_start3A_325 = tpu.memref_slice %arg4[%shift_right_logical3A_307, %dma_start3A_322, %add3A_310, %dma_start3A_323, %dma_start3A_324] : memref<50x4x128x8x128xf32, #tpu.memory_space<hbm>> -> memref<1x4x1x8x128xf32, #tpu.memory_space<hbm>>
      %dma_start3A_326 = tpu.memref_squeeze %dma_start3A_325 : memref<1x4x1x8x128xf32, #tpu.memory_space<hbm>> -> memref<4x8x128xf32, #tpu.memory_space<hbm>>
      %dma_start3A_327 = arith.constant 0 : i32
      %dma_start3A_328 = arith.constant 0 : i32
      %dma_start3A_329 = arith.constant 0 : i32
      %dma_start3A_330 = tpu.memref_slice %arg7[%dma_start3A_311, %dma_start3A_327, %dma_start3A_328, %dma_start3A_329] : memref<2x4x8x128xf32, #tpu.memory_space<vmem>> -> memref<1x4x8x128xf32, #tpu.memory_space<vmem>>
      %dma_start3A_331 = tpu.memref_squeeze %dma_start3A_330 : memref<1x4x8x128xf32, #tpu.memory_space<vmem>> -> memref<4x8x128xf32, #tpu.memory_space<vmem>>
      tpu.enqueue_dma source(%dma_start3A_331 : memref<4x8x128xf32, #tpu.memory_space<vmem>>) target(%dma_start3A_326 : memref<4x8x128xf32, #tpu.memory_space<hbm>>) target_semaphore(%arg12 : memref<!tpu.dma_semaphore, #tpu.memory_space<semaphore_mem>>)
      %add3A_332 = arith.constant 3 : i32
      %add3A_333 = arith.addi %multiple_of3A_136, %add3A_332 : i32
      %dma_wait3A_334 = arith.constant 3 : i32
      %dma_wait3A_335 = arith.constant 0 : i32
      %dma_wait3A_336 = arith.constant 0 : i32
      %dma_wait3A_337 = tpu.memref_slice %arg6[%dma_wait3A_334, %dma_wait3A_335, %dma_wait3A_336] : memref<4x128x32xf32, #tpu.memory_space<vmem>> -> memref<1x128x32xf32, #tpu.memory_space<vmem>>
      %dma_wait3A_338 = tpu.memref_squeeze %dma_wait3A_337 : memref<1x128x32xf32, #tpu.memory_space<vmem>> -> memref<128x32xf32, #tpu.memory_space<vmem>>
      %dma_wait3A_339 = arith.constant 0 : i32
      %dma_wait3A_340 = arith.constant 0 : i32
      %dma_wait3A_341 = tpu.memref_slice %arg3[%dma_wait3A_339, %dma_wait3A_340] : memref<1000000x32xf32, #tpu.memory_space<hbm>> -> memref<128x32xf32, #tpu.memory_space<hbm>>
      %dma_wait3A_342 = arith.constant 0 : i32
      %dma_wait3A_343 = arith.constant 0 : i32
      %dma_wait3A_344 = tpu.memref_slice %arg6[%dma_wait3A_334, %dma_wait3A_342, %dma_wait3A_343] : memref<4x128x32xf32, #tpu.memory_space<vmem>> -> memref<1x128x32xf32, #tpu.memory_space<vmem>>
      %dma_wait3A_345 = tpu.memref_squeeze %dma_wait3A_344 : memref<1x128x32xf32, #tpu.memory_space<vmem>> -> memref<128x32xf32, #tpu.memory_space<vmem>>
      %dma_wait3A_346 = arith.constant 0 : i32
      %dma_wait3A_347 = arith.constant 0 : i32
      %dma_wait3A_348 = tpu.memref_slice %arg3[%dma_wait3A_346, %dma_wait3A_347] : memref<1000000x32xf32, #tpu.memory_space<hbm>> -> memref<128x32xf32, #tpu.memory_space<hbm>>
      tpu.wait_dma2 semaphore(%arg11 : memref<!tpu.dma_semaphore, #tpu.memory_space<semaphore_mem>>) src(%dma_wait3A_348 : memref<128x32xf32, #tpu.memory_space<hbm>>) dst(%dma_wait3A_345 : memref<128x32xf32, #tpu.memory_space<vmem>>)
      %le3A_349 = arith.constant 48 : i32
      %le3A_350 = arith.cmpi sle, %scan3A_133, %le3A_349 : i32
      %convert_element_type3A_351 = arith.extui %le3A_350 : i1 to i32
      %cond3A_352 = arith.constant 0 : i32
      %cond3A_353 = arith.cmpi ne, %convert_element_type3A_351, %cond3A_352 : i32
      scf.if %cond3A_353 {
        %add3A_406 = arith.constant 3 : i32
        %add3A_407 = arith.addi %add3A_333, %add3A_406 : i32
        %shift_right_logical3A_408 = arith.constant 2 : i32
        %shift_right_logical3A_409 = arith.shrui %add3A_407, %shift_right_logical3A_408 : i32
        %and3A_410 = arith.constant 3 : i32
        %and3A_411 = arith.andi %add3A_407, %and3A_410 : i32
        %mul3A_412 = arith.constant 128 : i32
        %mul3A_413 = arith.muli %and3A_411, %mul3A_412 : i32
        %multiple_of3A_414 = tpu.assume_multiple %mul3A_413, 128 : i32
        %dma_start3A_415 = arith.constant 2 : i32
        %dma_start3A_416 = arith.constant 0 : i32
        %dma_start3A_417 = arith.constant 0 : i32
        %dma_start3A_418 = tpu.memref_slice %arg6[%dma_start3A_415, %dma_start3A_416, %dma_start3A_417] : memref<4x128x32xf32, #tpu.memory_space<vmem>> -> memref<1x128x32xf32, #tpu.memory_space<vmem>>
        %dma_start3A_419 = tpu.memref_squeeze %dma_start3A_418 : memref<1x128x32xf32, #tpu.memory_space<vmem>> -> memref<128x32xf32, #tpu.memory_space<vmem>>
        %dma_start3A_420 = tpu.memref_slice %arg5[%shift_right_logical3A_409, %multiple_of3A_414] : memref<50x512xi32, #tpu.memory_space<vmem>> -> memref<1x128xi32, #tpu.memory_space<vmem>>
        %dma_start3A_421 = tpu.memref_squeeze %dma_start3A_420 : memref<1x128xi32, #tpu.memory_space<vmem>> -> memref<128xi32, #tpu.memory_space<vmem>>
        %dma_start3A_422 = arith.constant 0 : i32
        %dma_start3A_423 = arith.constant 0 : i32
        %dma_start3A_424 = tpu.memref_slice %arg3[%dma_start3A_422, %dma_start3A_423] : memref<1000000x32xf32, #tpu.memory_space<hbm>> -> memref<1000000x32xf32, #tpu.memory_space<hbm>>
        tpu.enqueue_indirect_dma source(%dma_start3A_424 : memref<1000000x32xf32, #tpu.memory_space<hbm>>) target(%dma_start3A_419 : memref<128x32xf32, #tpu.memory_space<vmem>>) offsets(%dma_start3A_421 : memref<128xi32, #tpu.memory_space<vmem>>) semaphore(%arg10 : memref<!tpu.dma_semaphore, #tpu.memory_space<semaphore_mem>>)
      } else {
      }
      %dma_wait3A_354 = arith.constant 1 : i32
      %dma_wait3A_355 = arith.constant 0 : i32
      %dma_wait3A_356 = arith.constant 0 : i32
      %dma_wait3A_357 = arith.constant 0 : i32
      %dma_wait3A_358 = arith.constant 0 : i32
      %dma_wait3A_359 = arith.constant 0 : i32
      %dma_wait3A_360 = tpu.memref_slice %arg7[%dma_wait3A_354, %dma_wait3A_357, %dma_wait3A_358, %dma_wait3A_359] : memref<2x4x8x128xf32, #tpu.memory_space<vmem>> -> memref<1x4x8x128xf32, #tpu.memory_space<vmem>>
      %dma_wait3A_361 = tpu.memref_squeeze %dma_wait3A_360 : memref<1x4x8x128xf32, #tpu.memory_space<vmem>> -> memref<4x8x128xf32, #tpu.memory_space<vmem>>
      %dma_wait3A_362 = arith.constant 0 : i32
      %dma_wait3A_363 = arith.constant 0 : i32
      %dma_wait3A_364 = arith.constant 0 : i32
      %dma_wait3A_365 = tpu.memref_slice %arg4[%dma_wait3A_355, %dma_wait3A_362, %dma_wait3A_356, %dma_wait3A_363, %dma_wait3A_364] : memref<50x4x128x8x128xf32, #tpu.memory_space<hbm>> -> memref<1x4x1x8x128xf32, #tpu.memory_space<hbm>>
      %dma_wait3A_366 = tpu.memref_squeeze %dma_wait3A_365 : memref<1x4x1x8x128xf32, #tpu.memory_space<hbm>> -> memref<4x8x128xf32, #tpu.memory_space<hbm>>
      %dma_wait3A_367 = arith.constant 0 : i32
      %dma_wait3A_368 = arith.constant 0 : i32
      %dma_wait3A_369 = arith.constant 0 : i32
      %dma_wait3A_370 = tpu.memref_slice %arg4[%dma_wait3A_355, %dma_wait3A_367, %dma_wait3A_356, %dma_wait3A_368, %dma_wait3A_369] : memref<50x4x128x8x128xf32, #tpu.memory_space<hbm>> -> memref<1x4x1x8x128xf32, #tpu.memory_space<hbm>>
      %dma_wait3A_371 = tpu.memref_squeeze %dma_wait3A_370 : memref<1x4x1x8x128xf32, #tpu.memory_space<hbm>> -> memref<4x8x128xf32, #tpu.memory_space<hbm>>
      %dma_wait3A_372 = arith.constant 0 : i32
      %dma_wait3A_373 = arith.constant 0 : i32
      %dma_wait3A_374 = arith.constant 0 : i32
      %dma_wait3A_375 = tpu.memref_slice %arg7[%dma_wait3A_354, %dma_wait3A_372, %dma_wait3A_373, %dma_wait3A_374] : memref<2x4x8x128xf32, #tpu.memory_space<vmem>> -> memref<1x4x8x128xf32, #tpu.memory_space<vmem>>
      %dma_wait3A_376 = tpu.memref_squeeze %dma_wait3A_375 : memref<1x4x8x128xf32, #tpu.memory_space<vmem>> -> memref<4x8x128xf32, #tpu.memory_space<vmem>>
      tpu.wait_dma2 semaphore(%arg13 : memref<!tpu.dma_semaphore, #tpu.memory_space<semaphore_mem>>) src(%dma_wait3A_376 : memref<4x8x128xf32, #tpu.memory_space<vmem>>) dst(%dma_wait3A_371 : memref<4x8x128xf32, #tpu.memory_space<hbm>>)
      %parallel_loop3A_377 = arith.constant 0 : i32
      %parallel_loop3A_378 = arith.constant 32 : i32
      %parallel_loop3A_379 = arith.constant 1 : i32
      scf.for %parallel_loop3A_406 = %parallel_loop3A_377 to %parallel_loop3A_378 step %parallel_loop3A_379  : i32 {
        %parallel_loop3A_407 = arith.constant 3 : i32
        %parallel_loop3A_408 = arith.shrui %parallel_loop3A_406, %parallel_loop3A_407 : i32
        %parallel_loop3A_409 = arith.constant 7 : i32
        %parallel_loop3A_410 = arith.andi %parallel_loop3A_406, %parallel_loop3A_409 : i32
        %parallel_loop3A_411 = vector.broadcast %parallel_loop3A_406 : i32 to vector<16xi32>
        %parallel_loop3A_412 = arith.constant 3 : i32
        %parallel_loop3A_413 = arith.constant 0 : i32
        %parallel_loop3A_414 = arith.constant 0 : i32
        %parallel_loop3A_415 = tpu.memref_slice %arg6[%parallel_loop3A_412, %parallel_loop3A_413, %parallel_loop3A_414] : memref<4x128x32xf32, #tpu.memory_space<vmem>> -> memref<1x128x32xf32, #tpu.memory_space<vmem>>
        %parallel_loop3A_416 = tpu.memref_squeeze %parallel_loop3A_415 : memref<1x128x32xf32, #tpu.memory_space<vmem>> -> memref<128x32xf32, #tpu.memory_space<vmem>>
        %parallel_loop3A_417 = tpu.vector_load_idx %parallel_loop3A_416[%add3A_7, %parallel_loop3A_411] : memref<128x32xf32, #tpu.memory_space<vmem>>[vector<16xi32>, vector<16xi32>], vector<16xf32>,
        %parallel_loop3A_418 = arith.constant 1 : i32
        %parallel_loop3A_419 = arith.index_cast %parallel_loop3A_418 : i32 to index
        %parallel_loop3A_420 = arith.index_cast %parallel_loop3A_408 : i32 to index
        %parallel_loop3A_421 = arith.index_cast %parallel_loop3A_410 : i32 to index
        %parallel_loop3A_422 = arith.constant 0 : index
        %parallel_loop3A_423 = tpu.vector_load %arg7[%parallel_loop3A_419, %parallel_loop3A_420, %parallel_loop3A_421, %parallel_loop3A_422] {strides = array<i32>} : memref<2x4x8x128xf32, #tpu.memory_space<vmem>>, vector<16xf32>,
        tpu.vector_store %arg7[%parallel_loop3A_419, %parallel_loop3A_420, %parallel_loop3A_421, %parallel_loop3A_422], %parallel_loop3A_417 {strides = array<i32>} : memref<2x4x8x128xf32, #tpu.memory_space<vmem>>, vector<16xf32>,
        %parallel_loop3A_424 = arith.constant 3 : i32
        %parallel_loop3A_425 = arith.constant 0 : i32
        %parallel_loop3A_426 = arith.constant 0 : i32
        %parallel_loop3A_427 = tpu.memref_slice %arg6[%parallel_loop3A_424, %parallel_loop3A_425, %parallel_loop3A_426] : memref<4x128x32xf32, #tpu.memory_space<vmem>> -> memref<1x128x32xf32, #tpu.memory_space<vmem>>
        %parallel_loop3A_428 = tpu.memref_squeeze %parallel_loop3A_427 : memref<1x128x32xf32, #tpu.memory_space<vmem>> -> memref<128x32xf32, #tpu.memory_space<vmem>>
        %parallel_loop3A_429 = tpu.vector_load_idx %parallel_loop3A_428[%add3A_10, %parallel_loop3A_411] : memref<128x32xf32, #tpu.memory_space<vmem>>[vector<16xi32>, vector<16xi32>], vector<16xf32>,
        %parallel_loop3A_430 = arith.constant 1 : i32
        %parallel_loop3A_431 = arith.index_cast %parallel_loop3A_430 : i32 to index
        %parallel_loop3A_432 = arith.index_cast %parallel_loop3A_408 : i32 to index
        %parallel_loop3A_433 = arith.index_cast %parallel_loop3A_410 : i32 to index
        %parallel_loop3A_434 = arith.constant 16 : index
        %parallel_loop3A_435 = tpu.vector_load %arg7[%parallel_loop3A_431, %parallel_loop3A_432, %parallel_loop3A_433, %parallel_loop3A_434] {strides = array<i32>} : memref<2x4x8x128xf32, #tpu.memory_space<vmem>>, vector<16xf32>,
        tpu.vector_store %arg7[%parallel_loop3A_431, %parallel_loop3A_432, %parallel_loop3A_433, %parallel_loop3A_434], %parallel_loop3A_429 {strides = array<i32>} : memref<2x4x8x128xf32, #tpu.memory_space<vmem>>, vector<16xf32>,
        %parallel_loop3A_436 = arith.constant 3 : i32
        %parallel_loop3A_437 = arith.constant 0 : i32
        %parallel_loop3A_438 = arith.constant 0 : i32
        %parallel_loop3A_439 = tpu.memref_slice %arg6[%parallel_loop3A_436, %parallel_loop3A_437, %parallel_loop3A_438] : memref<4x128x32xf32, #tpu.memory_space<vmem>> -> memref<1x128x32xf32, #tpu.memory_space<vmem>>
        %parallel_loop3A_440 = tpu.memref_squeeze %parallel_loop3A_439 : memref<1x128x32xf32, #tpu.memory_space<vmem>> -> memref<128x32xf32, #tpu.memory_space<vmem>>
        %parallel_loop3A_441 = tpu.vector_load_idx %parallel_loop3A_440[%add3A_13, %parallel_loop3A_411] : memref<128x32xf32, #tpu.memory_space<vmem>>[vector<16xi32>, vector<16xi32>], vector<16xf32>,
        %parallel_loop3A_442 = arith.constant 1 : i32
        %parallel_loop3A_443 = arith.index_cast %parallel_loop3A_442 : i32 to index
        %parallel_loop3A_444 = arith.index_cast %parallel_loop3A_408 : i32 to index
        %parallel_loop3A_445 = arith.index_cast %parallel_loop3A_410 : i32 to index
        %parallel_loop3A_446 = arith.constant 32 : index
        %parallel_loop3A_447 = tpu.vector_load %arg7[%parallel_loop3A_443, %parallel_loop3A_444, %parallel_loop3A_445, %parallel_loop3A_446] {strides = array<i32>} : memref<2x4x8x128xf32, #tpu.memory_space<vmem>>, vector<16xf32>,
        tpu.vector_store %arg7[%parallel_loop3A_443, %parallel_loop3A_444, %parallel_loop3A_445, %parallel_loop3A_446], %parallel_loop3A_441 {strides = array<i32>} : memref<2x4x8x128xf32, #tpu.memory_space<vmem>>, vector<16xf32>,
        %parallel_loop3A_448 = arith.constant 3 : i32
        %parallel_loop3A_449 = arith.constant 0 : i32
        %parallel_loop3A_450 = arith.constant 0 : i32
        %parallel_loop3A_451 = tpu.memref_slice %arg6[%parallel_loop3A_448, %parallel_loop3A_449, %parallel_loop3A_450] : memref<4x128x32xf32, #tpu.memory_space<vmem>> -> memref<1x128x32xf32, #tpu.memory_space<vmem>>
        %parallel_loop3A_452 = tpu.memref_squeeze %parallel_loop3A_451 : memref<1x128x32xf32, #tpu.memory_space<vmem>> -> memref<128x32xf32, #tpu.memory_space<vmem>>
        %parallel_loop3A_453 = tpu.vector_load_idx %parallel_loop3A_452[%add3A_16, %parallel_loop3A_411] : memref<128x32xf32, #tpu.memory_space<vmem>>[vector<16xi32>, vector<16xi32>], vector<16xf32>,
        %parallel_loop3A_454 = arith.constant 1 : i32
        %parallel_loop3A_455 = arith.index_cast %parallel_loop3A_454 : i32 to index
        %parallel_loop3A_456 = arith.index_cast %parallel_loop3A_408 : i32 to index
        %parallel_loop3A_457 = arith.index_cast %parallel_loop3A_410 : i32 to index
        %parallel_loop3A_458 = arith.constant 48 : index
        %parallel_loop3A_459 = tpu.vector_load %arg7[%parallel_loop3A_455, %parallel_loop3A_456, %parallel_loop3A_457, %parallel_loop3A_458] {strides = array<i32>} : memref<2x4x8x128xf32, #tpu.memory_space<vmem>>, vector<16xf32>,
        tpu.vector_store %arg7[%parallel_loop3A_455, %parallel_loop3A_456, %parallel_loop3A_457, %parallel_loop3A_458], %parallel_loop3A_453 {strides = array<i32>} : memref<2x4x8x128xf32, #tpu.memory_space<vmem>>, vector<16xf32>,
        %parallel_loop3A_460 = arith.constant 3 : i32
        %parallel_loop3A_461 = arith.constant 0 : i32
        %parallel_loop3A_462 = arith.constant 0 : i32
        %parallel_loop3A_463 = tpu.memref_slice %arg6[%parallel_loop3A_460, %parallel_loop3A_461, %parallel_loop3A_462] : memref<4x128x32xf32, #tpu.memory_space<vmem>> -> memref<1x128x32xf32, #tpu.memory_space<vmem>>
        %parallel_loop3A_464 = tpu.memref_squeeze %parallel_loop3A_463 : memref<1x128x32xf32, #tpu.memory_space<vmem>> -> memref<128x32xf32, #tpu.memory_space<vmem>>
        %parallel_loop3A_465 = tpu.vector_load_idx %parallel_loop3A_464[%add3A_19, %parallel_loop3A_411] : memref<128x32xf32, #tpu.memory_space<vmem>>[vector<16xi32>, vector<16xi32>], vector<16xf32>,
        %parallel_loop3A_466 = arith.constant 1 : i32
        %parallel_loop3A_467 = arith.index_cast %parallel_loop3A_466 : i32 to index
        %parallel_loop3A_468 = arith.index_cast %parallel_loop3A_408 : i32 to index
        %parallel_loop3A_469 = arith.index_cast %parallel_loop3A_410 : i32 to index
        %parallel_loop3A_470 = arith.constant 64 : index
        %parallel_loop3A_471 = tpu.vector_load %arg7[%parallel_loop3A_467, %parallel_loop3A_468, %parallel_loop3A_469, %parallel_loop3A_470] {strides = array<i32>} : memref<2x4x8x128xf32, #tpu.memory_space<vmem>>, vector<16xf32>,
        tpu.vector_store %arg7[%parallel_loop3A_467, %parallel_loop3A_468, %parallel_loop3A_469, %parallel_loop3A_470], %parallel_loop3A_465 {strides = array<i32>} : memref<2x4x8x128xf32, #tpu.memory_space<vmem>>, vector<16xf32>,
        %parallel_loop3A_472 = arith.constant 3 : i32
        %parallel_loop3A_473 = arith.constant 0 : i32
        %parallel_loop3A_474 = arith.constant 0 : i32
        %parallel_loop3A_475 = tpu.memref_slice %arg6[%parallel_loop3A_472, %parallel_loop3A_473, %parallel_loop3A_474] : memref<4x128x32xf32, #tpu.memory_space<vmem>> -> memref<1x128x32xf32, #tpu.memory_space<vmem>>
        %parallel_loop3A_476 = tpu.memref_squeeze %parallel_loop3A_475 : memref<1x128x32xf32, #tpu.memory_space<vmem>> -> memref<128x32xf32, #tpu.memory_space<vmem>>
        %parallel_loop3A_477 = tpu.vector_load_idx %parallel_loop3A_476[%add3A_22, %parallel_loop3A_411] : memref<128x32xf32, #tpu.memory_space<vmem>>[vector<16xi32>, vector<16xi32>], vector<16xf32>,
        %parallel_loop3A_478 = arith.constant 1 : i32
        %parallel_loop3A_479 = arith.index_cast %parallel_loop3A_478 : i32 to index
        %parallel_loop3A_480 = arith.index_cast %parallel_loop3A_408 : i32 to index
        %parallel_loop3A_481 = arith.index_cast %parallel_loop3A_410 : i32 to index
        %parallel_loop3A_482 = arith.constant 80 : index
        %parallel_loop3A_483 = tpu.vector_load %arg7[%parallel_loop3A_479, %parallel_loop3A_480, %parallel_loop3A_481, %parallel_loop3A_482] {strides = array<i32>} : memref<2x4x8x128xf32, #tpu.memory_space<vmem>>, vector<16xf32>,
        tpu.vector_store %arg7[%parallel_loop3A_479, %parallel_loop3A_480, %parallel_loop3A_481, %parallel_loop3A_482], %parallel_loop3A_477 {strides = array<i32>} : memref<2x4x8x128xf32, #tpu.memory_space<vmem>>, vector<16xf32>,
        %parallel_loop3A_484 = arith.constant 3 : i32
        %parallel_loop3A_485 = arith.constant 0 : i32
        %parallel_loop3A_486 = arith.constant 0 : i32
        %parallel_loop3A_487 = tpu.memref_slice %arg6[%parallel_loop3A_484, %parallel_loop3A_485, %parallel_loop3A_486] : memref<4x128x32xf32, #tpu.memory_space<vmem>> -> memref<1x128x32xf32, #tpu.memory_space<vmem>>
        %parallel_loop3A_488 = tpu.memref_squeeze %parallel_loop3A_487 : memref<1x128x32xf32, #tpu.memory_space<vmem>> -> memref<128x32xf32, #tpu.memory_space<vmem>>
        %parallel_loop3A_489 = tpu.vector_load_idx %parallel_loop3A_488[%add3A_25, %parallel_loop3A_411] : memref<128x32xf32, #tpu.memory_space<vmem>>[vector<16xi32>, vector<16xi32>], vector<16xf32>,
        %parallel_loop3A_490 = arith.constant 1 : i32
        %parallel_loop3A_491 = arith.index_cast %parallel_loop3A_490 : i32 to index
        %parallel_loop3A_492 = arith.index_cast %parallel_loop3A_408 : i32 to index
        %parallel_loop3A_493 = arith.index_cast %parallel_loop3A_410 : i32 to index
        %parallel_loop3A_494 = arith.constant 96 : index
        %parallel_loop3A_495 = tpu.vector_load %arg7[%parallel_loop3A_491, %parallel_loop3A_492, %parallel_loop3A_493, %parallel_loop3A_494] {strides = array<i32>} : memref<2x4x8x128xf32, #tpu.memory_space<vmem>>, vector<16xf32>,
        tpu.vector_store %arg7[%parallel_loop3A_491, %parallel_loop3A_492, %parallel_loop3A_493, %parallel_loop3A_494], %parallel_loop3A_489 {strides = array<i32>} : memref<2x4x8x128xf32, #tpu.memory_space<vmem>>, vector<16xf32>,
        %parallel_loop3A_496 = arith.constant 3 : i32
        %parallel_loop3A_497 = arith.constant 0 : i32
        %parallel_loop3A_498 = arith.constant 0 : i32
        %parallel_loop3A_499 = tpu.memref_slice %arg6[%parallel_loop3A_496, %parallel_loop3A_497, %parallel_loop3A_498] : memref<4x128x32xf32, #tpu.memory_space<vmem>> -> memref<1x128x32xf32, #tpu.memory_space<vmem>>
        %parallel_loop3A_500 = tpu.memref_squeeze %parallel_loop3A_499 : memref<1x128x32xf32, #tpu.memory_space<vmem>> -> memref<128x32xf32, #tpu.memory_space<vmem>>
        %parallel_loop3A_501 = tpu.vector_load_idx %parallel_loop3A_500[%add3A_28, %parallel_loop3A_411] : memref<128x32xf32, #tpu.memory_space<vmem>>[vector<16xi32>, vector<16xi32>], vector<16xf32>,
        %parallel_loop3A_502 = arith.constant 1 : i32
        %parallel_loop3A_503 = arith.index_cast %parallel_loop3A_502 : i32 to index
        %parallel_loop3A_504 = arith.index_cast %parallel_loop3A_408 : i32 to index
        %parallel_loop3A_505 = arith.index_cast %parallel_loop3A_410 : i32 to index
        %parallel_loop3A_506 = arith.constant 112 : index
        %parallel_loop3A_507 = tpu.vector_load %arg7[%parallel_loop3A_503, %parallel_loop3A_504, %parallel_loop3A_505, %parallel_loop3A_506] {strides = array<i32>} : memref<2x4x8x128xf32, #tpu.memory_space<vmem>>, vector<16xf32>,
        tpu.vector_store %arg7[%parallel_loop3A_503, %parallel_loop3A_504, %parallel_loop3A_505, %parallel_loop3A_506], %parallel_loop3A_501 {strides = array<i32>} : memref<2x4x8x128xf32, #tpu.memory_space<vmem>>, vector<16xf32>,
      } {sc.loop_unroll_factor = 16 : i64, sc.parallel_access}
      %shift_right_logical3A_380 = arith.constant 2 : i32
      %shift_right_logical3A_381 = arith.shrui %add3A_333, %shift_right_logical3A_380 : i32
      %and3A_382 = arith.constant 3 : i32
      %and3A_383 = arith.andi %add3A_333, %and3A_382 : i32
      %add3A_384 = arith.addi %mul3A_2, %and3A_383 : i32
      %dma_start3A_385 = arith.constant 1 : i32
      %dma_start3A_386 = arith.constant 0 : i32
      %dma_start3A_387 = arith.constant 0 : i32
      %dma_start3A_388 = arith.constant 0 : i32
      %dma_start3A_389 = tpu.memref_slice %arg7[%dma_start3A_385, %dma_start3A_386, %dma_start3A_387, %dma_start3A_388] : memref<2x4x8x128xf32, #tpu.memory_space<vmem>> -> memref<1x4x8x128xf32, #tpu.memory_space<vmem>>
      %dma_start3A_390 = tpu.memref_squeeze %dma_start3A_389 : memref<1x4x8x128xf32, #tpu.memory_space<vmem>> -> memref<4x8x128xf32, #tpu.memory_space<vmem>>
      %dma_start3A_391 = arith.constant 0 : i32
      %dma_start3A_392 = arith.constant 0 : i32
      %dma_start3A_393 = arith.constant 0 : i32
      %dma_start3A_394 = tpu.memref_slice %arg4[%shift_right_logical3A_381, %dma_start3A_391, %add3A_384, %dma_start3A_392, %dma_start3A_393] : memref<50x4x128x8x128xf32, #tpu.memory_space<hbm>> -> memref<1x4x1x8x128xf32, #tpu.memory_space<hbm>>
      %dma_start3A_395 = tpu.memref_squeeze %dma_start3A_394 : memref<1x4x1x8x128xf32, #tpu.memory_space<hbm>> -> memref<4x8x128xf32, #tpu.memory_space<hbm>>
      %dma_start3A_396 = arith.constant 0 : i32
      %dma_start3A_397 = arith.constant 0 : i32
      %dma_start3A_398 = arith.constant 0 : i32
      %dma_start3A_399 = tpu.memref_slice %arg4[%shift_right_logical3A_381, %dma_start3A_396, %add3A_384, %dma_start3A_397, %dma_start3A_398] : memref<50x4x128x8x128xf32, #tpu.memory_space<hbm>> -> memref<1x4x1x8x128xf32, #tpu.memory_space<hbm>>
      %dma_start3A_400 = tpu.memref_squeeze %dma_start3A_399 : memref<1x4x1x8x128xf32, #tpu.memory_space<hbm>> -> memref<4x8x128xf32, #tpu.memory_space<hbm>>
      %dma_start3A_401 = arith.constant 0 : i32
      %dma_start3A_402 = arith.constant 0 : i32
      %dma_start3A_403 = arith.constant 0 : i32
      %dma_start3A_404 = tpu.memref_slice %arg7[%dma_start3A_385, %dma_start3A_401, %dma_start3A_402, %dma_start3A_403] : memref<2x4x8x128xf32, #tpu.memory_space<vmem>> -> memref<1x4x8x128xf32, #tpu.memory_space<vmem>>
      %dma_start3A_405 = tpu.memref_squeeze %dma_start3A_404 : memref<1x4x8x128xf32, #tpu.memory_space<vmem>> -> memref<4x8x128xf32, #tpu.memory_space<vmem>>
      tpu.enqueue_dma source(%dma_start3A_405 : memref<4x8x128xf32, #tpu.memory_space<vmem>>) target(%dma_start3A_400 : memref<4x8x128xf32, #tpu.memory_space<hbm>>) target_semaphore(%arg13 : memref<!tpu.dma_semaphore, #tpu.memory_space<semaphore_mem>>)
    }
    %scan3A_87 = arith.constant 50 : i32
    %dma_wait3A = arith.constant 0 : i32
    %dma_wait3A_88 = arith.constant 0 : i32
    %dma_wait3A_89 = arith.constant 0 : i32
    %dma_wait3A_90 = arith.constant 0 : i32
    %dma_wait3A_91 = arith.constant 0 : i32
    %dma_wait3A_92 = arith.constant 0 : i32
    %dma_wait3A_93 = tpu.memref_slice %arg7[%dma_wait3A, %dma_wait3A_90, %dma_wait3A_91, %dma_wait3A_92] : memref<2x4x8x128xf32, #tpu.memory_space<vmem>> -> memref<1x4x8x128xf32, #tpu.memory_space<vmem>>
    %dma_wait3A_94 = tpu.memref_squeeze %dma_wait3A_93 : memref<1x4x8x128xf32, #tpu.memory_space<vmem>> -> memref<4x8x128xf32, #tpu.memory_space<vmem>>
    %dma_wait3A_95 = arith.constant 0 : i32
    %dma_wait3A_96 = arith.constant 0 : i32
    %dma_wait3A_97 = arith.constant 0 : i32
    %dma_wait3A_98 = tpu.memref_slice %arg4[%dma_wait3A_88, %dma_wait3A_95, %dma_wait3A_89, %dma_wait3A_96, %dma_wait3A_97] : memref<50x4x128x8x128xf32, #tpu.memory_space<hbm>> -> memref<1x4x1x8x128xf32, #tpu.memory_space<hbm>>
    %dma_wait3A_99 = tpu.memref_squeeze %dma_wait3A_98 : memref<1x4x1x8x128xf32, #tpu.memory_space<hbm>> -> memref<4x8x128xf32, #tpu.memory_space<hbm>>
    %dma_wait3A_100 = arith.constant 0 : i32
    %dma_wait3A_101 = arith.constant 0 : i32
    %dma_wait3A_102 = arith.constant 0 : i32
    %dma_wait3A_103 = tpu.memref_slice %arg4[%dma_wait3A_88, %dma_wait3A_100, %dma_wait3A_89, %dma_wait3A_101, %dma_wait3A_102] : memref<50x4x128x8x128xf32, #tpu.memory_space<hbm>> -> memref<1x4x1x8x128xf32, #tpu.memory_space<hbm>>
    %dma_wait3A_104 = tpu.memref_squeeze %dma_wait3A_103 : memref<1x4x1x8x128xf32, #tpu.memory_space<hbm>> -> memref<4x8x128xf32, #tpu.memory_space<hbm>>
    %dma_wait3A_105 = arith.constant 0 : i32
    %dma_wait3A_106 = arith.constant 0 : i32
    %dma_wait3A_107 = arith.constant 0 : i32
    %dma_wait3A_108 = tpu.memref_slice %arg7[%dma_wait3A, %dma_wait3A_105, %dma_wait3A_106, %dma_wait3A_107] : memref<2x4x8x128xf32, #tpu.memory_space<vmem>> -> memref<1x4x8x128xf32, #tpu.memory_space<vmem>>
    %dma_wait3A_109 = tpu.memref_squeeze %dma_wait3A_108 : memref<1x4x8x128xf32, #tpu.memory_space<vmem>> -> memref<4x8x128xf32, #tpu.memory_space<vmem>>
    tpu.wait_dma2 semaphore(%arg12 : memref<!tpu.dma_semaphore, #tpu.memory_space<semaphore_mem>>) src(%dma_wait3A_109 : memref<4x8x128xf32, #tpu.memory_space<vmem>>) dst(%dma_wait3A_104 : memref<4x8x128xf32, #tpu.memory_space<hbm>>)
    %dma_wait3A_110 = arith.constant 1 : i32
    %dma_wait3A_111 = arith.constant 0 : i32
    %dma_wait3A_112 = arith.constant 0 : i32
    %dma_wait3A_113 = arith.constant 0 : i32
    %dma_wait3A_114 = arith.constant 0 : i32
    %dma_wait3A_115 = arith.constant 0 : i32
    %dma_wait3A_116 = tpu.memref_slice %arg7[%dma_wait3A_110, %dma_wait3A_113, %dma_wait3A_114, %dma_wait3A_115] : memref<2x4x8x128xf32, #tpu.memory_space<vmem>> -> memref<1x4x8x128xf32, #tpu.memory_space<vmem>>
    %dma_wait3A_117 = tpu.memref_squeeze %dma_wait3A_116 : memref<1x4x8x128xf32, #tpu.memory_space<vmem>> -> memref<4x8x128xf32, #tpu.memory_space<vmem>>
    %dma_wait3A_118 = arith.constant 0 : i32
    %dma_wait3A_119 = arith.constant 0 : i32
    %dma_wait3A_120 = arith.constant 0 : i32
    %dma_wait3A_121 = tpu.memref_slice %arg4[%dma_wait3A_111, %dma_wait3A_118, %dma_wait3A_112, %dma_wait3A_119, %dma_wait3A_120] : memref<50x4x128x8x128xf32, #tpu.memory_space<hbm>> -> memref<1x4x1x8x128xf32, #tpu.memory_space<hbm>>
    %dma_wait3A_122 = tpu.memref_squeeze %dma_wait3A_121 : memref<1x4x1x8x128xf32, #tpu.memory_space<hbm>> -> memref<4x8x128xf32, #tpu.memory_space<hbm>>
    %dma_wait3A_123 = arith.constant 0 : i32
    %dma_wait3A_124 = arith.constant 0 : i32
    %dma_wait3A_125 = arith.constant 0 : i32
    %dma_wait3A_126 = tpu.memref_slice %arg4[%dma_wait3A_111, %dma_wait3A_123, %dma_wait3A_112, %dma_wait3A_124, %dma_wait3A_125] : memref<50x4x128x8x128xf32, #tpu.memory_space<hbm>> -> memref<1x4x1x8x128xf32, #tpu.memory_space<hbm>>
    %dma_wait3A_127 = tpu.memref_squeeze %dma_wait3A_126 : memref<1x4x1x8x128xf32, #tpu.memory_space<hbm>> -> memref<4x8x128xf32, #tpu.memory_space<hbm>>
    %dma_wait3A_128 = arith.constant 0 : i32
    %dma_wait3A_129 = arith.constant 0 : i32
    %dma_wait3A_130 = arith.constant 0 : i32
    %dma_wait3A_131 = tpu.memref_slice %arg7[%dma_wait3A_110, %dma_wait3A_128, %dma_wait3A_129, %dma_wait3A_130] : memref<2x4x8x128xf32, #tpu.memory_space<vmem>> -> memref<1x4x8x128xf32, #tpu.memory_space<vmem>>
    %dma_wait3A_132 = tpu.memref_squeeze %dma_wait3A_131 : memref<1x4x8x128xf32, #tpu.memory_space<vmem>> -> memref<4x8x128xf32, #tpu.memory_space<vmem>>
    tpu.wait_dma2 semaphore(%arg13 : memref<!tpu.dma_semaphore, #tpu.memory_space<semaphore_mem>>) src(%dma_wait3A_132 : memref<4x8x128xf32, #tpu.memory_space<vmem>>) dst(%dma_wait3A_127 : memref<4x8x128xf32, #tpu.memory_space<hbm>>)
    return
  }
}

</mosaic_0001>

<sc_bundles>
// kernel: kernel.3.cloned.1.call-start
scs
__scs_entry_jumppad:
0x0: {  	(pc) =	sbr.rel $0x88, $3  }
0x1: {  	(tag) =	ssettag $0x0;
	lr =	simm.s32 $0x1  }
0x2: {  	[smem:$0x3F9F] =	sst lr;
	_ =	strace $0xD0000000  }
0x3: {  	_ = 	snop  }
0x4: {  	_ = 	snop  }
0x5: {  	_ = 	snop  }
0x6: {  	_ = 	snop  }
0x7: {  	_ = 	snop  }
__scs_overlays_trampoline_lowered:
0x8: {  	[smem:$0x3FAE] =	sst s0  }
0x9: {  	[smem:$0x3FAF] =	sst s1  }
0xa: {  	[smem:$0x3FB0] =	sst s2  }
0xb: {  	[smem:$0x3FB1] =	sst s3  }
0xc: {  	[smem:$0x3FB2] =	sst s4  }
0xd: {  	[smem:$0x3FB3] =	sst s5  }
0xe: {  	[smem:$0x3FB4] =	sst s6  }
0xf: {  	[smem:$0x3FB5] =	sst s7  }
0x10: {  	[smem:$0x3FB6] =	sst s8  }
0x11: {  	[smem:$0x3FB7] =	sst s9;
	s0 =	simm.s32 @!p0 $0x0  }
0x12: {  	s1 =	sld [smem:$0x3F9D];
	s0 =	simm.s32 @p0 $0x1  }
0x13: {  	[smem:$0x3FB8] =	sst s0;
	s0 =	simm.s32 @!p1 $0x0  }
0x14: {  	s2 =	sld [smem:$0x3F9C];
	s0 =	simm.s32 @p1 $0x1  }
0x15: {  	[smem:$0x3FB9] =	sst s0;
	s0 =	simm.s32 @!p2 $0x0  }
0x16: {  	s3 =	sld [smem:$0x3FDB];
	s0 =	simm.s32 @p2 $0x1  }
0x17: {  	s4 =	simm.s32 $0x1BF5;
	[smem:$0x3FBB] =	sst s0  }
0x18: {  	s0 =	sld [smem:$0x3F9E];
	_ =	swait.ge [sflag:s4], $0x0  }
0x19: {  	s7 =	sld [smem:$0x3F9F]  }
0x1a: {  	s8 =	sadd.s32 $0xFFFFE003, lr  }
0x1b: {  	s9 =	sadd.s32 $0xFFFFFEF7, lr;
	s5 =	simm.s32 $0xFFFFFFFF;
	p2 =	slt.u32 s8, $0xFFFFF086  }
0x1c: {  	p1 =	slt.u32 s9, $0xF7A;
	s5 =	simm.s32 @!p2 $0x0  }
0x1d: {  	s5 =	simm.s32 @p1 $0x1;
	p0 =	seq.s32 s7, s2  }
0x1e: {  	s7 =	smul.u32 @!p0 $0xF7A, s2;
	p2 =	seq.s32 @!p0 s5, $0x0  }
0x1f: {  	s9 =	smul.u32 $0xF7A, s1;
	s8 =	simm.s32 @!p0 $0x1BF5;
	p2 =	por !p2, p0  }
0x20: {  	[sflag:s8] =	ssyncset.s32 @!p0 $0xFFFFF086;
	s6 =	sadd.s32 @!p0 s3, s7;
	s7 =	simm.s32 @!p0 $0x108  }
0x21: {  	s3 =	sadd.s32 s3, s9;
	s6 =	sadd.s32 @!p0 $0x88, s6;
	s7 =	simm.s32 @p2 $0x1082  }
0x22: {  	[simem:s7], [sflag:s8] =	dma.local @!p0 [hbm:s6], $0xF7A  }
0x23: {  	s9 =	sor.u32 $0xD0000000, s2;
	s6 =	simm.s32 $0x108;
	_ =	swait.ge @!p0 [sflag:s8], $0x0  }
0x24: {  	s3 =	sadd.s32 $0x88, s3;
	s6 =	simm.s32 @!p1 $0x1082;
	[sflag:s4] =	ssyncset.s32 $0xFFFFF086  }
0x25: {  	[simem:s6], [sflag:s4] =	dma.local [hbm:s3], $0xF7A  }
0x26: {  	[smem:$0x3F9F] =	sst s1;
	(tag) =	ssettag s2;
	_ =	strace s9  }
0x27: {  	s1 =	sld [smem:$0x3FAF]  }
0x28: {  	s2 =	sld [smem:$0x3FB0]  }
0x29: {  	s4 =	sld [smem:$0x3FB2]  }
0x2a: {  	p0 =	seq.s32 s5, $0x0;
	s5 =	sld [smem:$0x3FB3]  }
0x2b: {  	s6 =	sld [smem:$0x3FB4]  }
0x2c: {  	s7 =	sld [smem:$0x3FB5]  }
0x2d: {  	s3 =	simm.s32 $0x108;
	s8 =	sld [smem:$0x3FB6]  }
0x2e: {  	s3 =	simm.s32 @!p0 $0x1082;
	s9 =	sld [smem:$0x3FB7]  }
0x2f: {  	lr =	sadd.s32 s0, s3;
	s0 =	sld [smem:$0x3FAE]  }
0x30: {  	s3 =	sld [smem:$0x3FB1]  }
0x31: {  	[smem:$0x3FBA] =	sst s10  }
0x32: {  	s10 =	sld [smem:$0x3FB8];
	_ =	sdelay $0x3  }
0x33: {  	p0 =	seq.s32 s10, $0x1;
	s10 =	sld [smem:$0x3FBA];
	_ =	sdelay $0x3  }
0x34: {  	[smem:$0x3FBA] =	sst s10  }
0x35: {  	s10 =	sld [smem:$0x3FB9];
	_ =	sdelay $0x3  }
0x36: {  	p1 =	seq.s32 s10, $0x1;
	s10 =	sld [smem:$0x3FBA];
	_ =	sdelay $0x3  }
0x37: {  	[smem:$0x3FBA] =	sst s10  }
0x38: {  	s10 =	sld [smem:$0x3FBB]  }
0x39: {  	_ = 	snop;
	(pc) =	sbr.ind lr, $3  }
0x3a: {  	_ = 	snop  }
0x3b: {  	_ = 	snop  }
0x3c: {  	p2 =	seq.s32 s10, $0x1;
	s10 =	sld [smem:$0x3FBA]  }
0x3d: {  	_ =	shalt  }
0x3e: {  	_ =	shalt  }
0x3f: {  	_ =	shalt  }
0x40: {  	_ =	shalt  }
0x41: {  	_ =	shalt  }
0x42: {  	_ =	shalt  }
0x43: {  	_ =	shalt  }
0x44: {  	_ =	shalt  }
0x45: {  	_ =	shalt  }
0x46: {  	_ =	shalt  }
0x47: {  	_ =	shalt  }
0x48: {  	_ =	shalt  }
0x49: {  	_ =	shalt  }
0x4a: {  	_ =	shalt  }
0x4b: {  	_ =	shalt  }
0x4c: {  	_ =	shalt  }
0x4d: {  	_ =	shalt  }
0x4e: {  	_ =	shalt  }
0x4f: {  	_ =	shalt  }
0x50: {  	_ =	shalt  }
0x51: {  	_ =	shalt  }
0x52: {  	_ =	shalt  }
0x53: {  	_ =	shalt  }
0x54: {  	_ =	shalt  }
0x55: {  	_ =	shalt  }
0x56: {  	_ =	shalt  }
0x57: {  	_ =	shalt  }
0x58: {  	_ =	shalt  }
0x59: {  	_ =	shalt  }
0x5a: {  	_ =	shalt  }
0x5b: {  	_ =	shalt  }
0x5c: {  	_ =	shalt  }
0x5d: {  	_ =	shalt  }
0x5e: {  	_ =	shalt  }
0x5f: {  	_ =	shalt  }
0x60: {  	_ =	shalt  }
0x61: {  	_ =	shalt  }
0x62: {  	_ =	shalt  }
0x63: {  	_ =	shalt  }
0x64: {  	_ =	shalt  }
0x65: {  	_ =	shalt  }
0x66: {  	_ =	shalt  }
0x67: {  	_ =	shalt  }
0x68: {  	_ =	shalt  }
0x69: {  	_ =	shalt  }
0x6a: {  	_ =	shalt  }
0x6b: {  	_ =	shalt  }
0x6c: {  	_ =	shalt  }
0x6d: {  	_ =	shalt  }
0x6e: {  	_ =	shalt  }
0x6f: {  	_ =	shalt  }
0x70: {  	_ =	shalt  }
0x71: {  	_ =	shalt  }
0x72: {  	_ =	shalt  }
0x73: {  	_ =	shalt  }
0x74: {  	_ =	shalt  }
0x75: {  	_ =	shalt  }
0x76: {  	_ =	shalt  }
0x77: {  	_ =	shalt  }
0x78: {  	_ =	shalt  }
0x79: {  	_ =	shalt  }
0x7a: {  	_ =	shalt  }
0x7b: {  	_ =	shalt  }
0x7c: {  	_ =	shalt  }
0x7d: {  	_ =	shalt  }
0x7e: {  	_ =	shalt  }
0x7f: {  	_ =	shalt  }
0x80: {  	_ =	shalt  }
0x81: {  	_ =	shalt  }
0x82: {  	_ =	shalt  }
0x83: {  	_ =	shalt  }
0x84: {  	_ =	shalt  }
0x85: {  	_ =	shalt  }
0x86: {  	_ =	shalt  }
0x87: {  	_ =	shalt  }
.Lfunc_end0:
.L_simem_size_0:
called_computation_lowered:
.L_overlay_start_0:
0x88: {  	s2 =	sld [smem:$0x3FD9]  }
0x89: {  	s3 =	sld [smem:$0x3FFE];
	_ =	sdelay $0x1  }
0x8a: {  	s1 =	srdreg.scid  }
0x8b: {  	s0 =	sand.u32 $0x1, s1  }
0x8c: {  	s17 =	sshll.u32 s0, $0xA;
	s2 =	sadd.s32 s3, s2  }
0x8d: {  	s2 =	sadd.s32 s2, s17  }
0x8e: {  	[smem:$0x3FC6] =	sst s2  }
0x8f: {  	_ = 	snop  }
0x90: {  	s2 =	sld [smem:$0x3FD0];
	(tm) =	ssettm $0x1  }
0x91: {  	s18 =	sld [smem:$0x3FFB];
	_ =	sdelay $0x3  }
0x92: {  	_ =	strace s18  }
0x93: {  	s3 =	sld [smem:$0x3FFC];
	_ =	sdelay $0x3  }
0x94: {  	_ =	strace s3  }
0x95: {  	s3 =	sld [smem:$0x3FFD];
	_ =	sdelay $0x3  }
0x96: {  	_ =	strace s3  }
0x97: {  	_ =	strace $0x8FFFFFFF  }
0x98: {  	s19 =	sld [smem:$0x3FDB];
	_ =	sdelay $0x1  }
0x99: {  	s4 =	simm.s32 $_scs_section_size  }
0x9a: {  	s5 =	simm.s32 $_size__tile_overlayer_lowered;
	s6 =	simm.s32 $_tile_overlayer_lowered  }
0x9b: {  	s22 =	simm.s32 $0x1BFF;
	s21 =	sshll.u32 s6, $0x1;
	s3 =	sadd.s32 s4, s19  }
0x9c: {  	s7 =	simm.s32 $0x0;
	s20 =	sshll.u32 s5, $0x1;
	s5 =	sadd.s32 s21, s3  }
0x9d: {  	[timem:s7], [sflag:s22] =	dma.local [hbm:s5], s20  }
0x9e: {  	_ =	swait.ge [sflag:s22], s20  }
0x9f: {  	s4 =	ssub.s32 $0x0, s20;
	[sflag:s22] =	ssyncset.done $0x0  }
0xa0: {  	[sflag:s22] =	ssyncadd.s32 s4;
	_ =	sdelay $0x1  }
0xa1: {  	s23 =	simm.s32 $0x1B8B  }
0xa2: {  	_ =	swait.ge [sflag:s23], $0x1  }
0xa3: {  	[sflag:s23] =	ssyncset.done $0x0  }
0xa4: {  	s25 =	simm.s32 $0x1B8E;
	s24 =	sld [smem:$0x3FFE];
	[sflag:s23] =	ssyncadd.s32 $0xFFFFFFFF  }
0xa5: {  	s26 =	simm.s32 $execute0_lowered;
	[smem:$0x3FD2] =	sst s25  }
0xa6: {  	s5 =	sshll.u32 s26, $0x1;
	_ =	strace $0x80000046;
	[dreg:$0x1] =	wrdreg $0xFFFFFFFF  }
0xa7: {  	s28 =	simm.s32 $_size_execute0_lowered;
	s3 =	sadd.s32 s3, s5;
	[dreg:$0x0] =	wrdreg $0x0  }
0xa8: {  	s5 =	sshll.u32 s28, $0x1;
	[dreg:$0x2] =	wrdreg s3  }
0xa9: {  	[dreg:$0x3] =	wrdreg s5  }
0xaa: {  	[dreg:$0x4] =	wrdreg $0xC0  }
0xab: {  	_ =	task [dreg:s7], $0x5FFFF  }
0xac: {  	[dreg:$0x1] =	wrdreg $0xFFFFFFFF  }
0xad: {  	[dreg:$0x0] =	wrdreg $0x60  }
0xae: {  	[dreg:$0x2] =	wrdreg s24  }
0xaf: {  	[dreg:$0x3] =	wrdreg s2  }
0xb0: {  	[dreg:$0x4] =	wrdreg $0x9  }
0xb1: {  	_ =	task.clear_ibuf [dreg:s7], $0x5FFFF;
	_ =	strace $0x90000046  }
0xb2: {  	s29 =	simm.s32 $0x9;
	_ =	strace $0x80000048  }
0xb3: {  	_ =	swait.ge [sflag:s29], $0x1  }
0xb4: {  	[sflag:s29] =	ssyncadd.s32 $0xFFFFFFFF  }
0xb5: {  	_ =	strace $0x90000048  }
0xb6: {  	_ =	sfence  }
0xb7: {  	s30 =	sld [smem:$0x0];
	_ =	sdelay $0x2  }
0xb8: {  	s31 =	sshll.u32 s1, $0xD;
	s1 =	sshrl.u32 s1, $0x2  }
0xb9: {  	s3 =	sand.u32 $0x4000, s31;
	s1 =	sadd.s32 s1, s30  }
0xba: {  	s0 =	sor.u32 s3, s0;
	s1 =	sshll.u32 s1, $0x11  }
0xbb: {  	s0 =	sor.u32 s1, s0  }
0xbc: {  	s0 =	sadd.s32 $0x8F2B, s0  }
0xbd: {  	[sflag:s0] =	ssyncadd.remote.s32 $0x1  }
0xbe: {  	_ =	sfence.sel $0xFFFF  }
0xbf: {  	[dreg:$0x0] =	wrdreg $0xFFFFFFFF;
	(pc) =	sbr.abs _section_cstart, $3  }
0xc0: {  	[dreg:$0x1] =	wrdreg $0xFFFFFFFF  }
0xc1: {  	_ =	task.clear_ibuf [dreg:s7], $0x2FFFF;
	_ =	strace $0x9FFFFFFF  }
0xc2: {  	(tm) =	ssettm $0x7FFFFFFF  }
0xc3: {  	_ =	shalt  }
tec
execute0_lowered:
.L_overlay_start_1:
0x0: {  	(tag) =	ssettag $0x1  }
0x1: {  	v0 =	vlaneseq.u32  }
0x2: {  	v31 =	vmul.u32 $0x20, v0;
	_ =	sdelay $0x1  }
0x3: {  	v2 =	vor.u32 $0x801, v31  }
0x4: {  	[tilespmem:$0x1FC10] =	vst v2;
	v2 =	vor.u32 $0xA01, v31  }
0x5: {  	[tilespmem:$0x1FC20] =	vst v2;
	v2 =	vor.u32 $0xC01, v31  }
0x6: {  	[tilespmem:$0x1FC30] =	vst v2;
	v2 =	vor.u32 $0xE01, v31  }
0x7: {  	[tilespmem:$0x1FC40] =	vst v2;
	v2 =	vor.u32 $0x402, v31  }
0x8: {  	[tilespmem:$0x1FC50] =	vst v2;
	v2 =	vor.u32 $0x602, v31  }
0x9: {  	[tilespmem:$0x1FC60] =	vst v2;
	v2 =	vor.u32 $0x802, v31  }
0xa: {  	[tilespmem:$0x1FC70] =	vst v2;
	v2 =	vor.u32 $0xA02, v31  }
0xb: {  	[tilespmem:$0x1FC80] =	vst v2;
	v2 =	vor.u32 $0xC02, v31  }
0xc: {  	[tilespmem:$0x1FC90] =	vst v2;
	v2 =	vor.u32 $0xE02, v31  }
0xd: {  	[tilespmem:$0x1FCA0] =	vst v2;
	v2 =	vor.u32 $0x403, v31  }
0xe: {  	[tilespmem:$0x1FCB0] =	vst v2;
	v2 =	vor.u32 $0x603, v31  }
0xf: {  	[tilespmem:$0x1FCC0] =	vst v2;
	v2 =	vor.u32 $0x803, v31  }
0x10: {  	s0 =	rddreg [dreg:$0x0];
	s5 =	simm.s32 $0x0;
	[tilespmem:$0x1FCD0] =	vst v2;
	v2 =	vor.u32 $0xA03, v31  }
0x11: {  	[smem:$0x7FF] =	sst s5;
	[tilespmem:$0x1FCE0] =	vst v2;
	v2 =	vor.u32 $0xC03, v31  }
0x12: {  	s2 =	rddreg [dreg:$0x1];
	v16 =	vor.u32 $0x200, v31;
	_ =	strace $0x80000047;
	[tilespmem:$0x1FCF0] =	vst v2  }
0x13: {  	v17 =	vor.u32 $0x400, v31;
	[tilespmem:$0x1FF00] =	vst v16  }
0x14: {  	v18 =	vor.u32 $0x600, v31;
	[tilespmem:$0x1FF10] =	vst v17  }
0x15: {  	v19 =	vor.u32 $0x800, v31;
	[tilespmem:$0x1FF20] =	vst v18  }
0x16: {  	v11 =	vor.u32 $0xC00, v31;
	[tilespmem:$0x1FF30] =	vst v19  }
0x17: {  	v61 =	vor.u32 $0xA00, v31;
	[tilespmem:$0x1FF40] =	vst v11  }
0x18: {  	v5 =	vor.u32 $0x2, v31;
	[tilespmem:$0x1FF50] =	vst v61  }
0x19: {  	v15 =	vor.u32 $0x1, v31;
	[tilespmem:$0x1FF60] =	vst v5  }
0x1a: {  	v12 =	vor.u32 $0xE00, v31;
	[tilespmem:$0x1FF70] =	vst v15  }
0x1b: {  	v13 =	vor.u32 $0x401, v31;
	[tilespmem:$0x1FF80] =	vst v12  }
0x1c: {  	v14 =	vor.u32 $0x601, v31;
	[tilespmem:$0x1FF90] =	vst v13  }
0x1d: {  	v10 =	vor.u32 $0x203, v31;
	[tilespmem:$0x1FFA0] =	vst v14  }
0x1e: {  	[tilespmem:$0x1FFB0] =	vst v10  }
0x1f: {  	v6 =	vor.u32 $0x3, v31;
	[tilespmem:$0x1FFC0] =	vst v31  }
0x20: {  	v8 =	vor.u32 $0x201, v31;
	[tilespmem:$0x1FFD0] =	vst v6  }
0x21: {  	v9 =	vor.u32 $0x202, v31;
	[tilespmem:$0x1FFE0] =	vst v8  }
0x22: {  	v2 =	vor.u32 $0xE03, v31;
	[tilespmem:$0x1FFF0] =	vst v9  }
0x23: {  	[tilespmem:$0x1FD00] =	vst v2;
	v2 =	vor.u32 $0x4, v31  }
0x24: {  	[tilespmem:$0x1FD10] =	vst v2;
	v2 =	vor.u32 $0x204, v31  }
0x25: {  	[tilespmem:$0x1FD20] =	vst v2;
	v2 =	vor.u32 $0x404, v31  }
0x26: {  	[tilespmem:$0x1FD30] =	vst v2;
	v2 =	vor.u32 $0x604, v31  }
0x27: {  	[tilespmem:$0x1FD40] =	vst v2;
	v2 =	vor.u32 $0x804, v31  }
0x28: {  	[tilespmem:$0x1FD50] =	vst v2;
	v2 =	vor.u32 $0xA04, v31  }
0x29: {  	[tilespmem:$0x1FD60] =	vst v2;
	v2 =	vor.u32 $0xC04, v31  }
0x2a: {  	[tilespmem:$0x1FD70] =	vst v2;
	v2 =	vor.u32 $0xE04, v31  }
0x2b: {  	[tilespmem:$0x1FD80] =	vst v2;
	v2 =	vor.u32 $0x5, v31  }
0x2c: {  	[tilespmem:$0x1FD90] =	vst v2;
	v2 =	vor.u32 $0x205, v31  }
0x2d: {  	[tilespmem:$0x1FDA0] =	vst v2;
	v2 =	vor.u32 $0x405, v31  }
0x2e: {  	[tilespmem:$0x1FDB0] =	vst v2;
	v2 =	vor.u32 $0x605, v31  }
0x2f: {  	[tilespmem:$0x1FDC0] =	vst v2;
	v2 =	vor.u32 $0x805, v31  }
0x30: {  	[tilespmem:$0x1FDD0] =	vst v2;
	v2 =	vor.u32 $0xA05, v31  }
0x31: {  	[tilespmem:$0x1FDE0] =	vst v2;
	v2 =	vor.u32 $0xC05, v31  }
0x32: {  	[tilespmem:$0x1FDF0] =	vst v2;
	v2 =	vor.u32 $0xE05, v31  }
0x33: {  	[tilespmem:$0x1FE00] =	vst v2;
	v2 =	vor.u32 $0x6, v31  }
0x34: {  	[tilespmem:$0x1FE10] =	vst v2;
	v2 =	vor.u32 $0x206, v31  }
0x35: {  	[tilespmem:$0x1FE20] =	vst v2;
	v2 =	vor.u32 $0x406, v31  }
0x36: {  	[tilespmem:$0x1FE30] =	vst v2;
	v2 =	vor.u32 $0x606, v31  }
0x37: {  	s1 =	srdreg.scid;
	s3 =	stileid.u32;
	s14 =	simm.s32 $0x6400;
	[tilespmem:$0x1FE40] =	vst v2;
	v2 =	vor.u32 $0x806, v31  }
0x38: {  	s15 =	simm.s32 $0x7400;
	s17 =	simm.s32 $0x8400;
	s18 =	simm.s32 $0x1;
	[tilespmem:$0x1FE50] =	vst v2;
	v2 =	vor.u32 $0xA06, v31  }
0x39: {  	s19 =	simm.s32 $0x9400;
	s20 =	simm.s32 $0x400;
	s21 =	simm.s32 $0x20000;
	[tilespmem:$0x1FE60] =	vst v2;
	v2 =	vor.u32 $0xC06, v31  }
0x3a: {  	s22 =	simm.s32 $0xA400;
	s23 =	simm.s32 $0x2;
	s24 =	simm.s32 $0xB400;
	[tilespmem:$0x1FE70] =	vst v2;
	v2 =	vor.u32 $0xE06, v31  }
0x3b: {  	s28 =	simm.s32 $0x4;
	s1 =	sand.u32 $0x1, s1;
	s3 =	sshll.u32 s3, $0x1;
	[tilespmem:$0x1FE80] =	vst v2;
	v2 =	vor.u32 $0x7, v31  }
0x3c: {  	s29 =	simm.s32 $0x6;
	s4 =	sor.u32 s1, s3;
	s1 =	ssub.s32 $0x2, s1;
	[tilespmem:$0x1FE90] =	vst v2;
	v2 =	vor.u32 $0x207, v31  }
0x3d: {  	s3 =	sshll.u32 s4, $0x6;
	s26 =	sshrl.u32 s1, $0x1;
	s4 =	sshll.u32 s4, $0x9;
	[tilespmem:$0x1FEA0] =	vst v2;
	v2 =	vor.u32 $0x407, v31  }
0x3e: {  	s25 =	sadd.s32 s3, s0;
	s3 =	sadd.s32 $0xF42A00, s0;
	s0 =	ssub.s32 s1, s26;
	[tilespmem:$0x1FEB0] =	vst v2;
	v2 =	vor.u32 $0x607, v31  }
0x3f: {  	s5 =	sadd.s32 s2, s4;
	s26 =	simm.s32 $0x5;
	s30 =	sadd.s32 $0x600, s25;
	[tilespmem:$0x1FEC0] =	vst v2;
	v2 =	vor.u32 $0x807, v31  }
0x40: {  	s1 =	simm.s32 $0x0;
	s31 =	sadd.s32 $0x80, s5;
	[dreg:$0x3] =	wrdreg s30;
	[tilespmem:$0x1FED0] =	vst v2;
	v2 =	vor.u32 $0xA07, v31  }
0x41: {  	v1 =	vimm.s32 $0x0;
	vm0 =	vcmask $0x300;
	s7 =	sadd.s32 $0x100, s5;
	s0 =	smax.u32 s0, $0x1;
	[dreg:$0x4] =	wrdreg s31;
	[tilespmem:$0x1FEE0] =	vst v2;
	v2 =	vor.u32 $0xC07, v31  }
0x42: {  	v1 =	vsel vm0, $0x3, v1;
	s8 =	sadd.s32 $0x180, s5;
	s25 =	simm.s32 $0x3;
	[dreg:$0x5] =	wrdreg s0;
	[tilespmem:$0x1FEF0] =	vst v2  }
.LBB2_1:
0x43: {  	[dreg:$0x6] =	wrdreg s1  }
0x44: {  	s0 =	simm.s32 $0x0;
	s12 =	rddreg [dreg:$0x3]  }
0x45: {  	s2 =	simm.s32 $0x200;
	s4 =	simm.s32 $0x4000;
	s13 =	simm.s32 $0x7  }
0x46: {  	[tilespmem:s0], [sflag:$0x7] =	stream.strided.gather [hbm4b:s12+s2], $0x6400, s4, s2, $0x38;
	[tilespmem:$0xC400] =	vst v63  }
0x47: {  	_ =	swait.ge [sflag:s13], $0x6400  }
0x48: {  	[sflag:s13] =	ssyncset.done $0x0  }
0x49: {  	s16 =	simm.s32 $0x80;
	[sflag:s13] =	ssyncadd.s32 $0xFFFF9C00  }
0x4a: {  	[tilespmem:s14], [sflag:$0x1] =	stream.indirect.gather [hbm4b:s3+s16], $0x20, s0, s16, $0xb8;
	[tilespmem:$0xC400] =	vst v63  }
0x4b: {  	_ = 	snop  }
0x4c: {  	[tilespmem:s15], [sflag:$0x2] =	stream.indirect.gather [hbm4b:s3+s16], $0x20, s16, s16, $0xb8;
	[tilespmem:$0xC400] =	vst v63  }
0x4d: {  	s30 =	simm.s32 $0x100;
	s31 =	simm.s32 $0x0  }
0x4e: {  	[tilespmem:s17], [sflag:$0x3] =	stream.indirect.gather [hbm4b:s3+s16], $0x20, s30, s16, $0xb8;
	[tilespmem:$0xC400] =	vst v63  }
.LBB2_2:
0x4f: {  	_ =	swait.ge [sflag:s18], $0x1000;
	s0 =	sshll.u32 s31, $0x9  }
0x50: {  	s2 =	simm.s32 $0x80;
	[sflag:s18] =	ssyncset.done $0x0;
	s1 =	sand.u32 $0x3FFFFE00, s0  }
0x51: {  	p0 =	seq.s32 s31, $0x0;
	[sflag:s18] =	ssyncadd.s32 $0xFFFFF000;
	s0 =	sor.u32 $0x180, s1  }
0x52: {  	[tilespmem:s19], [sflag:$0x4] =	stream.indirect.gather [hbm4b:s3+s2], $0x20, s0, s2, $0xb8;
	[tilespmem:$0xC400] =	vst v63  }
0x53: {  	s0 =	simm.s32 @!p0 $0x5  }
0x54: {  	_ =	swait.ge @!p0 [sflag:s0], $0x1000  }
0x55: {  	[sflag:s0] =	ssyncset.done @!p0 $0x0  }
0x56: {  	s10 =	simm.s32 $0x0;
	[sflag:s0] =	ssyncadd.s32 @!p0 $0xFFFFF000;
	p0 =	por $0x1, $0x1  }
.LBB2_3:
0x57: {  	v51 =	vld [tilespmem:$0x1FC50]  }
0x58: {  	v57 =	vld [tilespmem:$0x1FCB0]  }
0x59: {  	v54 =	vld [tilespmem:$0x1FC60]  }
0x5a: {  	v0 =	vld [tilespmem:$0x1FCC0]  }
0x5b: {  	v27 =	vld [tilespmem:$0x1FC10]  }
0x5c: {  	v30 =	vld [tilespmem:$0x1FC20]  }
0x5d: {  	v52 =	vld [tilespmem:$0x1FC40]  }
0x5e: {  	v63 =	vld [tilespmem:$0x1FD10]  }
0x5f: {  	v33 =	vld [tilespmem:$0x1FD90]  }
0x60: {  	v2 =	vmov s10;
	v43 =	vld [tilespmem:$0x1FE10]  }
0x61: {  	v60 =	vld [tilespmem:$0x1FE90];
	v2 =	vshrl.u32 v2, $0x3  }
0x62: {  	v21 =	vld [tilespmem:$0x1FD20];
	v2 =	vshll.u32 v2, v1  }
0x63: {  	v34 =	vld [tilespmem:$0x1FDA0];
	v3 =	vbroadcast v2, $0x0  }
0x64: {  	v46 =	vld [tilespmem:$0x1FE20]  }
0x65: {  	v53 =	vld [tilespmem:$0x1FEA0];
	v2 =	vor.u32 v31, v3  }
0x66: {  	v22 =	vld [tilespmem:$0x1FD30];
	v4 =	vor.u32 v15, v3  }
0x67: {  	v36 =	vmov v5;
	v35 =	vld [tilespmem:$0x1FDB0];
	v5 =	vor.u32 v5, v3  }
0x68: {  	v58 =	vmov v6;
	v47 =	vld [tilespmem:$0x1FE30];
	v6 =	vor.u32 v6, v3  }
0x69: {  	v44 =	vld [tilespmem:$0x1FEB0]  }
0x6a: {  	v2 =	vld.idx.msk [tilespmem:v2+s14+$0x0], $0xffff  }
0x6b: {  	v7 =	vor.u32 v16, v3;
	v4 =	vld.idx.msk [tilespmem:v4+s14+$0x0], $0xffff  }
0x6c: {  	v29 =	vmov v8;
	v8 =	vor.u32 v8, v3;
	v5 =	vld.idx.msk [tilespmem:v5+s14+$0x0], $0xffff  }
0x6d: {  	s0 =	sshll.u32 s10, $0x7;
	v37 =	vmov v9;
	v9 =	vor.u32 v9, v3;
	v6 =	vld.idx.msk [tilespmem:v6+s14+$0x0], $0xffff  }
0x6e: {  	v45 =	vmov v10;
	v23 =	vld [tilespmem:$0x1FD40];
	s0 =	sand.u32 $0x3FFFFF80, s0;
	v10 =	vor.u32 v10, v3  }
0x6f: {  	v38 =	vld [tilespmem:$0x1FDC0];
	[tilespmem:s0+$0xA400] =	vst v2  }
0x70: {  	[tilespmem:s0+$0xA480] =	vst v4;
	v2 =	vld.idx.msk [tilespmem:v7+s14+$0x0], $0xffff  }
0x71: {  	v4 =	vor.u32 v17, v3;
	[tilespmem:s0+$0xA500] =	vst v5;
	v7 =	vld.idx.msk [tilespmem:v8+s14+$0x0], $0xffff  }
0x72: {  	v5 =	vor.u32 v13, v3;
	[tilespmem:s0+$0xA580] =	vst v6;
	v8 =	vld.idx.msk [tilespmem:v9+s14+$0x0], $0xffff  }
0x73: {  	v6 =	vor.u32 v51, v3;
	v9 =	vld.idx.msk [tilespmem:v10+s14+$0x0], $0xffff  }
0x74: {  	v48 =	vld [tilespmem:$0x1FE40];
	v10 =	vor.u32 v57, v3  }
0x75: {  	v62 =	vld [tilespmem:$0x1FEC0];
	[tilespmem:s0+$0xA410] =	vst v2  }
0x76: {  	[tilespmem:s0+$0xA490] =	vst v7;
	v2 =	vld.idx.msk [tilespmem:v4+s14+$0x0], $0xffff  }
0x77: {  	[tilespmem:s0+$0xA510] =	vst v8;
	v5 =	vld.idx.msk [tilespmem:v5+s14+$0x0], $0xffff  }
0x78: {  	v7 =	vor.u32 v14, v3;
	[tilespmem:s0+$0xA590] =	vst v9;
	v6 =	vld.idx.msk [tilespmem:v6+s14+$0x0], $0xffff  }
0x79: {  	v8 =	vor.u32 v54, v3;
	v9 =	vld.idx.msk [tilespmem:v10+s14+$0x0], $0xffff  }
0x7a: {  	v10 =	vor.u32 v0, v3;
	v0 =	vld [tilespmem:$0x1FC70]  }
0x7b: {  	v24 =	vld [tilespmem:$0x1FD50];
	v4 =	vor.u32 v18, v3  }
0x7c: {  	v39 =	vld [tilespmem:$0x1FDD0];
	[tilespmem:s0+$0xA4A0] =	vst v5  }
0x7d: {  	[tilespmem:s0+$0xA520] =	vst v6;
	v5 =	vld.idx.msk [tilespmem:v7+s14+$0x0], $0xffff  }
0x7e: {  	v7 =	vld.idx.msk [tilespmem:v8+s14+$0x0], $0xffff  }
0x7f: {  	[tilespmem:s0+$0xA420] =	vst v2;
	v8 =	vor.u32 v0, v3;
	v0 =	vld [tilespmem:$0x1FCD0]  }
0x80: {  	v2 =	vld.idx.msk [tilespmem:v4+s14+$0x0], $0xffff  }
0x81: {  	v49 =	vld [tilespmem:$0x1FE50];
	v4 =	vor.u32 v19, v3  }
0x82: {  	v59 =	vld [tilespmem:$0x1FED0];
	v6 =	vor.u32 v27, v3;
	[tilespmem:s0+$0xA5A0] =	vst v9  }
0x83: {  	v9 =	vld.idx.msk [tilespmem:v10+s14+$0x0], $0xffff  }
0x84: {  	v10 =	vor.u32 v0, v3;
	v0 =	vld [tilespmem:$0x1FC80]  }
0x85: {  	v40 =	vld [tilespmem:$0x1FDE0];
	[tilespmem:s0+$0xA430] =	vst v2  }
0x86: {  	[tilespmem:s0+$0xA4B0] =	vst v5;
	v2 =	vld.idx.msk [tilespmem:v4+s14+$0x0], $0xffff  }
0x87: {  	[tilespmem:s0+$0xA530] =	vst v7;
	v5 =	vld.idx.msk [tilespmem:v6+s14+$0x0], $0xffff  }
0x88: {  	v4 =	vor.u32 v61, v3;
	v7 =	vld.idx.msk [tilespmem:v8+s14+$0x0], $0xffff  }
0x89: {  	v8 =	vor.u32 v0, v3;
	v0 =	vld [tilespmem:$0x1FCE0]  }
0x8a: {  	v50 =	vld [tilespmem:$0x1FE60];
	v6 =	vor.u32 v30, v3  }
0x8b: {  	v20 =	vmov v31;
	v31 =	vld [tilespmem:$0x1FC30];
	[tilespmem:s0+$0xA5B0] =	vst v9  }
0x8c: {  	v9 =	vld.idx.msk [tilespmem:v10+s14+$0x0], $0xffff;
	[tilespmem:s0+$0xA440] =	vst v2  }
0x8d: {  	v2 =	vld.idx.msk [tilespmem:v4+s14+$0x0], $0xffff  }
0x8e: {  	[tilespmem:s0+$0xA4C0] =	vst v5;
	v10 =	vor.u32 v0, v3;
	v0 =	vld [tilespmem:$0x1FC90]  }
0x8f: {  	v4 =	vor.u32 v11, v3;
	v5 =	vld.idx.msk [tilespmem:v6+s14+$0x0], $0xffff  }
0x90: {  	v56 =	vld [tilespmem:$0x1FEE0];
	v6 =	vor.u32 v31, v3  }
0x91: {  	v41 =	vld [tilespmem:$0x1FDF0];
	[tilespmem:s0+$0xA540] =	vst v7  }
0x92: {  	v7 =	vld.idx.msk [tilespmem:v8+s14+$0x0], $0xffff  }
0x93: {  	[tilespmem:s0+$0xA450] =	vst v2;
	v8 =	vor.u32 v0, v3;
	v0 =	vld [tilespmem:$0x1FCF0]  }
0x94: {  	[tilespmem:s0+$0xA4D0] =	vst v5;
	v2 =	vld.idx.msk [tilespmem:v4+s14+$0x0], $0xffff  }
0x95: {  	v4 =	vor.u32 v12, v3;
	v5 =	vld.idx.msk [tilespmem:v6+s14+$0x0], $0xffff  }
0x96: {  	v32 =	vld [tilespmem:$0x1FD80];
	[tilespmem:s0+$0xA5C0] =	vst v9;
	v6 =	vor.u32 v52, v3  }
0x97: {  	s2 =	sor.u32 $0x8, s10;
	v9 =	vld.idx.msk [tilespmem:v10+s14+$0x0], $0xffff  }
0x98: {  	v26 =	vmov v11;
	v11 =	vmov s2;
	v10 =	vor.u32 v0, v3;
	v0 =	vld [tilespmem:$0x1FCA0]  }
0x99: {  	s4 =	sor.u32 $0x9, s10;
	v28 =	vld [tilespmem:$0x1FE70];
	v11 =	vshrl.u32 v11, $0x3;
	[tilespmem:s0+$0xA460] =	vst v2;
	v2 =	vor.u32 v63, v3  }
0x9a: {  	v12 =	vmov s4;
	[tilespmem:s0+$0xA4E0] =	vst v5;
	v13 =	vld.idx.msk [tilespmem:v4+s14+$0x0], $0xffff;
	v4 =	vshll.u32 v11, v1  }
0x9b: {  	[tilespmem:s0+$0xA550] =	vst v7;
	v5 =	vshrl.u32 v12, $0x3;
	v6 =	vld.idx.msk [tilespmem:v6+s14+$0x0], $0xffff;
	v4 =	vbroadcast v4, $0x0  }
0x9c: {  	v14 =	vor.u32 v33, v3;
	v5 =	vshll.u32 v5, v1;
	v7 =	vld.idx.msk [tilespmem:v8+s14+$0x0], $0xffff  }
0x9d: {  	v5 =	vbroadcast v5, $0x0;
	v11 =	vor.u32 v20, v4;
	v8 =	vor.u32 v0, v3;
	v0 =	vld [tilespmem:$0x1FD00]  }
0x9e: {  	[tilespmem:s0+$0xA5D0] =	vst v9;
	v2 =	vld.idx.msk [tilespmem:v2+s14+$0x0], $0xffff  }
0x9f: {  	v12 =	vor.u32 v15, v5;
	v9 =	vld.idx.msk [tilespmem:v10+s14+$0x0], $0xffff  }
0xa0: {  	v42 =	vld [tilespmem:$0x1FE00];
	[tilespmem:s0+$0xA470] =	vst v13;
	v13 =	vor.u32 v21, v3  }
0xa1: {  	v14 =	vld.idx.msk [tilespmem:v14+s14+$0x0], $0xffff;
	[tilespmem:s0+$0xA560] =	vst v7;
	v7 =	vor.u32 v43, v3  }
0xa2: {  	[tilespmem:s0+$0xA4F0] =	vst v6;
	v11 =	vld.idx.msk [tilespmem:v11+s14+$0x0], $0xffff;
	v10 =	vor.u32 v0, v3  }
0xa3: {  	v6 =	vor.u32 v34, v3;
	[tilespmem:s0+$0xA600] =	vst v2;
	v8 =	vld.idx.msk [tilespmem:v8+s14+$0x0], $0xffff  }
0xa4: {  	v12 =	vld.idx.msk [tilespmem:v12+s14+$0x0], $0xffff;
	[tilespmem:s0+$0xA5E0] =	vst v9;
	v9 =	vor.u32 v60, v3  }
0xa5: {  	s2 =	sshll.u32 s2, $0x7;
	v13 =	vld.idx.msk [tilespmem:v13+s14+$0x0], $0xffff  }
0xa6: {  	[tilespmem:s0+$0xA680] =	vst v14;
	s11 =	sand.u32 $0x3FFFFF80, s2;
	v2 =	vor.u32 v16, v4;
	v7 =	vld.idx.msk [tilespmem:v7+s14+$0x0], $0xffff  }
0xa7: {  	s30 =	sshll.u32 s4, $0x7;
	v14 =	vor.u32 v29, v5;
	[tilespmem:s11+$0xA400] =	vst v11;
	v10 =	vld.idx.msk [tilespmem:v10+s14+$0x0], $0xffff  }
0xa8: {  	s16 =	sand.u32 $0x3FFFFF80, s30;
	v6 =	vld.idx.msk [tilespmem:v6+s14+$0x0], $0xffff;
	[tilespmem:s0+$0xA570] =	vst v8;
	v8 =	vor.u32 v46, v3  }
0xa9: {  	v15 =	vor.u32 v22, v3;
	[tilespmem:s16+$0xA400] =	vst v12;
	v9 =	vld.idx.msk [tilespmem:v9+s14+$0x0], $0xffff  }
0xaa: {  	v0 =	vld [tilespmem:$0x1FF90];
	[tilespmem:s0+$0xA610] =	vst v13  }
0xab: {  	v2 =	vld.idx.msk [tilespmem:v2+s14+$0x0], $0xffff;
	[tilespmem:s0+$0xA700] =	vst v7;
	v7 =	vor.u32 v35, v3  }
0xac: {  	v13 =	vld.idx.msk [tilespmem:v14+s14+$0x0], $0xffff;
	[tilespmem:s0+$0xA5F0] =	vst v10;
	v10 =	vor.u32 v53, v3  }
0xad: {  	v12 =	vor.u32 v17, v4;
	v8 =	vld.idx.msk [tilespmem:v8+s14+$0x0], $0xffff  }
0xae: {  	v14 =	vld.idx.msk [tilespmem:v15+s14+$0x0], $0xffff;
	[tilespmem:s0+$0xA780] =	vst v9;
	v9 =	vor.u32 v47, v3  }
0xaf: {  	[tilespmem:s0+$0xA690] =	vst v6;
	v6 =	vor.u32 v0, v5;
	v0 =	vld [tilespmem:$0x1FFA0]  }
0xb0: {  	v7 =	vld.idx.msk [tilespmem:v7+s14+$0x0], $0xffff  }
0xb1: {  	v15 =	vor.u32 v23, v3;
	[tilespmem:s11+$0xA410] =	vst v2;
	v10 =	vld.idx.msk [tilespmem:v10+s14+$0x0], $0xffff  }
0xb2: {  	v12 =	vld.idx.msk [tilespmem:v12+s14+$0x0], $0xffff;
	[tilespmem:s0+$0xA710] =	vst v8;
	v8 =	vor.u32 v38, v3  }
0xb3: {  	v11 =	vor.u32 v44, v3;
	[tilespmem:s16+$0xA410] =	vst v13;
	v9 =	vld.idx.msk [tilespmem:v9+s14+$0x0], $0xffff  }
0xb4: {  	v13 =	vor.u32 v18, v4;
	[tilespmem:s0+$0xA620] =	vst v14;
	v6 =	vld.idx.msk [tilespmem:v6+s14+$0x0], $0xffff  }
0xb5: {  	v55 =	vld [tilespmem:$0x1FEF0];
	[tilespmem:s0+$0xA6A0] =	vst v7;
	v7 =	vor.u32 v0, v5  }
0xb6: {  	v14 =	vld.idx.msk [tilespmem:v15+s14+$0x0], $0xffff;
	[tilespmem:s0+$0xA790] =	vst v10;
	v10 =	vor.u32 v48, v3  }
0xb7: {  	[tilespmem:s11+$0xA420] =	vst v12;
	v8 =	vld.idx.msk [tilespmem:v8+s14+$0x0], $0xffff  }
0xb8: {  	v11 =	vld.idx.msk [tilespmem:v11+s14+$0x0], $0xffff;
	[tilespmem:s0+$0xA720] =	vst v9;
	v9 =	vor.u32 v39, v3  }
0xb9: {  	v2 =	vor.u32 v62, v3;
	v13 =	vld.idx.msk [tilespmem:v13+s14+$0x0], $0xffff;
	[tilespmem:s16+$0xA420] =	vst v6  }
0xba: {  	v7 =	vld.idx.msk [tilespmem:v7+s14+$0x0], $0xffff  }
0xbb: {  	v6 =	vor.u32 v19, v4;
	v10 =	vld.idx.msk [tilespmem:v10+s14+$0x0], $0xffff  }
0xbc: {  	v15 =	vor.u32 v24, v3;
	[tilespmem:s0+$0xA6B0] =	vst v8;
	v8 =	vor.u32 v27, v5;
	v27 =	vld [tilespmem:$0x1FD60]  }
0xbd: {  	[tilespmem:s0+$0xA7A0] =	vst v11;
	v11 =	vor.u32 v49, v3;
	v9 =	vld.idx.msk [tilespmem:v9+s14+$0x0], $0xffff  }
0xbe: {  	[tilespmem:s0+$0xA630] =	vst v14;
	v2 =	vld.idx.msk [tilespmem:v2+s14+$0x0], $0xffff  }
0xbf: {  	v25 =	vld [tilespmem:$0x1FE80];
	v12 =	vor.u32 v59, v3;
	[tilespmem:s11+$0xA430] =	vst v13  }
0xc0: {  	v6 =	vld.idx.msk [tilespmem:v6+s14+$0x0], $0xffff;
	[tilespmem:s16+$0xA430] =	vst v7  }
0xc1: {  	v14 =	vld.idx.msk [tilespmem:v15+s14+$0x0], $0xffff;
	v7 =	vor.u32 v61, v4;
	[tilespmem:s0+$0xA730] =	vst v10  }
0xc2: {  	v10 =	vor.u32 v40, v3;
	v11 =	vld.idx.msk [tilespmem:v11+s14+$0x0], $0xffff;
	[tilespmem:s0+$0xA6C0] =	vst v9  }
0xc3: {  	v15 =	vor.u32 v27, v3;
	v9 =	vor.u32 v30, v5;
	v30 =	vld [tilespmem:$0x1FD70];
	[tilespmem:s0+$0xA7B0] =	vst v2  }
0xc4: {  	v2 =	vor.u32 v50, v3;
	v12 =	vld.idx.msk [tilespmem:v12+s14+$0x0], $0xffff  }
0xc5: {  	v13 =	vor.u32 v56, v3;
	[tilespmem:s11+$0xA440] =	vst v6;
	v8 =	vld.idx.msk [tilespmem:v8+s14+$0x0], $0xffff  }
0xc6: {  	v7 =	vld.idx.msk [tilespmem:v7+s14+$0x0], $0xffff  }
0xc7: {  	[tilespmem:s0+$0xA640] =	vst v14;
	v10 =	vld.idx.msk [tilespmem:v10+s14+$0x0], $0xffff  }
0xc8: {  	v14 =	vld.idx.msk [tilespmem:v15+s14+$0x0], $0xffff;
	[tilespmem:s0+$0xA740] =	vst v11;
	v11 =	vor.u32 v41, v3  }
0xc9: {  	v15 =	vor.u32 v30, v3;
	v2 =	vld.idx.msk [tilespmem:v2+s14+$0x0], $0xffff;
	[tilespmem:s0+$0xA7C0] =	vst v12  }
0xca: {  	v16 =	vor.u32 v28, v3;
	[tilespmem:s16+$0xA440] =	vst v8;
	v13 =	vld.idx.msk [tilespmem:v13+s14+$0x0], $0xffff  }
0xcb: {  	s4 =	sor.u32 $0xA, s10;
	v17 =	vor.u32 v55, v3;
	[tilespmem:s11+$0xA450] =	vst v7;
	v9 =	vld.idx.msk [tilespmem:v9+s14+$0x0], $0xffff  }
0xcc: {  	s6 =	sor.u32 $0xB, s10;
	v18 =	vmov s4;
	v0 =	vld [tilespmem:$0x1FF80];
	[tilespmem:s0+$0xA6D0] =	vst v10;
	v10 =	vor.u32 v31, v5  }
0xcd: {  	v18 =	vshrl.u32 v18, $0x3;
	v19 =	vmov s6;
	[tilespmem:s0+$0xA650] =	vst v14;
	v14 =	vor.u32 v26, v4;
	v11 =	vld.idx.msk [tilespmem:v11+s14+$0x0], $0xffff  }
0xce: {  	s9 =	sor.u32 $0xC, s10;
	v18 =	vshll.u32 v18, v1;
	v19 =	vshrl.u32 v19, $0x3;
	v6 =	vor.u32 v42, v3;
	v15 =	vld.idx.msk [tilespmem:v15+s14+$0x0], $0xffff;
	[tilespmem:s0+$0xA750] =	vst v2  }
0xcf: {  	v8 =	vor.u32 v25, v3;
	v7 =	vmov s9;
	v12 =	vor.u32 v32, v3;
	v16 =	vld.idx.msk [tilespmem:v16+s14+$0x0], $0xffff;
	[tilespmem:s0+$0xA7D0] =	vst v13  }
0xd0: {  	s12 =	sor.u32 $0xD, s10;
	[tilespmem:s16+$0xA450] =	vst v9;
	v9 =	vor.u32 v52, v5;
	v5 =	vshrl.u32 v7, $0x3;
	v2 =	vor.u32 $0xE07, v20;
	v17 =	vld.idx.msk [tilespmem:v17+s14+$0x0], $0xffff  }
0xd1: {  	v7 =	vmov s12;
	v5 =	vshll.u32 v5, v1;
	v13 =	vor.u32 v2, v3;
	v10 =	vld.idx.msk [tilespmem:v10+s14+$0x0], $0xffff  }
0xd2: {  	v31 =	vmovc v20;
	v7 =	vshrl.u32 v7, $0x3;
	v3 =	vbroadcast v18, $0x0;
	v18 =	vshll.u32 v19, v1;
	v14 =	vld.idx.msk [tilespmem:v14+s14+$0x0], $0xffff;
	[tilespmem:s0+$0xA6E0] =	vst v11  }
0xd3: {  	s30 =	sor.u32 $0xE, s10;
	v5 =	vbroadcast v5, $0x0;
	v19 =	vor.u32 v0, v4;
	[tilespmem:s0+$0xA660] =	vst v15;
	v20 =	vld.idx.msk [tilespmem:v6+s14+$0x0], $0xffff;
	v6 =	vshll.u32 v7, v1  }
0xd4: {  	s13 =	sor.u32 $0xF, s10;
	v4 =	vbroadcast v18, $0x0;
	v11 =	vmov s30;
	v12 =	vld.idx.msk [tilespmem:v12+s14+$0x0], $0xffff;
	[tilespmem:s0+$0xA760] =	vst v16;
	v6 =	vbroadcast v6, $0x0  }
0xd5: {  	v18 =	vor.u32 v36, v3;
	v7 =	vshrl.u32 v11, $0x3;
	v11 =	vmov s13;
	v16 =	vld.idx.msk [tilespmem:v8+s14+$0x0], $0xffff;
	[tilespmem:s0+$0xA7E0] =	vst v17  }
0xd6: {  	v7 =	vshll.u32 v7, v1;
	v8 =	vshrl.u32 v11, $0x3;
	[tilespmem:s16+$0xA460] =	vst v10;
	v10 =	vor.u32 v33, v6;
	v11 =	vld.idx.msk [tilespmem:v13+s14+$0x0], $0xffff  }
0xd7: {  	v7 =	vbroadcast v7, $0x0;
	[tilespmem:s11+$0xA460] =	vst v14;
	v13 =	vor.u32 v63, v5;
	v9 =	vld.idx.msk [tilespmem:v9+s14+$0x0], $0xffff  }
0xd8: {  	v8 =	vshll.u32 v8, v1;
	v14 =	vld.idx.msk [tilespmem:v19+s14+$0x0], $0xffff  }
0xd9: {  	v8 =	vbroadcast v8, $0x0;
	[tilespmem:s0+$0xA670] =	vst v12;
	v12 =	vor.u32 v43, v7  }
0xda: {  	v15 =	vor.u32 v58, v4;
	v17 =	vld.idx.msk [tilespmem:v18+s14+$0x0], $0xffff;
	[tilespmem:s0+$0xA6F0] =	vst v20  }
0xdb: {  	v18 =	vor.u32 v60, v8;
	[tilespmem:s0+$0xA770] =	vst v16;
	v10 =	vld.idx.msk [tilespmem:v10+s14+$0x0], $0xffff  }
0xdc: {  	v13 =	vld.idx.msk [tilespmem:v13+s14+$0x0], $0xffff;
	[tilespmem:s16+$0xA470] =	vst v9;
	v9 =	vor.u32 v34, v6  }
0xdd: {  	s2 =	sshll.u32 s4, $0x7;
	v0 =	vld [tilespmem:$0x1FCC0];
	[tilespmem:s11+$0xA470] =	vst v14;
	v14 =	vor.u32 v21, v5  }
0xde: {  	s6 =	sshll.u32 s6, $0x7;
	[tilespmem:s0+$0xA7F0] =	vst v11;
	s0 =	sand.u32 $0x3FFFFF80, s2;
	s16 =	sshll.u32 s12, $0x7;
	v12 =	vld.idx.msk [tilespmem:v12+s14+$0x0], $0xffff  }
0xdf: {  	s10 =	sshll.u32 s9, $0x7;
	v15 =	vld.idx.msk [tilespmem:v15+s14+$0x0], $0xffff;
	v16 =	vor.u32 v37, v3;
	s2 =	sand.u32 $0x3FFFFF80, s6;
	[tilespmem:s0+$0xA400] =	vst v17;
	s6 =	sand.u32 $0x3FFFFF80, s16  }
0xe0: {  	v11 =	vor.u32 v45, v4;
	s11 =	sand.u32 $0x3FFFFF80, s10;
	v18 =	vld.idx.msk [tilespmem:v18+s14+$0x0], $0xffff;
	[tilespmem:s6+$0xA400] =	vst v10  }
0xe1: {  	s9 =	sshll.u32 s30, $0x7;
	v17 =	vor.u32 v46, v7;
	[tilespmem:s11+$0xA400] =	vst v13;
	v9 =	vld.idx.msk [tilespmem:v9+s14+$0x0], $0xffff  }
0xe2: {  	s12 =	sand.u32 $0x3FFFFF80, s9;
	v14 =	vld.idx.msk [tilespmem:v14+s14+$0x0], $0xffff  }
0xe3: {  	v61 =	vld [tilespmem:$0x1FF50];
	s30 =	sshll.u32 s13, $0x7;
	[tilespmem:s12+$0xA400] =	vst v12;
	v12 =	vor.u32 v22, v5  }
0xe4: {  	s4 =	sand.u32 $0x3FFFFF80, s30;
	[tilespmem:s2+$0xA400] =	vst v15;
	v16 =	vld.idx.msk [tilespmem:v16+s14+$0x0], $0xffff  }
0xe5: {  	v15 =	vor.u32 v53, v8;
	v11 =	vld.idx.msk [tilespmem:v11+s14+$0x0], $0xffff;
	[tilespmem:s4+$0xA400] =	vst v18  }
0xe6: {  	v13 =	vor.u32 v51, v3;
	v17 =	vld.idx.msk [tilespmem:v17+s14+$0x0], $0xffff;
	[tilespmem:s6+$0xA410] =	vst v9  }
0xe7: {  	v18 =	vor.u32 v35, v6;
	v9 =	vor.u32 v0, v4;
	v0 =	vld [tilespmem:$0x1FC70];
	[tilespmem:s11+$0xA410] =	vst v14  }
0xe8: {  	v12 =	vld.idx.msk [tilespmem:v12+s14+$0x0], $0xffff  }
0xe9: {  	v19 =	vld [tilespmem:$0x1FF30];
	v10 =	vor.u32 v57, v4  }
0xea: {  	[tilespmem:s0+$0xA410] =	vst v16;
	v16 =	vor.u32 v47, v7;
	v15 =	vld.idx.msk [tilespmem:v15+s14+$0x0], $0xffff  }
0xeb: {  	v13 =	vld.idx.msk [tilespmem:v13+s14+$0x0], $0xffff;
	[tilespmem:s2+$0xA410] =	vst v11;
	v11 =	vor.u32 v44, v8  }
0xec: {  	[tilespmem:s12+$0xA410] =	vst v17;
	v17 =	vor.u32 v23, v5;
	v18 =	vld.idx.msk [tilespmem:v18+s14+$0x0], $0xffff  }
0xed: {  	[tilespmem:s11+$0xA420] =	vst v12;
	v12 =	vor.u32 v0, v3;
	v0 =	vld [tilespmem:$0x1FCD0]  }
0xee: {  	v14 =	vor.u32 v54, v3;
	v10 =	vld.idx.msk [tilespmem:v10+s14+$0x0], $0xffff  }
0xef: {  	[tilespmem:s4+$0xA410] =	vst v15;
	v16 =	vld.idx.msk [tilespmem:v16+s14+$0x0], $0xffff  }
0xf0: {  	v15 =	vor.u32 v38, v6;
	v11 =	vld.idx.msk [tilespmem:v11+s14+$0x0], $0xffff  }
0xf1: {  	[tilespmem:s0+$0xA420] =	vst v13;
	v13 =	vor.u32 v48, v7;
	v17 =	vld.idx.msk [tilespmem:v17+s14+$0x0], $0xffff  }
0xf2: {  	[tilespmem:s6+$0xA420] =	vst v18;
	v18 =	vor.u32 v0, v4;
	v0 =	vld [tilespmem:$0x1FC80]  }
0xf3: {  	v14 =	vld.idx.msk [tilespmem:v14+s14+$0x0], $0xffff;
	[tilespmem:s2+$0xA420] =	vst v10;
	v10 =	vor.u32 v62, v8  }
0xf4: {  	v9 =	vld.idx.msk [tilespmem:v9+s14+$0x0], $0xffff  }
0xf5: {  	[tilespmem:s12+$0xA420] =	vst v16;
	v16 =	vor.u32 v24, v5;
	v15 =	vld.idx.msk [tilespmem:v15+s14+$0x0], $0xffff  }
0xf6: {  	[tilespmem:s4+$0xA420] =	vst v11;
	v11 =	vor.u32 v39, v6;
	v13 =	vld.idx.msk [tilespmem:v13+s14+$0x0], $0xffff  }
0xf7: {  	[tilespmem:s11+$0xA430] =	vst v17;
	v17 =	vor.u32 v0, v3;
	v0 =	vld [tilespmem:$0x1FCE0]  }
0xf8: {  	[tilespmem:s0+$0xA430] =	vst v14;
	v14 =	vor.u32 v49, v7;
	v10 =	vld.idx.msk [tilespmem:v10+s14+$0x0], $0xffff  }
0xf9: {  	v12 =	vld.idx.msk [tilespmem:v12+s14+$0x0], $0xffff;
	[tilespmem:s2+$0xA430] =	vst v9  }
0xfa: {  	v9 =	vor.u32 v59, v8;
	[tilespmem:s6+$0xA430] =	vst v15;
	v16 =	vld.idx.msk [tilespmem:v16+s14+$0x0], $0xffff  }
0xfb: {  	[tilespmem:s12+$0xA430] =	vst v13;
	v13 =	vor.u32 v27, v5;
	v11 =	vld.idx.msk [tilespmem:v11+s14+$0x0], $0xffff  }
0xfc: {  	v15 =	vor.u32 v0, v4;
	v0 =	vld [tilespmem:$0x1FC90]  }
0xfd: {  	[tilespmem:s4+$0xA430] =	vst v10;
	v10 =	vor.u32 v40, v6;
	v14 =	vld.idx.msk [tilespmem:v14+s14+$0x0], $0xffff  }
0xfe: {  	v18 =	vld.idx.msk [tilespmem:v18+s14+$0x0], $0xffff;
	[tilespmem:s0+$0xA440] =	vst v12  }
0xff: {  	v12 =	vor.u32 v50, v7;
	v9 =	vld.idx.msk [tilespmem:v9+s14+$0x0], $0xffff;
	[tilespmem:s11+$0xA440] =	vst v16  }
0x100: {  	v13 =	vld.idx.msk [tilespmem:v13+s14+$0x0], $0xffff  }
0x101: {  	[tilespmem:s6+$0xA440] =	vst v11;
	v16 =	vor.u32 v0, v3;
	v0 =	vld [tilespmem:$0x1FCF0]  }
0x102: {  	[tilespmem:s12+$0xA440] =	vst v14;
	v14 =	vor.u32 v30, v5;
	v10 =	vld.idx.msk [tilespmem:v10+s14+$0x0], $0xffff  }
0x103: {  	v17 =	vld.idx.msk [tilespmem:v17+s14+$0x0], $0xffff;
	[tilespmem:s2+$0xA440] =	vst v18;
	v18 =	vor.u32 v56, v8  }
0x104: {  	v12 =	vld.idx.msk [tilespmem:v12+s14+$0x0], $0xffff  }
0x105: {  	[tilespmem:s4+$0xA440] =	vst v9;
	v15 =	vld.idx.msk [tilespmem:v15+s14+$0x0], $0xffff  }
0x106: {  	[tilespmem:s11+$0xA450] =	vst v13;
	v11 =	vor.u32 v0, v4;
	v0 =	vld [tilespmem:$0x1FCA0]  }
0x107: {  	v9 =	vor.u32 v41, v6;
	[tilespmem:s6+$0xA450] =	vst v10;
	v10 =	vld.idx.msk [tilespmem:v14+s14+$0x0], $0xffff  }
0x108: {  	v18 =	vld.idx.msk [tilespmem:v18+s14+$0x0], $0xffff  }
0x109: {  	v14 =	vld [tilespmem:$0x1FFA0];
	[tilespmem:s0+$0xA450] =	vst v17;
	v17 =	vor.u32 v28, v7  }
0x10a: {  	v16 =	vld.idx.msk [tilespmem:v16+s14+$0x0], $0xffff  }
0x10b: {  	[tilespmem:s2+$0xA450] =	vst v15;
	v15 =	vor.u32 v55, v8;
	v3 =	vor.u32 v0, v3;
	v0 =	vld [tilespmem:$0x1FD00]  }
0x10c: {  	[tilespmem:s12+$0xA450] =	vst v12;
	v9 =	vld.idx.msk [tilespmem:v9+s14+$0x0], $0xffff  }
0x10d: {  	v5 =	vor.u32 v32, v5;
	[tilespmem:s4+$0xA450] =	vst v18;
	v18 =	vld [tilespmem:$0x1FF20]  }
0x10e: {  	v6 =	vor.u32 v42, v6;
	v12 =	vld.idx.msk [tilespmem:v17+s14+$0x0], $0xffff  }
0x10f: {  	v7 =	vor.u32 v25, v7;
	v11 =	vld.idx.msk [tilespmem:v11+s14+$0x0], $0xffff  }
0x110: {  	[tilespmem:s0+$0xA460] =	vst v16;
	v13 =	vld.idx.msk [tilespmem:v15+s14+$0x0], $0xffff;
	v4 =	vor.u32 v0, v4  }
0x111: {  	[tilespmem:s11+$0xA460] =	vst v10;
	v8 =	vor.u32 v2, v8;
	v3 =	vld.idx.msk [tilespmem:v3+s14+$0x0], $0xffff  }
0x112: {  	[tilespmem:s6+$0xA460] =	vst v9;
	v5 =	vld.idx.msk [tilespmem:v5+s14+$0x0], $0xffff  }
0x113: {  	v6 =	vld.idx.msk [tilespmem:v6+s14+$0x0], $0xffff;
	[tilespmem:s12+$0xA460] =	vst v12  }
0x114: {  	v7 =	vld.idx.msk [tilespmem:v7+s14+$0x0], $0xffff;
	[tilespmem:s2+$0xA460] =	vst v11  }
0x115: {  	[tilespmem:s4+$0xA460] =	vst v13;
	v4 =	vld.idx.msk [tilespmem:v4+s14+$0x0], $0xffff  }
0x116: {  	p1 =	por p0, p0;
	[tilespmem:s0+$0xA470] =	vst v3;
	v3 =	vld.idx.msk [tilespmem:v8+s14+$0x0], $0xffff  }
.Ltmp0:
0x117: {  	v17 =	vld [tilespmem:$0x1FF10];
	[tilespmem:s11+$0xA470] =	vst v5;
	(pc) =	sbr.rel @p1 .LBB2_3-.Ltmp0, $4  }
0x118: {  	v16 =	vld [tilespmem:$0x1FF00];
	[tilespmem:s6+$0xA470] =	vst v6  }
0x119: {  	v15 =	vld [tilespmem:$0x1FF70];
	[tilespmem:s12+$0xA470] =	vst v7  }
0x11a: {  	v10 =	vmov v45;
	v12 =	vld [tilespmem:$0x1FF80];
	[tilespmem:s2+$0xA470] =	vst v4  }
0x11b: {  	p0 =	por $0x0, $0x0;
	s10 =	simm.s32 $0x10;
	v9 =	vmovc v37;
	v5 =	vmovc v36;
	v6 =	vmov v58;
	v11 =	vmov v26;
	v13 =	vld [tilespmem:$0x1FF90];
	v8 =	vmov v29;
	[tilespmem:s4+$0xA470] =	vst v3  }
0x11c: {  	s0 =	sshll.u32 s31, $0x10  }
0x11d: {  	p0 =	seq.s32 s31, $0x31;
	s2 =	sadd.s32 s0, s5  }
0x11e: {  	[hbm4b:s2+s20] =	stream.strided.scatter [tilespmem:s22], [sflag:$0x5], $0x1000, s21, s20, $0x38;
	[tilespmem:$0xC400] =	vst v63  }
0x11f: {  	p1 =	seq.s32 @!p0 s31, $0x0;
	_ =	swait.ge [sflag:s23], $0x1000  }
0x120: {  	s4 =	simm.s32 @!p0 $0x80;
	s9 =	simm.s32 @!p0 $0x6400;
	[sflag:s23] =	ssyncset.done $0x0  }
0x121: {  	s2 =	sadd.s32 @!p0 $0x200, s1;
	p1 =	por p0, !p1;
	[sflag:s23] =	ssyncadd.s32 $0xFFFFF000  }
0x122: {  	[tilespmem:s9], [sflag:$0x1] =	stream.indirect.gather @!p0 [hbm4b:s3+s4], $0x20, s2, s4, $0xb8;
	[tilespmem:$0xC400] =	vst v63  }
0x123: {  	_ =	swait.ge @p1 [sflag:s29], $0x1000  }
0x124: {  	v20 =	vld [tilespmem:$0x1FC10]  }
0x125: {  	v52 =	vld [tilespmem:$0x1FC60]  }
0x126: {  	v51 =	vld [tilespmem:$0x1FDE0]  }
0x127: {  	[sflag:s29] =	ssyncset.done @p1 $0x0;
	v29 =	vld [tilespmem:$0x1FE60]  }
0x128: {  	v28 =	vmov v31;
	s11 =	simm.s32 $0x0;
	v11 =	vmov v45;
	v45 =	vmov v36;
	v37 =	vld [tilespmem:$0x1FEE0];
	[sflag:s29] =	ssyncadd.s32 @p1 $0xFFFFF000;
	p1 =	por $0x1, $0x1  }
.LBB2_5:
0x129: {  	v0 =	vld [tilespmem:$0x1FFD0]  }
0x12a: {  	v54 =	vld [tilespmem:$0x1FC50]  }
0x12b: {  	v31 =	vld [tilespmem:$0x1FCB0]  }
0x12c: {  	v62 =	vld [tilespmem:$0x1FCC0]  }
0x12d: {  	v41 =	vld [tilespmem:$0x1FC70]  }
0x12e: {  	v63 =	vld [tilespmem:$0x1FCD0]  }
0x12f: {  	v3 =	vmov s11;
	v56 =	vld [tilespmem:$0x1FC20]  }
0x130: {  	v39 =	vld [tilespmem:$0x1FCE0];
	v3 =	vshrl.u32 v3, $0x3  }
0x131: {  	v60 =	vld [tilespmem:$0x1FC90];
	v3 =	vshll.u32 v3, v1  }
0x132: {  	v58 =	vld [tilespmem:$0x1FCF0];
	v3 =	vbroadcast v3, $0x0  }
0x133: {  	v21 =	vld [tilespmem:$0x1FC40]  }
0x134: {  	v36 =	vld [tilespmem:$0x1FCA0];
	v4 =	vor.u32 v28, v3  }
0x135: {  	v34 =	vld [tilespmem:$0x1FD00];
	v5 =	vor.u32 v15, v3  }
0x136: {  	v7 =	vor.u32 v0, v3;
	v0 =	vld [tilespmem:$0x1FFE0]  }
0x137: {  	v30 =	vld [tilespmem:$0x1FD90]  }
0x138: {  	v59 =	vld [tilespmem:$0x1FE90]  }
0x139: {  	v6 =	vor.u32 v45, v3;
	v4 =	vld.idx.msk [tilespmem:v4+s15+$0x0], $0xffff  }
0x13a: {  	v5 =	vld.idx.msk [tilespmem:v5+s15+$0x0], $0xffff  }
0x13b: {  	v8 =	vor.u32 v16, v3;
	v9 =	vor.u32 v0, v3;
	v0 =	vld [tilespmem:$0x1FFF0]  }
0x13c: {  	v22 =	vld [tilespmem:$0x1FD30]  }
0x13d: {  	s2 =	sshll.u32 s11, $0x7;
	v40 =	vld [tilespmem:$0x1FE30]  }
0x13e: {  	s10 =	sand.u32 $0x3FFFFF80, s2;
	v6 =	vld.idx.msk [tilespmem:v6+s15+$0x0], $0xffff  }
0x13f: {  	v7 =	vld.idx.msk [tilespmem:v7+s15+$0x0], $0xffff;
	[tilespmem:s10+$0xB400] =	vst v4  }
0x140: {  	v10 =	vor.u32 v0, v3;
	[tilespmem:s10+$0xB480] =	vst v5;
	v4 =	vld.idx.msk [tilespmem:v8+s15+$0x0], $0xffff  }
0x141: {  	v50 =	vmov v11;
	v11 =	vor.u32 v11, v3;
	v8 =	vld.idx.msk [tilespmem:v9+s15+$0x0], $0xffff  }
0x142: {  	v27 =	vld [tilespmem:$0x1FDC0];
	v43 =	vor.u32 v13, v3  }
0x143: {  	v23 =	vld [tilespmem:$0x1FD50]  }
0x144: {  	v33 =	vld [tilespmem:$0x1FDD0];
	v42 =	vor.u32 v17, v3;
	[tilespmem:s10+$0xB500] =	vst v6  }
0x145: {  	[tilespmem:s10+$0xB580] =	vst v7;
	v9 =	vld.idx.msk [tilespmem:v10+s15+$0x0], $0xffff  }
0x146: {  	v44 =	vor.u32 v54, v3;
	v10 =	vld.idx.msk [tilespmem:v11+s15+$0x0], $0xffff;
	[tilespmem:s10+$0xB490] =	vst v8  }
0x147: {  	v11 =	vor.u32 v31, v3;
	v6 =	vld.idx.msk [tilespmem:v43+s15+$0x0], $0xffff  }
0x148: {  	v26 =	vmov v61;
	v48 =	vor.u32 v61, v3;
	v61 =	vld [tilespmem:$0x1FC30];
	[tilespmem:s10+$0xB410] =	vst v4;
	v8 =	vor.u32 v14, v3  }
0x149: {  	v4 =	vld.idx.msk [tilespmem:v42+s15+$0x0], $0xffff  }
0x14a: {  	v45 =	vor.u32 v18, v3;
	v0 =	vld [tilespmem:$0x1FF70];
	[tilespmem:s10+$0xB510] =	vst v9  }
0x14b: {  	[tilespmem:s10+$0xB590] =	vst v10;
	v7 =	vld.idx.msk [tilespmem:v44+s15+$0x0], $0xffff  }
0x14c: {  	v9 =	vor.u32 v52, v3;
	v10 =	vld.idx.msk [tilespmem:v11+s15+$0x0], $0xffff;
	[tilespmem:s10+$0xB4A0] =	vst v6  }
0x14d: {  	v11 =	vor.u32 v62, v3;
	v6 =	vld.idx.msk [tilespmem:v8+s15+$0x0], $0xffff  }
0x14e: {  	v47 =	vor.u32 v20, v3;
	v43 =	vld [tilespmem:$0x1FD20];
	[tilespmem:s10+$0xB420] =	vst v4  }
0x14f: {  	v4 =	vld.idx.msk [tilespmem:v45+s15+$0x0], $0xffff  }
0x150: {  	v46 =	vor.u32 v19, v3;
	v42 =	vld [tilespmem:$0x1FE50];
	[tilespmem:s10+$0xB520] =	vst v7  }
0x151: {  	[tilespmem:s10+$0xB5A0] =	vst v10;
	v8 =	vld.idx.msk [tilespmem:v9+s15+$0x0], $0xffff  }
0x152: {  	v10 =	vld.idx.msk [tilespmem:v11+s15+$0x0], $0xffff;
	[tilespmem:s10+$0xB4B0] =	vst v6  }
0x153: {  	v9 =	vor.u32 v41, v3;
	v6 =	vld.idx.msk [tilespmem:v47+s15+$0x0], $0xffff  }
0x154: {  	v11 =	vor.u32 v63, v3;
	[tilespmem:s10+$0xB430] =	vst v4;
	v47 =	vld [tilespmem:$0x1FC80]  }
0x155: {  	v4 =	vld.idx.msk [tilespmem:v46+s15+$0x0], $0xffff  }
0x156: {  	v46 =	vld [tilespmem:$0x1FD10]  }
0x157: {  	v49 =	vor.u32 v56, v3;
	v45 =	vld [tilespmem:$0x1FF40];
	[tilespmem:s10+$0xB530] =	vst v8  }
0x158: {  	[tilespmem:s10+$0xB5B0] =	vst v10;
	v8 =	vld.idx.msk [tilespmem:v9+s15+$0x0], $0xffff  }
0x159: {  	s6 =	sor.u32 $0x8, s11;
	v10 =	vld.idx.msk [tilespmem:v11+s15+$0x0], $0xffff;
	v9 =	vor.u32 v47, v3  }
0x15a: {  	s4 =	sor.u32 $0x9, s11;
	v24 =	vor.u32 v12, v3;
	v12 =	vmov s6;
	v44 =	vld [tilespmem:$0x1FEC0];
	v11 =	vor.u32 v39, v3;
	[tilespmem:s10+$0xB440] =	vst v4  }
0x15b: {  	v35 =	vshrl.u32 v12, $0x3;
	v12 =	vmov s4;
	[tilespmem:s10+$0xB4C0] =	vst v6;
	v13 =	vor.u32 v46, v3;
	v4 =	vld.idx.msk [tilespmem:v48+s15+$0x0], $0xffff  }
0x15c: {  	v6 =	vld.idx.msk [tilespmem:v49+s15+$0x0], $0xffff;
	v48 =	vshrl.u32 v12, $0x3  }
0x15d: {  	v53 =	vor.u32 v45, v3;
	v5 =	vshll.u32 v48, v1;
	v48 =	vld [tilespmem:$0x1FED0];
	[tilespmem:s10+$0xB540] =	vst v8  }
0x15e: {  	v55 =	vor.u32 v61, v3;
	v5 =	vbroadcast v5, $0x0;
	[tilespmem:s10+$0xB5C0] =	vst v10;
	v8 =	vld.idx.msk [tilespmem:v9+s15+$0x0], $0xffff  }
0x15f: {  	v10 =	vld.idx.msk [tilespmem:v11+s15+$0x0], $0xffff  }
0x160: {  	v13 =	vld.idx.msk [tilespmem:v13+s15+$0x0], $0xffff;
	v15 =	vor.u32 v0, v5  }
0x161: {  	v9 =	vor.u32 v60, v3;
	v0 =	vld [tilespmem:$0x1FE20];
	[tilespmem:s10+$0xB450] =	vst v4  }
0x162: {  	v11 =	vor.u32 v58, v3;
	[tilespmem:s10+$0xB4D0] =	vst v6;
	v4 =	vld.idx.msk [tilespmem:v53+s15+$0x0], $0xffff  }
0x163: {  	v38 =	vor.u32 v30, v3;
	v6 =	vld.idx.msk [tilespmem:v55+s15+$0x0], $0xffff  }
0x164: {  	v55 =	vld [tilespmem:$0x1FE10]  }
0x165: {  	[tilespmem:s10+$0xB550] =	vst v8;
	v15 =	vld.idx.msk [tilespmem:v15+s15+$0x0], $0xffff  }
0x166: {  	[tilespmem:s10+$0xB5D0] =	vst v10;
	v8 =	vld.idx.msk [tilespmem:v9+s15+$0x0], $0xffff  }
0x167: {  	v25 =	vor.u32 v21, v3;
	v10 =	vld.idx.msk [tilespmem:v11+s15+$0x0], $0xffff;
	[tilespmem:s10+$0xB460] =	vst v4;
	v4 =	vshll.u32 v35, v1  }
0x168: {  	v9 =	vor.u32 v36, v3;
	[tilespmem:s10+$0xB4E0] =	vst v6;
	v6 =	vld.idx.msk [tilespmem:v38+s15+$0x0], $0xffff;
	v4 =	vbroadcast v4, $0x0  }
0x169: {  	v11 =	vor.u32 v34, v3;
	v14 =	vld.idx.msk [tilespmem:v24+s15+$0x0], $0xffff  }
0x16a: {  	v35 =	vld [tilespmem:$0x1FDA0];
	v12 =	vor.u32 v28, v4  }
0x16b: {  	v38 =	vld [tilespmem:$0x1FDB0];
	[tilespmem:s10+$0xB560] =	vst v8;
	v8 =	vor.u32 v55, v3  }
0x16c: {  	v7 =	vld.idx.msk [tilespmem:v25+s15+$0x0], $0xffff;
	[tilespmem:s10+$0xB5E0] =	vst v10;
	v10 =	vor.u32 v59, v3  }
0x16d: {  	v9 =	vld.idx.msk [tilespmem:v9+s15+$0x0], $0xffff  }
0x16e: {  	v11 =	vld.idx.msk [tilespmem:v11+s15+$0x0], $0xffff;
	[tilespmem:s10+$0xB470] =	vst v14;
	v14 =	vor.u32 v43, v3  }
0x16f: {  	s2 =	sshll.u32 s6, $0x7;
	s9 =	sshll.u32 s4, $0x7;
	v49 =	vor.u32 v35, v3;
	v12 =	vld.idx.msk [tilespmem:v12+s15+$0x0], $0xffff  }
0x170: {  	s16 =	sand.u32 $0x3FFFFF80, s2;
	s2 =	sand.u32 $0xC00, s9;
	[tilespmem:s10+$0xB600] =	vst v13;
	v8 =	vld.idx.msk [tilespmem:v8+s15+$0x0], $0xffff  }
0x171: {  	[tilespmem:s2+$0xB480] =	vst v15;
	v10 =	vld.idx.msk [tilespmem:v10+s15+$0x0], $0xffff  }
0x172: {  	[tilespmem:s10+$0xB570] =	vst v9;
	v9 =	vor.u32 v0, v3;
	v0 =	vld [tilespmem:$0x1FEA0]  }
0x173: {  	[tilespmem:s10+$0xB680] =	vst v6;
	v14 =	vld.idx.msk [tilespmem:v14+s15+$0x0], $0xffff  }
0x174: {  	v13 =	vor.u32 v16, v4;
	v16 =	vor.u32 v22, v3;
	[tilespmem:s10+$0xB4F0] =	vst v7;
	v7 =	vld.idx.msk [tilespmem:v49+s15+$0x0], $0xffff  }
0x175: {  	[tilespmem:s10+$0xB5F0] =	vst v11;
	v49 =	vld [tilespmem:$0x1FD40]  }
0x176: {  	v25 =	vld [tilespmem:$0x1FEB0];
	[tilespmem:s10+$0xB700] =	vst v8;
	v8 =	vor.u32 v38, v3  }
0x177: {  	[tilespmem:s16+$0xB400] =	vst v12;
	v11 =	vor.u32 v0, v3;
	v0 =	vld [tilespmem:$0x1FFE0]  }
0x178: {  	v9 =	vld.idx.msk [tilespmem:v9+s15+$0x0], $0xffff;
	[tilespmem:s10+$0xB610] =	vst v14  }
0x179: {  	[tilespmem:s10+$0xB780] =	vst v10;
	v10 =	vor.u32 v40, v3;
	v15 =	vld.idx.msk [tilespmem:v16+s15+$0x0], $0xffff  }
0x17a: {  	v13 =	vld.idx.msk [tilespmem:v13+s15+$0x0], $0xffff;
	[tilespmem:s10+$0xB690] =	vst v7;
	v16 =	vor.u32 v49, v3  }
0x17b: {  	v14 =	vor.u32 v17, v4;
	v8 =	vld.idx.msk [tilespmem:v8+s15+$0x0], $0xffff  }
0x17c: {  	v53 =	vor.u32 v0, v5;
	v0 =	vld [tilespmem:$0x1FF90]  }
0x17d: {  	v11 =	vld.idx.msk [tilespmem:v11+s15+$0x0], $0xffff;
	[tilespmem:s10+$0xB710] =	vst v9  }
0x17e: {  	v9 =	vor.u32 v27, v3;
	v10 =	vld.idx.msk [tilespmem:v10+s15+$0x0], $0xffff;
	[tilespmem:s10+$0xB620] =	vst v15  }
0x17f: {  	v12 =	vor.u32 v25, v3;
	[tilespmem:s16+$0xB410] =	vst v13;
	v15 =	vld.idx.msk [tilespmem:v16+s15+$0x0], $0xffff  }
0x180: {  	v14 =	vld.idx.msk [tilespmem:v14+s15+$0x0], $0xffff;
	v16 =	vor.u32 v23, v3  }
0x181: {  	v57 =	vor.u32 v0, v5;
	v0 =	vld [tilespmem:$0x1FE40]  }
0x182: {  	v24 =	vor.u32 v18, v4;
	[tilespmem:s10+$0xB6A0] =	vst v8;
	v6 =	vld.idx.msk [tilespmem:v53+s15+$0x0], $0xffff  }
0x183: {  	[tilespmem:s10+$0xB790] =	vst v11;
	v9 =	vld.idx.msk [tilespmem:v9+s15+$0x0], $0xffff  }
0x184: {  	v12 =	vld.idx.msk [tilespmem:v12+s15+$0x0], $0xffff;
	[tilespmem:s10+$0xB630] =	vst v15  }
0x185: {  	[tilespmem:s10+$0xB720] =	vst v10;
	v10 =	vor.u32 v33, v3;
	v15 =	vld.idx.msk [tilespmem:v16+s15+$0x0], $0xffff  }
0x186: {  	v13 =	vor.u32 v44, v3;
	[tilespmem:s16+$0xB420] =	vst v14;
	v11 =	vor.u32 v0, v3;
	v0 =	vld [tilespmem:$0x1FFA0]  }
0x187: {  	[tilespmem:s2+$0xB490] =	vst v6;
	v6 =	vld.idx.msk [tilespmem:v24+s15+$0x0], $0xffff  }
0x188: {  	v24 =	vld [tilespmem:$0x1FD60]  }
0x189: {  	[tilespmem:s10+$0xB6B0] =	vst v9;
	v7 =	vld.idx.msk [tilespmem:v57+s15+$0x0], $0xffff  }
0x18a: {  	v32 =	vor.u32 v19, v4;
	[tilespmem:s10+$0xB7A0] =	vst v12;
	v10 =	vld.idx.msk [tilespmem:v10+s15+$0x0], $0xffff  }
0x18b: {  	v13 =	vld.idx.msk [tilespmem:v13+s15+$0x0], $0xffff  }
0x18c: {  	v14 =	vor.u32 v48, v3;
	v57 =	vld [tilespmem:$0x1FE70]  }
0x18d: {  	v11 =	vld.idx.msk [tilespmem:v11+s15+$0x0], $0xffff  }
0x18e: {  	v8 =	vor.u32 v0, v5;
	[tilespmem:s16+$0xB430] =	vst v6;
	v0 =	vld [tilespmem:$0x1FE00]  }
0x18f: {  	[tilespmem:s2+$0xB4A0] =	vst v7;
	v7 =	vld.idx.msk [tilespmem:v32+s15+$0x0], $0xffff  }
0x190: {  	v16 =	vor.u32 v24, v3;
	v32 =	vld [tilespmem:$0x1FD70];
	[tilespmem:s10+$0xB7B0] =	vst v13  }
0x191: {  	v12 =	vor.u32 v42, v3;
	v14 =	vld.idx.msk [tilespmem:v14+s15+$0x0], $0xffff  }
0x192: {  	v53 =	vor.u32 v37, v3;
	[tilespmem:s10+$0xB6C0] =	vst v10;
	v10 =	vor.u32 v56, v5;
	v56 =	vld [tilespmem:$0x1FEF0]  }
0x193: {  	v13 =	vor.u32 v29, v3;
	v29 =	vld [tilespmem:$0x1FDF0];
	[tilespmem:s10+$0xB730] =	vst v11;
	v11 =	vor.u32 v51, v3  }
0x194: {  	[tilespmem:s10+$0xB640] =	vst v15;
	v8 =	vld.idx.msk [tilespmem:v8+s15+$0x0], $0xffff  }
0x195: {  	v15 =	vld.idx.msk [tilespmem:v16+s15+$0x0], $0xffff  }
0x196: {  	v9 =	vor.u32 v20, v5;
	v12 =	vld.idx.msk [tilespmem:v12+s15+$0x0], $0xffff;
	[tilespmem:s10+$0xB7C0] =	vst v14  }
0x197: {  	v16 =	vor.u32 v32, v3;
	v6 =	vld.idx.msk [tilespmem:v53+s15+$0x0], $0xffff  }
0x198: {  	v11 =	vld.idx.msk [tilespmem:v11+s15+$0x0], $0xffff  }
0x199: {  	[tilespmem:s2+$0xB4B0] =	vst v8;
	v8 =	vor.u32 v26, v4;
	v26 =	vld [tilespmem:$0x1FD80]  }
0x19a: {  	v17 =	vor.u32 v56, v3;
	[tilespmem:s10+$0xB650] =	vst v15;
	v15 =	vor.u32 v45, v4;
	v45 =	vld [tilespmem:$0x1FF60]  }
0x19b: {  	v9 =	vld.idx.msk [tilespmem:v9+s15+$0x0], $0xffff  }
0x19c: {  	[tilespmem:s10+$0xB740] =	vst v12;
	v12 =	vor.u32 v29, v3;
	v16 =	vld.idx.msk [tilespmem:v16+s15+$0x0], $0xffff  }
0x19d: {  	[tilespmem:s16+$0xB440] =	vst v7;
	v13 =	vld.idx.msk [tilespmem:v13+s15+$0x0], $0xffff  }
0x19e: {  	v14 =	vor.u32 v57, v3;
	[tilespmem:s10+$0xB7D0] =	vst v6;
	v8 =	vld.idx.msk [tilespmem:v8+s15+$0x0], $0xffff  }
0x19f: {  	v7 =	vor.u32 v26, v3;
	[tilespmem:s10+$0xB6D0] =	vst v11;
	v17 =	vld.idx.msk [tilespmem:v17+s15+$0x0], $0xffff  }
0x1a0: {  	[tilespmem:s2+$0xB4C0] =	vst v9;
	v9 =	vor.u32 v0, v3;
	v0 =	vld [tilespmem:$0x1FE80]  }
0x1a1: {  	s9 =	sor.u32 $0xB, s11;
	v12 =	vld.idx.msk [tilespmem:v12+s15+$0x0], $0xffff  }
0x1a2: {  	v19 =	vmov s9;
	v10 =	vld.idx.msk [tilespmem:v10+s15+$0x0], $0xffff;
	[tilespmem:s10+$0xB750] =	vst v13  }
0x1a3: {  	v19 =	vshrl.u32 v19, $0x3;
	[tilespmem:s10+$0xB660] =	vst v16;
	v14 =	vld.idx.msk [tilespmem:v14+s15+$0x0], $0xffff  }
0x1a4: {  	v11 =	vor.u32 v61, v5;
	v61 =	vshll.u32 v19, v1;
	v19 =	vld.idx.msk [tilespmem:v7+s15+$0x0], $0xffff  }
0x1a5: {  	s4 =	sor.u32 $0xA, s11;
	v20 =	vor.u32 v2, v3;
	[tilespmem:s16+$0xB450] =	vst v8;
	v13 =	vor.u32 v0, v3;
	v0 =	vld [tilespmem:$0x1FF80]  }
0x1a6: {  	v18 =	vmov s4;
	v15 =	vld.idx.msk [tilespmem:v15+s15+$0x0], $0xffff;
	[tilespmem:s10+$0xB6E0] =	vst v12  }
0x1a7: {  	v18 =	vshrl.u32 v18, $0x3;
	v9 =	vld.idx.msk [tilespmem:v9+s15+$0x0], $0xffff  }
0x1a8: {  	v18 =	vshll.u32 v18, v1;
	[tilespmem:s2+$0xB4D0] =	vst v10;
	v10 =	vor.u32 v21, v5;
	v21 =	vld [tilespmem:$0x1FE20]  }
0x1a9: {  	[tilespmem:s10+$0xB7E0] =	vst v17;
	v3 =	vbroadcast v18, $0x0;
	v11 =	vld.idx.msk [tilespmem:v11+s15+$0x0], $0xffff  }
0x1aa: {  	s12 =	sor.u32 $0xC, s11;
	[tilespmem:s10+$0xB760] =	vst v14;
	v14 =	vld.idx.msk [tilespmem:v20+s15+$0x0], $0xffff  }
0x1ab: {  	v53 =	vmov s12;
	v18 =	vor.u32 v45, v3;
	v20 =	vld [tilespmem:$0x1FC10]  }
0x1ac: {  	s13 =	sor.u32 $0xD, s11;
	v8 =	vor.u32 v0, v4;
	v4 =	vbroadcast v61, $0x0;
	v61 =	vshrl.u32 v53, $0x3;
	v0 =	vld [tilespmem:$0x1FFD0]  }
0x1ad: {  	s30 =	sor.u32 $0xE, s11;
	[tilespmem:s10+$0xB670] =	vst v19;
	v19 =	vld [tilespmem:$0x1FF30];
	v53 =	vmov s13;
	v5 =	vshll.u32 v61, v1  }
0x1ae: {  	v13 =	vld.idx.msk [tilespmem:v13+s15+$0x0], $0xffff;
	v6 =	vshrl.u32 v53, $0x3;
	v61 =	vmov s30;
	v5 =	vbroadcast v5, $0x0  }
0x1af: {  	s6 =	sor.u32 $0xF, s11;
	[tilespmem:s16+$0xB460] =	vst v15;
	v6 =	vshll.u32 v6, v1;
	v7 =	vshrl.u32 v61, $0x3;
	v61 =	vld [tilespmem:$0x1FF50]  }
0x1b0: {  	v12 =	vmov s6;
	[tilespmem:s10+$0xB6F0] =	vst v9;
	v9 =	vld.idx.msk [tilespmem:v18+s15+$0x0], $0xffff;
	v6 =	vbroadcast v6, $0x0;
	v15 =	vor.u32 v46, v5  }
0x1b1: {  	v12 =	vshrl.u32 v12, $0x3;
	v7 =	vshll.u32 v7, v1;
	v16 =	vor.u32 v0, v4;
	v0 =	vld [tilespmem:$0x1FFF0]  }
0x1b2: {  	v12 =	vshll.u32 v12, v1;
	[tilespmem:s2+$0xB4E0] =	vst v11;
	v7 =	vbroadcast v7, $0x0;
	v17 =	vld.idx.msk [tilespmem:v8+s15+$0x0], $0xffff;
	v11 =	vor.u32 v30, v6  }
0x1b3: {  	v10 =	vld.idx.msk [tilespmem:v10+s15+$0x0], $0xffff;
	v8 =	vbroadcast v12, $0x0  }
0x1b4: {  	v30 =	vld [tilespmem:$0x1FEA0];
	v12 =	vor.u32 v55, v7  }
0x1b5: {  	v18 =	vor.u32 v59, v8;
	v15 =	vld.idx.msk [tilespmem:v15+s15+$0x0], $0xffff  }
0x1b6: {  	[tilespmem:s10+$0xB770] =	vst v13;
	v13 =	vor.u32 v0, v3;
	v16 =	vld.idx.msk [tilespmem:v16+s15+$0x0], $0xffff  }
0x1b7: {  	[tilespmem:s16+$0xB470] =	vst v17;
	v17 =	vor.u32 v43, v5;
	v11 =	vld.idx.msk [tilespmem:v11+s15+$0x0], $0xffff  }
0x1b8: {  	s4 =	sshll.u32 s4, $0x7;
	[tilespmem:s10+$0xB7F0] =	vst v14;
	v14 =	vor.u32 v50, v4;
	v0 =	vld [tilespmem:$0x1FE00]  }
0x1b9: {  	s12 =	sshll.u32 s12, $0x7;
	[tilespmem:s2+$0xB4F0] =	vst v10;
	s2 =	sand.u32 $0xC00, s4;
	v10 =	vor.u32 v35, v6;
	v12 =	vld.idx.msk [tilespmem:v12+s15+$0x0], $0xffff  }
0x1ba: {  	s10 =	sshll.u32 s9, $0x7;
	[tilespmem:s2+$0xB500] =	vst v9;
	v9 =	vor.u32 v21, v7;
	s16 =	sand.u32 $0xC00, s12;
	v18 =	vld.idx.msk [tilespmem:v18+s15+$0x0], $0xffff  }
0x1bb: {  	s9 =	sshll.u32 s13, $0x7;
	s11 =	sand.u32 $0xC00, s10;
	[tilespmem:s16+$0xB600] =	vst v15;
	v13 =	vld.idx.msk [tilespmem:v13+s15+$0x0], $0xffff  }
0x1bc: {  	s13 =	sshll.u32 s30, $0x7;
	s12 =	sand.u32 $0xC00, s9;
	[tilespmem:s11+$0xB580] =	vst v16;
	v16 =	vor.u32 v30, v8;
	v17 =	vld.idx.msk [tilespmem:v17+s15+$0x0], $0xffff  }
0x1bd: {  	s6 =	sshll.u32 s6, $0x7;
	s4 =	sand.u32 $0xC00, s13;
	v15 =	vor.u32 v54, v3;
	[tilespmem:s12+$0xB680] =	vst v11;
	v14 =	vld.idx.msk [tilespmem:v14+s15+$0x0], $0xffff  }
0x1be: {  	s30 =	sand.u32 $0xC00, s6;
	[tilespmem:s4+$0xB700] =	vst v12;
	v12 =	vor.u32 v22, v5;
	v10 =	vld.idx.msk [tilespmem:v10+s15+$0x0], $0xffff  }
0x1bf: {  	v11 =	vor.u32 v31, v4;
	[tilespmem:s30+$0xB780] =	vst v18;
	v9 =	vld.idx.msk [tilespmem:v9+s15+$0x0], $0xffff  }
0x1c0: {  	v31 =	vld [tilespmem:$0x1FE40];
	v18 =	vor.u32 v38, v6;
	[tilespmem:s2+$0xB510] =	vst v13  }
0x1c1: {  	v13 =	vor.u32 v40, v7;
	v16 =	vld.idx.msk [tilespmem:v16+s15+$0x0], $0xffff;
	[tilespmem:s16+$0xB610] =	vst v17  }
0x1c2: {  	v15 =	vld.idx.msk [tilespmem:v15+s15+$0x0], $0xffff;
	[tilespmem:s11+$0xB590] =	vst v14;
	v14 =	vor.u32 v25, v8  }
0x1c3: {  	v17 =	vor.u32 v52, v3;
	[tilespmem:s12+$0xB690] =	vst v10;
	v12 =	vld.idx.msk [tilespmem:v12+s15+$0x0], $0xffff  }
0x1c4: {  	v11 =	vld.idx.msk [tilespmem:v11+s15+$0x0], $0xffff;
	[tilespmem:s4+$0xB710] =	vst v9;
	v9 =	vor.u32 v49, v5  }
0x1c5: {  	v10 =	vor.u32 v62, v4;
	v18 =	vld.idx.msk [tilespmem:v18+s15+$0x0], $0xffff  }
0x1c6: {  	[tilespmem:s30+$0xB790] =	vst v16;
	v13 =	vld.idx.msk [tilespmem:v13+s15+$0x0], $0xffff  }
0x1c7: {  	v16 =	vor.u32 v27, v6;
	[tilespmem:s2+$0xB520] =	vst v15;
	v14 =	vld.idx.msk [tilespmem:v14+s15+$0x0], $0xffff  }
0x1c8: {  	v15 =	vor.u32 v31, v7;
	[tilespmem:s16+$0xB620] =	vst v12;
	v17 =	vld.idx.msk [tilespmem:v17+s15+$0x0], $0xffff  }
0x1c9: {  	[tilespmem:s11+$0xB5A0] =	vst v11;
	v11 =	vor.u32 v44, v8;
	v9 =	vld.idx.msk [tilespmem:v9+s15+$0x0], $0xffff  }
0x1ca: {  	v12 =	vor.u32 v41, v3;
	v10 =	vld.idx.msk [tilespmem:v10+s15+$0x0], $0xffff  }
0x1cb: {  	[tilespmem:s12+$0xB6A0] =	vst v18;
	v18 =	vor.u32 v63, v4;
	v63 =	vld [tilespmem:$0x1FE80]  }
0x1cc: {  	[tilespmem:s4+$0xB720] =	vst v13;
	v13 =	vor.u32 v23, v5;
	v16 =	vld.idx.msk [tilespmem:v16+s15+$0x0], $0xffff  }
0x1cd: {  	[tilespmem:s30+$0xB7A0] =	vst v14;
	v14 =	vor.u32 v33, v6;
	v15 =	vld.idx.msk [tilespmem:v15+s15+$0x0], $0xffff  }
0x1ce: {  	[tilespmem:s2+$0xB530] =	vst v17;
	v17 =	vor.u32 v42, v7;
	v11 =	vld.idx.msk [tilespmem:v11+s15+$0x0], $0xffff  }
0x1cf: {  	v12 =	vld.idx.msk [tilespmem:v12+s15+$0x0], $0xffff;
	[tilespmem:s11+$0xB5B0] =	vst v10  }
0x1d0: {  	[tilespmem:s16+$0xB630] =	vst v9;
	v10 =	vor.u32 v48, v8;
	v18 =	vld.idx.msk [tilespmem:v18+s15+$0x0], $0xffff  }
0x1d1: {  	v9 =	vor.u32 v47, v3;
	[tilespmem:s12+$0xB6B0] =	vst v16;
	v13 =	vld.idx.msk [tilespmem:v13+s15+$0x0], $0xffff  }
0x1d2: {  	v16 =	vor.u32 v39, v4;
	[tilespmem:s4+$0xB730] =	vst v15;
	v14 =	vld.idx.msk [tilespmem:v14+s15+$0x0], $0xffff  }
0x1d3: {  	v15 =	vor.u32 v24, v5;
	[tilespmem:s30+$0xB7B0] =	vst v11;
	v17 =	vld.idx.msk [tilespmem:v17+s15+$0x0], $0xffff  }
0x1d4: {  	v11 =	vor.u32 v51, v6;
	[tilespmem:s2+$0xB540] =	vst v12;
	v12 =	vld [tilespmem:$0x1FE60]  }
0x1d5: {  	v10 =	vld.idx.msk [tilespmem:v10+s15+$0x0], $0xffff  }
0x1d6: {  	v9 =	vld.idx.msk [tilespmem:v9+s15+$0x0], $0xffff;
	[tilespmem:s11+$0xB5C0] =	vst v18;
	v18 =	vor.u32 v37, v8  }
0x1d7: {  	[tilespmem:s16+$0xB640] =	vst v13;
	v13 =	vor.u32 v60, v3;
	v16 =	vld.idx.msk [tilespmem:v16+s15+$0x0], $0xffff  }
0x1d8: {  	[tilespmem:s12+$0xB6C0] =	vst v14;
	v15 =	vld.idx.msk [tilespmem:v15+s15+$0x0], $0xffff  }
0x1d9: {  	[tilespmem:s4+$0xB740] =	vst v17;
	v11 =	vld.idx.msk [tilespmem:v11+s15+$0x0], $0xffff;
	v12 =	vor.u32 v12, v7  }
0x1da: {  	v14 =	vor.u32 v58, v4;
	[tilespmem:s30+$0xB7C0] =	vst v10;
	v10 =	vor.u32 v29, v6;
	v29 =	vld [tilespmem:$0x1FE60]  }
0x1db: {  	v17 =	vor.u32 v32, v5;
	[tilespmem:s2+$0xB550] =	vst v9;
	v18 =	vld.idx.msk [tilespmem:v18+s15+$0x0], $0xffff  }
0x1dc: {  	v13 =	vld.idx.msk [tilespmem:v13+s15+$0x0], $0xffff  }
0x1dd: {  	v3 =	vor.u32 v36, v3;
	[tilespmem:s16+$0xB650] =	vst v15;
	v15 =	vld [tilespmem:$0x1FF70]  }
0x1de: {  	[tilespmem:s11+$0xB5D0] =	vst v16;
	v16 =	vor.u32 v56, v8;
	v12 =	vld.idx.msk [tilespmem:v12+s15+$0x0], $0xffff  }
0x1df: {  	v9 =	vor.u32 v57, v7;
	v14 =	vld.idx.msk [tilespmem:v14+s15+$0x0], $0xffff  }
0x1e0: {  	[tilespmem:s12+$0xB6D0] =	vst v11;
	v11 =	vld.idx.msk [tilespmem:v17+s15+$0x0], $0xffff  }
0x1e1: {  	v4 =	vor.u32 v34, v4;
	v10 =	vld.idx.msk [tilespmem:v10+s15+$0x0], $0xffff;
	[tilespmem:s2+$0xB560] =	vst v13  }
0x1e2: {  	v5 =	vor.u32 v26, v5;
	[tilespmem:s30+$0xB7D0] =	vst v18;
	v3 =	vld.idx.msk [tilespmem:v3+s15+$0x0], $0xffff  }
0x1e3: {  	v6 =	vor.u32 v0, v6;
	[tilespmem:s4+$0xB750] =	vst v12;
	v12 =	vld.idx.msk [tilespmem:v16+s15+$0x0], $0xffff  }
0x1e4: {  	v8 =	vor.u32 v2, v8;
	[tilespmem:s11+$0xB5E0] =	vst v14;
	v9 =	vld.idx.msk [tilespmem:v9+s15+$0x0], $0xffff  }
0x1e5: {  	v7 =	vor.u32 v63, v7;
	v17 =	vld [tilespmem:$0x1FF10];
	[tilespmem:s16+$0xB660] =	vst v11  }
0x1e6: {  	v4 =	vld.idx.msk [tilespmem:v4+s15+$0x0], $0xffff;
	[tilespmem:s12+$0xB6E0] =	vst v10  }
0x1e7: {  	v5 =	vld.idx.msk [tilespmem:v5+s15+$0x0], $0xffff;
	[tilespmem:s2+$0xB570] =	vst v3  }
0x1e8: {  	v6 =	vld.idx.msk [tilespmem:v6+s15+$0x0], $0xffff;
	[tilespmem:s30+$0xB7E0] =	vst v12  }
0x1e9: {  	[tilespmem:s4+$0xB760] =	vst v9;
	v3 =	vld.idx.msk [tilespmem:v8+s15+$0x0], $0xffff  }
0x1ea: {  	p2 =	por p1, p1;
	v7 =	vld.idx.msk [tilespmem:v7+s15+$0x0], $0xffff  }
.Ltmp1:
0x1eb: {  	v18 =	vld [tilespmem:$0x1FF20];
	[tilespmem:s11+$0xB5F0] =	vst v4;
	(pc) =	sbr.rel @p2 .LBB2_5-.Ltmp1, $4  }
0x1ec: {  	v13 =	vld [tilespmem:$0x1FF90];
	[tilespmem:s16+$0xB670] =	vst v5  }
0x1ed: {  	v14 =	vld [tilespmem:$0x1FFA0];
	[tilespmem:s12+$0xB6F0] =	vst v6  }
0x1ee: {  	v16 =	vld [tilespmem:$0x1FF00];
	[tilespmem:s30+$0xB7F0] =	vst v3  }
0x1ef: {  	p1 =	por $0x0, $0x0;
	v11 =	vmov v50;
	s11 =	simm.s32 $0x10;
	v12 =	vld [tilespmem:$0x1FF80];
	[tilespmem:s4+$0xB770] =	vst v7  }
0x1f0: {  	s2 =	rddreg [dreg:$0x4]  }
0x1f1: {  	s2 =	sadd.s32 s0, s2  }
0x1f2: {  	[hbm4b:s2+s20] =	stream.strided.scatter [tilespmem:s24], [sflag:$0x6], $0x1000, s21, s20, $0x38;
	[tilespmem:$0xC400] =	vst v63  }
0x1f3: {  	_ =	swait.ge [sflag:s25], $0x1000  }
0x1f4: {  	s4 =	simm.s32 @!p0 $0x80;
	[sflag:s25] =	ssyncset.done $0x0  }
0x1f5: {  	s6 =	simm.s32 @!p0 $0x7400;
	s2 =	sadd.s32 @!p0 $0x280, s1;
	[sflag:s25] =	ssyncadd.s32 $0xFFFFF000  }
0x1f6: {  	[tilespmem:s6], [sflag:$0x2] =	stream.indirect.gather @!p0 [hbm4b:s3+s4], $0x20, s2, s4, $0xb8;
	[tilespmem:$0xC400] =	vst v63  }
0x1f7: {  	_ =	swait.ge [sflag:s26], $0x1000  }
0x1f8: {  	v40 =	vld [tilespmem:$0x1FC90]  }
0x1f9: {  	v42 =	vld [tilespmem:$0x1FCA0]  }
0x1fa: {  	v21 =	vld [tilespmem:$0x1FCC0]  }
0x1fb: {  	v29 =	vld [tilespmem:$0x1FD20]  }
0x1fc: {  	v59 =	vld [tilespmem:$0x1FD30]  }
0x1fd: {  	v22 =	vld [tilespmem:$0x1FCD0]  }
0x1fe: {  	v23 =	vld [tilespmem:$0x1FCE0]  }
0x1ff: {  	v24 =	vld [tilespmem:$0x1FCF0]  }
0x200: {  	v35 =	vld [tilespmem:$0x1FDB0]  }
0x201: {  	v62 =	vld [tilespmem:$0x1FDC0]  }
0x202: {  	[sflag:s26] =	ssyncset.done $0x0;
	v26 =	vld [tilespmem:$0x1FDD0]  }
0x203: {  	s11 =	simm.s32 $0x0;
	p1 =	por $0x1, $0x1;
	v55 =	vmov v52;
	v38 =	vmov v28;
	v54 =	vmov v51;
	v31 =	vld [tilespmem:$0x1FEF0];
	[sflag:s26] =	ssyncadd.s32 $0xFFFFF000  }
.LBB2_7:
0x204: {  	v3 =	vmov s11  }
0x205: {  	v3 =	vshrl.u32 v3, $0x3  }
0x206: {  	v0 =	vld [tilespmem:$0x1FFD0];
	v3 =	vshll.u32 v3, v1  }
0x207: {  	v3 =	vbroadcast v3, $0x0;
	_ =	sdelay $0x1  }
0x208: {  	v4 =	vor.u32 v38, v3  }
0x209: {  	v5 =	vor.u32 v15, v3  }
0x20a: {  	v7 =	vor.u32 v0, v3;
	v0 =	vld [tilespmem:$0x1FFE0];
	_ =	sdelay $0x2  }
0x20b: {  	v4 =	vld.idx.msk [tilespmem:v4+s17+$0x0], $0xffff  }
0x20c: {  	v6 =	vor.u32 v45, v3;
	v5 =	vld.idx.msk [tilespmem:v5+s17+$0x0], $0xffff  }
0x20d: {  	v8 =	vor.u32 v16, v3;
	v9 =	vor.u32 v0, v3;
	v0 =	vld [tilespmem:$0x1FFF0]  }
0x20e: {  	v7 =	vld.idx.msk [tilespmem:v7+s17+$0x0], $0xffff  }
0x20f: {  	s2 =	sshll.u32 s11, $0x7;
	v30 =	vmov v54;
	v54 =	vld [tilespmem:$0x1FC50];
	v11 =	vor.u32 v50, v3  }
0x210: {  	v48 =	vld [tilespmem:$0x1FCB0];
	s10 =	sand.u32 $0x3FFFFF80, s2  }
0x211: {  	v6 =	vld.idx.msk [tilespmem:v6+s17+$0x0], $0xffff;
	[tilespmem:s10+$0xA400] =	vst v4  }
0x212: {  	v10 =	vor.u32 v0, v3;
	[tilespmem:s10+$0xA480] =	vst v5;
	v4 =	vld.idx.msk [tilespmem:v8+s17+$0x0], $0xffff  }
0x213: {  	v44 =	vor.u32 v17, v3;
	[tilespmem:s10+$0xA580] =	vst v7;
	v45 =	vld.idx.msk [tilespmem:v9+s17+$0x0], $0xffff  }
0x214: {  	v46 =	vor.u32 v13, v3;
	v58 =	vld.idx.msk [tilespmem:v11+s17+$0x0], $0xffff  }
0x215: {  	v51 =	vld [tilespmem:$0x1FC20];
	v60 =	vor.u32 v48, v3  }
0x216: {  	v25 =	vmov v62;
	v62 =	vld [tilespmem:$0x1FDA0];
	[tilespmem:s10+$0xA500] =	vst v6  }
0x217: {  	v47 =	vld.idx.msk [tilespmem:v10+s17+$0x0], $0xffff;
	[tilespmem:s10+$0xA410] =	vst v4  }
0x218: {  	v57 =	vor.u32 v54, v3;
	[tilespmem:s10+$0xA490] =	vst v45;
	v4 =	vld.idx.msk [tilespmem:v44+s17+$0x0], $0xffff  }
0x219: {  	v63 =	vor.u32 v18, v3;
	[tilespmem:s10+$0xA590] =	vst v58;
	v6 =	vld.idx.msk [tilespmem:v46+s17+$0x0], $0xffff  }
0x21a: {  	v32 =	vor.u32 v14, v3;
	v10 =	vld.idx.msk [tilespmem:v60+s17+$0x0], $0xffff  }
0x21b: {  	v34 =	vor.u32 v21, v3;
	v0 =	vld [tilespmem:$0x1FF70]  }
0x21c: {  	v44 =	vmov v2;
	v2 =	vld [tilespmem:$0x1FC70];
	[tilespmem:s10+$0xA510] =	vst v47  }
0x21d: {  	v7 =	vld.idx.msk [tilespmem:v57+s17+$0x0], $0xffff;
	[tilespmem:s10+$0xA420] =	vst v4  }
0x21e: {  	v33 =	vor.u32 v55, v3;
	[tilespmem:s10+$0xA4A0] =	vst v6;
	v4 =	vld.idx.msk [tilespmem:v63+s17+$0x0], $0xffff  }
0x21f: {  	v36 =	vor.u32 v19, v3;
	[tilespmem:s10+$0xA5A0] =	vst v10;
	v6 =	vld.idx.msk [tilespmem:v32+s17+$0x0], $0xffff  }
0x220: {  	v39 =	vor.u32 v20, v3;
	v10 =	vld.idx.msk [tilespmem:v34+s17+$0x0], $0xffff  }
0x221: {  	v53 =	vor.u32 v23, v3;
	v58 =	vor.u32 v24, v3;
	v63 =	vld [tilespmem:$0x1FC30]  }
0x222: {  	v46 =	vor.u32 v22, v3;
	v32 =	vmovc v24;
	v24 =	vmovc v23;
	v23 =	vmov v22;
	v22 =	vmov v21;
	v21 =	vld [tilespmem:$0x1FC40];
	[tilespmem:s10+$0xA520] =	vst v7  }
0x223: {  	v41 =	vld.idx.msk [tilespmem:v33+s17+$0x0], $0xffff;
	[tilespmem:s10+$0xA430] =	vst v4  }
0x224: {  	[tilespmem:s10+$0xA4B0] =	vst v6;
	v4 =	vld.idx.msk [tilespmem:v36+s17+$0x0], $0xffff  }
0x225: {  	v45 =	vor.u32 v2, v3;
	v6 =	vld.idx.msk [tilespmem:v39+s17+$0x0], $0xffff  }
0x226: {  	v39 =	vld [tilespmem:$0x1FC80]  }
0x227: {  	v47 =	vor.u32 v61, v3;
	[tilespmem:s10+$0xA5B0] =	vst v10;
	v36 =	vld [tilespmem:$0x1FD10]  }
0x228: {  	v49 =	vor.u32 v51, v3;
	v10 =	vld.idx.msk [tilespmem:v46+s17+$0x0], $0xffff  }
0x229: {  	[tilespmem:s10+$0xA530] =	vst v41;
	v41 =	vld [tilespmem:$0x1FD00]  }
0x22a: {  	v8 =	vld.idx.msk [tilespmem:v45+s17+$0x0], $0xffff  }
0x22b: {  	s6 =	sor.u32 $0x8, s11;
	v45 =	vld [tilespmem:$0x1FF40];
	v52 =	vor.u32 v39, v3;
	[tilespmem:s10+$0xA440] =	vst v4  }
0x22c: {  	s4 =	sor.u32 $0x9, s11;
	v60 =	vor.u32 v12, v3;
	v12 =	vmov s6;
	[tilespmem:s10+$0xA4C0] =	vst v6;
	v13 =	vor.u32 v36, v3;
	v4 =	vld.idx.msk [tilespmem:v47+s17+$0x0], $0xffff  }
0x22d: {  	v43 =	vshrl.u32 v12, $0x3;
	v12 =	vmov s4;
	[tilespmem:s10+$0xA5C0] =	vst v10;
	v6 =	vld.idx.msk [tilespmem:v49+s17+$0x0], $0xffff  }
0x22e: {  	v56 =	vor.u32 v63, v3;
	v10 =	vld.idx.msk [tilespmem:v53+s17+$0x0], $0xffff;
	v49 =	vshrl.u32 v12, $0x3  }
0x22f: {  	v47 =	vld [tilespmem:$0x1FD90];
	v5 =	vshll.u32 v49, v1;
	[tilespmem:s10+$0xA540] =	vst v8  }
0x230: {  	v5 =	vbroadcast v5, $0x0;
	v55 =	vor.u32 v45, v3;
	v8 =	vld.idx.msk [tilespmem:v52+s17+$0x0], $0xffff  }
0x231: {  	v13 =	vld.idx.msk [tilespmem:v13+s17+$0x0], $0xffff  }
0x232: {  	v15 =	vor.u32 v0, v5;
	v0 =	vld [tilespmem:$0x1FE20];
	[tilespmem:s10+$0xA4D0] =	vst v6  }
0x233: {  	[tilespmem:s10+$0xA5D0] =	vst v10;
	v6 =	vld.idx.msk [tilespmem:v56+s17+$0x0], $0xffff  }
0x234: {  	v57 =	vor.u32 v40, v3;
	[tilespmem:s10+$0xA450] =	vst v4;
	v10 =	vld.idx.msk [tilespmem:v58+s17+$0x0], $0xffff  }
0x235: {  	v46 =	vor.u32 v47, v3;
	v4 =	vld.idx.msk [tilespmem:v55+s17+$0x0], $0xffff  }
0x236: {  	v33 =	vor.u32 v21, v3;
	v55 =	vld [tilespmem:$0x1FE10]  }
0x237: {  	v40 =	vor.u32 v41, v3;
	v58 =	vor.u32 v0, v3;
	v0 =	vld [tilespmem:$0x1FEA0]  }
0x238: {  	[tilespmem:s10+$0xA550] =	vst v8;
	v15 =	vld.idx.msk [tilespmem:v15+s17+$0x0], $0xffff  }
0x239: {  	v8 =	vld.idx.msk [tilespmem:v57+s17+$0x0], $0xffff  }
0x23a: {  	[tilespmem:s10+$0xA4E0] =	vst v6;
	v6 =	vld.idx.msk [tilespmem:v46+s17+$0x0], $0xffff  }
0x23b: {  	[tilespmem:s10+$0xA5E0] =	vst v10;
	v7 =	vld.idx.msk [tilespmem:v33+s17+$0x0], $0xffff  }
0x23c: {  	v34 =	vor.u32 v42, v3;
	v11 =	vld.idx.msk [tilespmem:v40+s17+$0x0], $0xffff  }
0x23d: {  	v27 =	vmov v26;
	v40 =	vld [tilespmem:$0x1FE30]  }
0x23e: {  	v57 =	vor.u32 v62, v3;
	[tilespmem:s10+$0xA460] =	vst v4;
	v4 =	vshll.u32 v43, v1;
	v43 =	vor.u32 v26, v3;
	v26 =	vld [tilespmem:$0x1FD60]  }
0x23f: {  	v53 =	vor.u32 v55, v3;
	v14 =	vld.idx.msk [tilespmem:v60+s17+$0x0], $0xffff  }
0x240: {  	v60 =	vor.u32 v0, v3;
	v0 =	vld [tilespmem:$0x1FFE0];
	[tilespmem:s10+$0xA560] =	vst v8  }
0x241: {  	v4 =	vbroadcast v4, $0x0;
	v9 =	vld.idx.msk [tilespmem:v34+s17+$0x0], $0xffff  }
0x242: {  	v34 =	vmov v59;
	v59 =	vld [tilespmem:$0x1FE90];
	[tilespmem:s10+$0xA680] =	vst v6  }
0x243: {  	v12 =	vor.u32 v38, v4;
	[tilespmem:s10+$0xA4F0] =	vst v7;
	v7 =	vld.idx.msk [tilespmem:v57+s17+$0x0], $0xffff  }
0x244: {  	v38 =	vor.u32 v35, v3;
	v8 =	vld.idx.msk [tilespmem:v53+s17+$0x0], $0xffff  }
0x245: {  	v28 =	vmov v35;
	v35 =	vld [tilespmem:$0x1FD40]  }
0x246: {  	v57 =	vld [tilespmem:$0x1FEB0];
	[tilespmem:s10+$0xA470] =	vst v14;
	v14 =	vor.u32 v29, v3  }
0x247: {  	v33 =	vor.u32 v0, v5;
	v0 =	vld [tilespmem:$0x1FF90]  }
0x248: {  	v12 =	vld.idx.msk [tilespmem:v12+s17+$0x0], $0xffff;
	[tilespmem:s10+$0xA690] =	vst v7  }
0x249: {  	s2 =	sshll.u32 s6, $0x7;
	s9 =	sshll.u32 s4, $0x7;
	[tilespmem:s10+$0xA700] =	vst v8;
	v8 =	vld.idx.msk [tilespmem:v38+s17+$0x0], $0xffff  }
0x24a: {  	s16 =	sand.u32 $0x3FFFFF80, s2;
	s2 =	sand.u32 $0x3FFFFF80, s9;
	[tilespmem:s10+$0xA600] =	vst v13;
	v38 =	vld [tilespmem:$0x1FD50]  }
0x24b: {  	[tilespmem:s2+$0xA400] =	vst v15;
	v14 =	vld.idx.msk [tilespmem:v14+s17+$0x0], $0xffff  }
0x24c: {  	v56 =	vor.u32 v59, v3;
	[tilespmem:s10+$0xA570] =	vst v9;
	v9 =	vld.idx.msk [tilespmem:v58+s17+$0x0], $0xffff  }
0x24d: {  	v13 =	vor.u32 v16, v4;
	v6 =	vld.idx.msk [tilespmem:v33+s17+$0x0], $0xffff  }
0x24e: {  	v49 =	vor.u32 v0, v5;
	v0 =	vld [tilespmem:$0x1FE40]  }
0x24f: {  	v52 =	vor.u32 v25, v3;
	v58 =	vld [tilespmem:$0x1FEC0]  }
0x250: {  	v33 =	vmov v29;
	v29 =	vld [tilespmem:$0x1FE50]  }
0x251: {  	v16 =	vor.u32 v34, v3;
	v10 =	vld.idx.msk [tilespmem:v56+s17+$0x0], $0xffff;
	[tilespmem:s16+$0xA400] =	vst v12  }
0x252: {  	v46 =	vor.u32 v40, v3;
	v13 =	vld.idx.msk [tilespmem:v13+s17+$0x0], $0xffff  }
0x253: {  	[tilespmem:s10+$0xA6A0] =	vst v8;
	v53 =	vor.u32 v0, v3;
	v0 =	vld [tilespmem:$0x1FFA0]  }
0x254: {  	[tilespmem:s10+$0xA710] =	vst v9;
	v9 =	vld.idx.msk [tilespmem:v52+s17+$0x0], $0xffff  }
0x255: {  	[tilespmem:s10+$0xA610] =	vst v14;
	v14 =	vor.u32 v17, v4;
	v52 =	vmov v31;
	v31 =	vld [tilespmem:$0x1FED0]  }
0x256: {  	[tilespmem:s10+$0xA5F0] =	vst v11;
	v15 =	vld.idx.msk [tilespmem:v16+s17+$0x0], $0xffff  }
0x257: {  	v16 =	vor.u32 v35, v3;
	[tilespmem:s10+$0xA780] =	vst v10;
	v10 =	vld.idx.msk [tilespmem:v46+s17+$0x0], $0xffff  }
0x258: {  	[tilespmem:s2+$0xA410] =	vst v6;
	v11 =	vld.idx.msk [tilespmem:v60+s17+$0x0], $0xffff  }
0x259: {  	v12 =	vor.u32 v57, v3;
	v7 =	vld.idx.msk [tilespmem:v49+s17+$0x0], $0xffff;
	[tilespmem:s16+$0xA410] =	vst v13  }
0x25a: {  	v14 =	vld.idx.msk [tilespmem:v14+s17+$0x0], $0xffff;
	[tilespmem:s10+$0xA6B0] =	vst v9  }
0x25b: {  	v60 =	vor.u32 v0, v5;
	v0 =	vld [tilespmem:$0x1FC10];
	[tilespmem:s10+$0xA620] =	vst v15  }
0x25c: {  	v15 =	vld.idx.msk [tilespmem:v16+s17+$0x0], $0xffff;
	[tilespmem:s10+$0xA720] =	vst v10  }
0x25d: {  	v10 =	vld.idx.msk [tilespmem:v43+s17+$0x0], $0xffff;
	[tilespmem:s10+$0xA790] =	vst v11  }
0x25e: {  	v56 =	vor.u32 v18, v4;
	v12 =	vld.idx.msk [tilespmem:v12+s17+$0x0], $0xffff  }
0x25f: {  	v13 =	vor.u32 v58, v3;
	[tilespmem:s2+$0xA420] =	vst v7;
	v11 =	vld.idx.msk [tilespmem:v53+s17+$0x0], $0xffff  }
0x260: {  	v8 =	vld.idx.msk [tilespmem:v60+s17+$0x0], $0xffff  }
0x261: {  	v16 =	vor.u32 v38, v3;
	v49 =	vor.u32 v0, v5;
	v0 =	vld [tilespmem:$0x1FE60]  }
0x262: {  	v53 =	vor.u32 v30, v3;
	[tilespmem:s16+$0xA420] =	vst v14;
	v60 =	vor.u32 v61, v4;
	v61 =	vor.u32 v51, v5;
	v51 =	vld [tilespmem:$0x1FDF0]  }
0x263: {  	v6 =	vld.idx.msk [tilespmem:v56+s17+$0x0], $0xffff;
	[tilespmem:s10+$0xA7A0] =	vst v12;
	v12 =	vor.u32 v29, v3  }
0x264: {  	[tilespmem:s10+$0xA630] =	vst v15;
	v13 =	vld.idx.msk [tilespmem:v13+s17+$0x0], $0xffff  }
0x265: {  	v46 =	vor.u32 v19, v4;
	v43 =	vmov v37;
	v56 =	vor.u32 v37, v3;
	v37 =	vld [tilespmem:$0x1FD70];
	[tilespmem:s10+$0xA6C0] =	vst v10  }
0x266: {  	v15 =	vld.idx.msk [tilespmem:v16+s17+$0x0], $0xffff;
	[tilespmem:s10+$0xA730] =	vst v11  }
0x267: {  	v11 =	vld.idx.msk [tilespmem:v53+s17+$0x0], $0xffff;
	[tilespmem:s2+$0xA430] =	vst v8  }
0x268: {  	v14 =	vor.u32 v31, v3;
	[tilespmem:s16+$0xA430] =	vst v6;
	v12 =	vld.idx.msk [tilespmem:v12+s17+$0x0], $0xffff  }
0x269: {  	v9 =	vld.idx.msk [tilespmem:v49+s17+$0x0], $0xffff;
	[tilespmem:s10+$0xA7B0] =	vst v13;
	v13 =	vor.u32 v0, v3  }
0x26a: {  	v16 =	vor.u32 v26, v3;
	v7 =	vld.idx.msk [tilespmem:v46+s17+$0x0], $0xffff  }
0x26b: {  	v46 =	vld [tilespmem:$0x1FD80]  }
0x26c: {  	v0 =	vmov v42;
	v42 =	vld [tilespmem:$0x1FE70]  }
0x26d: {  	v14 =	vld.idx.msk [tilespmem:v14+s17+$0x0], $0xffff;
	[tilespmem:s10+$0xA740] =	vst v12  }
0x26e: {  	[tilespmem:s10+$0xA640] =	vst v15;
	v13 =	vld.idx.msk [tilespmem:v13+s17+$0x0], $0xffff  }
0x26f: {  	v15 =	vld.idx.msk [tilespmem:v16+s17+$0x0], $0xffff;
	[tilespmem:s2+$0xA440] =	vst v9  }
0x270: {  	[tilespmem:s16+$0xA440] =	vst v7;
	v10 =	vld.idx.msk [tilespmem:v61+s17+$0x0], $0xffff  }
0x271: {  	v8 =	vld.idx.msk [tilespmem:v60+s17+$0x0], $0xffff  }
0x272: {  	v60 =	vor.u32 v63, v5;
	v63 =	vld [tilespmem:$0x1FF80];
	[tilespmem:s10+$0xA7C0] =	vst v14;
	v14 =	vor.u32 v42, v3  }
0x273: {  	v16 =	vor.u32 v37, v3;
	[tilespmem:s10+$0xA750] =	vst v13;
	v13 =	vld [tilespmem:$0x1FE80]  }
0x274: {  	[tilespmem:s10+$0xA650] =	vst v15;
	v15 =	vor.u32 v45, v4;
	v45 =	vld [tilespmem:$0x1FF60]  }
0x275: {  	v6 =	vld.idx.msk [tilespmem:v56+s17+$0x0], $0xffff  }
0x276: {  	v12 =	vor.u32 v51, v3;
	v56 =	vld [tilespmem:$0x1FE00]  }
0x277: {  	v14 =	vld.idx.msk [tilespmem:v14+s17+$0x0], $0xffff  }
0x278: {  	v16 =	vld.idx.msk [tilespmem:v16+s17+$0x0], $0xffff;
	[tilespmem:s2+$0xA450] =	vst v10;
	v13 =	vor.u32 v13, v3  }
0x279: {  	s4 =	sor.u32 $0xA, s11;
	v17 =	vor.u32 v52, v3;
	[tilespmem:s10+$0xA6D0] =	vst v11;
	v11 =	vld.idx.msk [tilespmem:v60+s17+$0x0], $0xffff  }
0x27a: {  	s9 =	sor.u32 $0xB, s11;
	v20 =	vor.u32 v44, v3;
	v18 =	vmov s4;
	v7 =	vor.u32 v46, v3;
	v60 =	vld [tilespmem:$0x1FFD0]  }
0x27b: {  	v18 =	vshrl.u32 v18, $0x3;
	v19 =	vmov s9;
	v53 =	vor.u32 v21, v5;
	[tilespmem:s16+$0xA450] =	vst v8;
	v12 =	vld.idx.msk [tilespmem:v12+s17+$0x0], $0xffff  }
0x27c: {  	s12 =	sor.u32 $0xC, s11;
	v18 =	vshll.u32 v18, v1;
	v19 =	vshrl.u32 v19, $0x3;
	v15 =	vld.idx.msk [tilespmem:v15+s17+$0x0], $0xffff;
	v9 =	vor.u32 v56, v3;
	[tilespmem:s10+$0xA760] =	vst v14  }
0x27d: {  	s13 =	sor.u32 $0xE, s11;
	v49 =	vmov s12;
	v61 =	vshll.u32 v19, v1;
	v8 =	vor.u32 v63, v4;
	[tilespmem:s10+$0xA7D0] =	vst v6;
	v13 =	vld.idx.msk [tilespmem:v13+s17+$0x0], $0xffff  }
0x27e: {  	s6 =	sor.u32 $0xD, s11;
	v4 =	vbroadcast v61, $0x0;
	v63 =	vmov s13;
	[tilespmem:s10+$0xA660] =	vst v16;
	v17 =	vld.idx.msk [tilespmem:v17+s17+$0x0], $0xffff;
	v3 =	vbroadcast v18, $0x0  }
0x27f: {  	v61 =	vmov s6;
	v19 =	vld.idx.msk [tilespmem:v7+s17+$0x0], $0xffff;
	v7 =	vshrl.u32 v63, $0x3;
	v56 =	vshrl.u32 v49, $0x3;
	[tilespmem:s2+$0xA460] =	vst v11  }
0x280: {  	v6 =	vshrl.u32 v61, $0x3;
	v5 =	vshll.u32 v56, v1;
	[tilespmem:s10+$0xA6E0] =	vst v12;
	v10 =	vld.idx.msk [tilespmem:v53+s17+$0x0], $0xffff;
	v18 =	vor.u32 v45, v3  }
0x281: {  	s30 =	sor.u32 $0xF, s11;
	v16 =	vor.u32 v60, v4;
	v6 =	vshll.u32 v6, v1;
	v5 =	vbroadcast v5, $0x0;
	[tilespmem:s16+$0xA460] =	vst v15;
	v9 =	vld.idx.msk [tilespmem:v9+s17+$0x0], $0xffff  }
0x282: {  	v7 =	vshll.u32 v7, v1;
	v12 =	vmov s30;
	v6 =	vbroadcast v6, $0x0;
	[tilespmem:s10+$0xA770] =	vst v13;
	v13 =	vld [tilespmem:$0x1FFF0]  }
0x283: {  	v7 =	vbroadcast v7, $0x0;
	v12 =	vshrl.u32 v12, $0x3;
	v15 =	vor.u32 v36, v5;
	[tilespmem:s10+$0xA7E0] =	vst v17;
	v17 =	vld.idx.msk [tilespmem:v8+s17+$0x0], $0xffff  }
0x284: {  	v12 =	vshll.u32 v12, v1;
	v36 =	vor.u32 v47, v6;
	v14 =	vld.idx.msk [tilespmem:v20+s17+$0x0], $0xffff  }
0x285: {  	[tilespmem:s10+$0xA670] =	vst v19;
	v8 =	vbroadcast v12, $0x0;
	v12 =	vor.u32 v55, v7;
	v47 =	vld.idx.msk [tilespmem:v18+s17+$0x0], $0xffff  }
0x286: {  	v16 =	vld.idx.msk [tilespmem:v16+s17+$0x0], $0xffff;
	[tilespmem:s2+$0xA470] =	vst v10  }
0x287: {  	v63 =	vld [tilespmem:$0x1FE20];
	[tilespmem:s10+$0xA6F0] =	vst v9;
	v13 =	vor.u32 v13, v3  }
0x288: {  	s4 =	sshll.u32 s4, $0x7;
	v15 =	vld.idx.msk [tilespmem:v15+s17+$0x0], $0xffff;
	[tilespmem:s16+$0xA470] =	vst v17  }
0x289: {  	s2 =	sand.u32 $0x3FFFFF80, s4;
	v11 =	vld.idx.msk [tilespmem:v36+s17+$0x0], $0xffff;
	v17 =	vor.u32 v33, v5;
	[tilespmem:s10+$0xA7F0] =	vst v14;
	s10 =	sshll.u32 s9, $0x7  }
0x28a: {  	v12 =	vld.idx.msk [tilespmem:v12+s17+$0x0], $0xffff;
	s11 =	sand.u32 $0x3FFFFF80, s10;
	[tilespmem:s2+$0xA400] =	vst v47  }
0x28b: {  	s12 =	sshll.u32 s12, $0x7;
	v18 =	vor.u32 v59, v8;
	[tilespmem:s11+$0xA400] =	vst v16;
	v16 =	vld [tilespmem:$0x1FEA0]  }
0x28c: {  	v49 =	vor.u32 v62, v6;
	s16 =	sand.u32 $0x3FFFFF80, s12;
	v13 =	vld.idx.msk [tilespmem:v13+s17+$0x0], $0xffff  }
0x28d: {  	v55 =	vld [tilespmem:$0x1FC60];
	s12 =	sshll.u32 s13, $0x7;
	[tilespmem:s16+$0xA400] =	vst v15;
	v15 =	vor.u32 v54, v3  }
0x28e: {  	s6 =	sshll.u32 s6, $0x7;
	v14 =	vor.u32 v50, v4;
	s4 =	sand.u32 $0x3FFFFF80, s12;
	v17 =	vld.idx.msk [tilespmem:v17+s17+$0x0], $0xffff  }
0x28f: {  	v61 =	vld [tilespmem:$0x1FF50];
	s9 =	sand.u32 $0x3FFFFF80, s6;
	[tilespmem:s4+$0xA400] =	vst v12;
	v12 =	vor.u32 v34, v5  }
0x290: {  	v9 =	vor.u32 v63, v7;
	[tilespmem:s9+$0xA400] =	vst v11;
	v18 =	vld.idx.msk [tilespmem:v18+s17+$0x0], $0xffff  }
0x291: {  	v10 =	vld.idx.msk [tilespmem:v49+s17+$0x0], $0xffff;
	v16 =	vor.u32 v16, v8;
	[tilespmem:s2+$0xA410] =	vst v13  }
0x292: {  	v15 =	vld.idx.msk [tilespmem:v15+s17+$0x0], $0xffff  }
0x293: {  	s13 =	sshll.u32 s30, $0x7;
	v14 =	vld.idx.msk [tilespmem:v14+s17+$0x0], $0xffff;
	[tilespmem:s16+$0xA410] =	vst v17;
	v17 =	vor.u32 v55, v3  }
0x294: {  	s30 =	sand.u32 $0x3FFFFF80, s13;
	v12 =	vld.idx.msk [tilespmem:v12+s17+$0x0], $0xffff  }
0x295: {  	v36 =	vor.u32 v48, v4;
	v9 =	vld.idx.msk [tilespmem:v9+s17+$0x0], $0xffff;
	[tilespmem:s30+$0xA400] =	vst v18  }
0x296: {  	v16 =	vld.idx.msk [tilespmem:v16+s17+$0x0], $0xffff;
	v13 =	vor.u32 v40, v7  }
0x297: {  	v18 =	vor.u32 v28, v6;
	[tilespmem:s2+$0xA420] =	vst v15;
	v15 =	vld [tilespmem:$0x1FE40]  }
0x298: {  	[tilespmem:s11+$0xA410] =	vst v14;
	v17 =	vld.idx.msk [tilespmem:v17+s17+$0x0], $0xffff  }
0x299: {  	v19 =	vld [tilespmem:$0x1FF30];
	[tilespmem:s16+$0xA420] =	vst v12;
	v12 =	vor.u32 v2, v3  }
0x29a: {  	v21 =	vmov v22;
	v14 =	vor.u32 v57, v8;
	[tilespmem:s4+$0xA410] =	vst v9;
	v11 =	vld.idx.msk [tilespmem:v36+s17+$0x0], $0xffff  }
0x29b: {  	v47 =	vor.u32 v21, v4;
	[tilespmem:s9+$0xA410] =	vst v10;
	v13 =	vld.idx.msk [tilespmem:v13+s17+$0x0], $0xffff  }
0x29c: {  	v18 =	vld.idx.msk [tilespmem:v18+s17+$0x0], $0xffff;
	[tilespmem:s30+$0xA410] =	vst v16;
	v15 =	vor.u32 v15, v7  }
0x29d: {  	v20 =	vld [tilespmem:$0x1FC10];
	v16 =	vor.u32 v25, v6;
	[tilespmem:s2+$0xA430] =	vst v17  }
0x29e: {  	v12 =	vld.idx.msk [tilespmem:v12+s17+$0x0], $0xffff  }
0x29f: {  	v48 =	vor.u32 v35, v5;
	[tilespmem:s11+$0xA420] =	vst v11;
	v14 =	vld.idx.msk [tilespmem:v14+s17+$0x0], $0xffff  }
0x2a0: {  	v22 =	vmov v23;
	v49 =	vor.u32 v58, v8;
	v10 =	vld.idx.msk [tilespmem:v47+s17+$0x0], $0xffff;
	[tilespmem:s4+$0xA420] =	vst v13  }
0x2a1: {  	[tilespmem:s9+$0xA420] =	vst v18;
	v18 =	vor.u32 v22, v4;
	v15 =	vld.idx.msk [tilespmem:v15+s17+$0x0], $0xffff  }
0x2a2: {  	v16 =	vld.idx.msk [tilespmem:v16+s17+$0x0], $0xffff;
	v17 =	vor.u32 v29, v7  }
0x2a3: {  	[tilespmem:s2+$0xA440] =	vst v12;
	v12 =	vld [tilespmem:$0x1FE60]  }
0x2a4: {  	v9 =	vld.idx.msk [tilespmem:v48+s17+$0x0], $0xffff;
	[tilespmem:s30+$0xA420] =	vst v14;
	v14 =	vor.u32 v27, v6  }
0x2a5: {  	[tilespmem:s11+$0xA430] =	vst v10;
	v11 =	vld.idx.msk [tilespmem:v49+s17+$0x0], $0xffff;
	v13 =	vor.u32 v38, v5  }
0x2a6: {  	v53 =	vor.u32 v31, v8;
	v18 =	vld.idx.msk [tilespmem:v18+s17+$0x0], $0xffff;
	[tilespmem:s4+$0xA430] =	vst v15  }
0x2a7: {  	v17 =	vld.idx.msk [tilespmem:v17+s17+$0x0], $0xffff  }
0x2a8: {  	v23 =	vmov v24;
	v40 =	vld [tilespmem:$0x1FC90];
	[tilespmem:s9+$0xA430] =	vst v16;
	v12 =	vor.u32 v12, v7  }
0x2a9: {  	[tilespmem:s16+$0xA430] =	vst v9;
	v16 =	vor.u32 v23, v4;
	v14 =	vld.idx.msk [tilespmem:v14+s17+$0x0], $0xffff  }
0x2aa: {  	v56 =	vor.u32 v39, v3;
	[tilespmem:s30+$0xA430] =	vst v11;
	v13 =	vld.idx.msk [tilespmem:v13+s17+$0x0], $0xffff  }
0x2ab: {  	v57 =	vor.u32 v30, v6;
	[tilespmem:s11+$0xA440] =	vst v18;
	v10 =	vld.idx.msk [tilespmem:v53+s17+$0x0], $0xffff  }
0x2ac: {  	v38 =	vld [tilespmem:$0x1FFC0];
	v18 =	vor.u32 v43, v8;
	[tilespmem:s4+$0xA440] =	vst v17  }
0x2ad: {  	v12 =	vld.idx.msk [tilespmem:v12+s17+$0x0], $0xffff  }
0x2ae: {  	v16 =	vld.idx.msk [tilespmem:v16+s17+$0x0], $0xffff;
	[tilespmem:s9+$0xA440] =	vst v14;
	v15 =	vor.u32 v26, v5  }
0x2af: {  	v14 =	vor.u32 v32, v4;
	v9 =	vld.idx.msk [tilespmem:v56+s17+$0x0], $0xffff;
	[tilespmem:s16+$0xA440] =	vst v13  }
0x2b0: {  	v11 =	vld.idx.msk [tilespmem:v57+s17+$0x0], $0xffff;
	v13 =	vor.u32 v40, v3;
	[tilespmem:s30+$0xA440] =	vst v10  }
0x2b1: {  	v58 =	vor.u32 v51, v6;
	v18 =	vld.idx.msk [tilespmem:v18+s17+$0x0], $0xffff  }
0x2b2: {  	[tilespmem:s4+$0xA450] =	vst v12;
	v12 =	vld [tilespmem:$0x1FE00]  }
0x2b3: {  	[tilespmem:s11+$0xA450] =	vst v16;
	v15 =	vld.idx.msk [tilespmem:v15+s17+$0x0], $0xffff  }
0x2b4: {  	v14 =	vld.idx.msk [tilespmem:v14+s17+$0x0], $0xffff;
	[tilespmem:s2+$0xA450] =	vst v9;
	v17 =	vor.u32 v37, v5  }
0x2b5: {  	[tilespmem:s9+$0xA450] =	vst v11;
	v13 =	vld.idx.msk [tilespmem:v13+s17+$0x0], $0xffff  }
0x2b6: {  	v60 =	vor.u32 v42, v7;
	v10 =	vld.idx.msk [tilespmem:v58+s17+$0x0], $0xffff  }
0x2b7: {  	v16 =	vor.u32 v52, v8;
	[tilespmem:s30+$0xA450] =	vst v18;
	v6 =	vor.u32 v12, v6;
	v12 =	vld [tilespmem:$0x1FE80]  }
0x2b8: {  	v3 =	vor.u32 v0, v3;
	v18 =	vld [tilespmem:$0x1FF20];
	[tilespmem:s16+$0xA450] =	vst v15  }
0x2b9: {  	v4 =	vor.u32 v41, v4;
	v63 =	vld.idx.msk [tilespmem:v17+s17+$0x0], $0xffff  }
0x2ba: {  	v5 =	vor.u32 v46, v5;
	[tilespmem:s11+$0xA460] =	vst v14;
	v14 =	vld [tilespmem:$0x1FFA0]  }
0x2bb: {  	v9 =	vld.idx.msk [tilespmem:v60+s17+$0x0], $0xffff  }
0x2bc: {  	[tilespmem:s2+$0xA460] =	vst v13;
	v7 =	vor.u32 v12, v7;
	v12 =	vld.idx.msk [tilespmem:v16+s17+$0x0], $0xffff  }
0x2bd: {  	v8 =	vor.u32 v44, v8;
	v3 =	vld.idx.msk [tilespmem:v3+s17+$0x0], $0xffff  }
0x2be: {  	v4 =	vld.idx.msk [tilespmem:v4+s17+$0x0], $0xffff;
	[tilespmem:s16+$0xA460] =	vst v63  }
0x2bf: {  	[tilespmem:s9+$0xA460] =	vst v10;
	v5 =	vld.idx.msk [tilespmem:v5+s17+$0x0], $0xffff  }
0x2c0: {  	[tilespmem:s4+$0xA460] =	vst v9;
	v6 =	vld.idx.msk [tilespmem:v6+s17+$0x0], $0xffff  }
0x2c1: {  	[tilespmem:s30+$0xA460] =	vst v12;
	v7 =	vld.idx.msk [tilespmem:v7+s17+$0x0], $0xffff  }
0x2c2: {  	p2 =	por p1, p1;
	[tilespmem:s2+$0xA470] =	vst v3;
	v3 =	vld.idx.msk [tilespmem:v8+s17+$0x0], $0xffff  }
.Ltmp2:
0x2c3: {  	v13 =	vld [tilespmem:$0x1FF90];
	[tilespmem:s11+$0xA470] =	vst v4;
	(pc) =	sbr.rel @p2 .LBB2_7-.Ltmp2, $4  }
0x2c4: {  	v15 =	vld [tilespmem:$0x1FF70];
	[tilespmem:s16+$0xA470] =	vst v5  }
0x2c5: {  	v24 =	vmov v32;
	v17 =	vld [tilespmem:$0x1FF10];
	[tilespmem:s9+$0xA470] =	vst v6  }
0x2c6: {  	v42 =	vmovc v0;
	v62 =	vmovc v25;
	v31 =	vmov v52;
	v35 =	vmov v28;
	v59 =	vmov v34;
	v16 =	vld [tilespmem:$0x1FF00];
	[tilespmem:s4+$0xA470] =	vst v7  }
0x2c7: {  	p1 =	por $0x0, $0x0;
	v54 =	vmovc v30;
	v2 =	vmovc v44;
	v29 =	vmov v33;
	v26 =	vmov v27;
	v37 =	vmov v43;
	s11 =	simm.s32 $0x10;
	v12 =	vld [tilespmem:$0x1FF80];
	[tilespmem:s30+$0xA470] =	vst v3  }
0x2c8: {  	s2 =	sadd.s32 s0, s7  }
0x2c9: {  	[hbm4b:s2+s20] =	stream.strided.scatter [tilespmem:s22], [sflag:$0x5], $0x1000, s21, s20, $0x38;
	[tilespmem:$0xC400] =	vst v63  }
0x2ca: {  	_ =	swait.ge [sflag:s28], $0x1000  }
0x2cb: {  	s1 =	sadd.s32 @!p0 $0x300, s1;
	[sflag:s28] =	ssyncset.done $0x0  }
0x2cc: {  	s4 =	simm.s32 @!p0 $0x8400;
	s2 =	simm.s32 @!p0 $0x80;
	[sflag:s28] =	ssyncadd.s32 $0xFFFFF000  }
0x2cd: {  	[tilespmem:s4], [sflag:$0x3] =	stream.indirect.gather @!p0 [hbm4b:s3+s2], $0x20, s1, s2, $0xb8;
	[tilespmem:$0xC400] =	vst v63  }
0x2ce: {  	_ =	swait.ge [sflag:s29], $0x1000  }
0x2cf: {  	v39 =	vld [tilespmem:$0x1FC20]  }
0x2d0: {  	v41 =	vld [tilespmem:$0x1FC80]  }
0x2d1: {  	v48 =	vld [tilespmem:$0x1FC30]  }
0x2d2: {  	v58 =	vld [tilespmem:$0x1FC70]  }
0x2d3: {  	v49 =	vld [tilespmem:$0x1FC40]  }
0x2d4: {  	v44 =	vld [tilespmem:$0x1FCB0]  }
0x2d5: {  	[sflag:s29] =	ssyncset.done $0x0;
	v32 =	vld [tilespmem:$0x1FD00]  }
0x2d6: {  	s10 =	simm.s32 $0x0;
	p0 =	por $0x1, $0x1;
	v63 =	vld [tilespmem:$0x1FD10];
	[sflag:s29] =	ssyncadd.s32 $0xFFFFF000  }
.LBB2_9:
0x2d7: {  	v3 =	vmov s10  }
0x2d8: {  	v3 =	vshrl.u32 v3, $0x3  }
0x2d9: {  	v3 =	vshll.u32 v3, v1  }
0x2da: {  	v7 =	vld [tilespmem:$0x1FFD0];
	v3 =	vbroadcast v3, $0x0;
	_ =	sdelay $0x1  }
0x2db: {  	v4 =	vor.u32 v38, v3  }
0x2dc: {  	v9 =	vld [tilespmem:$0x1FFE0];
	v5 =	vor.u32 v15, v3  }
0x2dd: {  	v10 =	vld [tilespmem:$0x1FFF0];
	v6 =	vor.u32 v45, v3  }
0x2de: {  	v47 =	vld [tilespmem:$0x1FFB0];
	v7 =	vor.u32 v7, v3  }
0x2df: {  	v50 =	vld [tilespmem:$0x1FC50]  }
0x2e0: {  	v4 =	vld.idx.msk [tilespmem:v4+s19+$0x0], $0xffff  }
0x2e1: {  	v8 =	vor.u32 v16, v3;
	v5 =	vld.idx.msk [tilespmem:v5+s19+$0x0], $0xffff  }
0x2e2: {  	v9 =	vor.u32 v9, v3;
	v6 =	vld.idx.msk [tilespmem:v6+s19+$0x0], $0xffff  }
0x2e3: {  	s1 =	sshll.u32 s10, $0x7;
	v10 =	vor.u32 v10, v3;
	v7 =	vld.idx.msk [tilespmem:v7+s19+$0x0], $0xffff  }
0x2e4: {  	v46 =	vld [tilespmem:$0x1FC10];
	s1 =	sand.u32 $0x3FFFFF80, s1;
	v11 =	vor.u32 v47, v3  }
0x2e5: {  	v54 =	vld [tilespmem:$0x1FD90];
	[tilespmem:s1+$0xB400] =	vst v4  }
0x2e6: {  	[tilespmem:s1+$0xB480] =	vst v5;
	v4 =	vld.idx.msk [tilespmem:v8+s19+$0x0], $0xffff  }
0x2e7: {  	v5 =	vor.u32 v17, v3;
	[tilespmem:s1+$0xB500] =	vst v6;
	v8 =	vld.idx.msk [tilespmem:v9+s19+$0x0], $0xffff  }
0x2e8: {  	v6 =	vor.u32 v13, v3;
	[tilespmem:s1+$0xB580] =	vst v7;
	v9 =	vld.idx.msk [tilespmem:v10+s19+$0x0], $0xffff  }
0x2e9: {  	v7 =	vor.u32 v50, v3;
	v10 =	vld.idx.msk [tilespmem:v11+s19+$0x0], $0xffff  }
0x2ea: {  	v59 =	vld [tilespmem:$0x1FE90];
	v11 =	vor.u32 v44, v3  }
0x2eb: {  	v62 =	vld [tilespmem:$0x1FDA0];
	[tilespmem:s1+$0xB410] =	vst v4  }
0x2ec: {  	[tilespmem:s1+$0xB490] =	vst v8;
	v4 =	vld.idx.msk [tilespmem:v5+s19+$0x0], $0xffff  }
0x2ed: {  	[tilespmem:s1+$0xB510] =	vst v9;
	v5 =	vor.u32 v18, v3;
	v6 =	vld.idx.msk [tilespmem:v6+s19+$0x0], $0xffff  }
0x2ee: {  	v8 =	vor.u32 v14, v3;
	[tilespmem:s1+$0xB590] =	vst v10;
	v7 =	vld.idx.msk [tilespmem:v7+s19+$0x0], $0xffff  }
0x2ef: {  	v9 =	vor.u32 v55, v3;
	v10 =	vld.idx.msk [tilespmem:v11+s19+$0x0], $0xffff  }
0x2f0: {  	v57 =	vld [tilespmem:$0x1FEB0];
	v11 =	vor.u32 v21, v3  }
0x2f1: {  	v36 =	vld [tilespmem:$0x1FEC0];
	[tilespmem:s1+$0xB420] =	vst v4  }
0x2f2: {  	[tilespmem:s1+$0xB4A0] =	vst v6;
	v4 =	vld.idx.msk [tilespmem:v5+s19+$0x0], $0xffff  }
0x2f3: {  	[tilespmem:s1+$0xB520] =	vst v7;
	v5 =	vor.u32 v19, v3;
	v6 =	vld.idx.msk [tilespmem:v8+s19+$0x0], $0xffff  }
0x2f4: {  	v7 =	vor.u32 v46, v3;
	[tilespmem:s1+$0xB5A0] =	vst v10;
	v8 =	vld.idx.msk [tilespmem:v9+s19+$0x0], $0xffff  }
0x2f5: {  	v9 =	vor.u32 v58, v3;
	v10 =	vld.idx.msk [tilespmem:v11+s19+$0x0], $0xffff  }
0x2f6: {  	v31 =	vld [tilespmem:$0x1FED0];
	v11 =	vor.u32 v22, v3  }
0x2f7: {  	v45 =	vld [tilespmem:$0x1FF40];
	[tilespmem:s1+$0xB430] =	vst v4  }
0x2f8: {  	[tilespmem:s1+$0xB4B0] =	vst v6;
	v4 =	vld.idx.msk [tilespmem:v5+s19+$0x0], $0xffff  }
0x2f9: {  	[tilespmem:s1+$0xB530] =	vst v8;
	v5 =	vor.u32 v61, v3;
	v6 =	vld.idx.msk [tilespmem:v7+s19+$0x0], $0xffff  }
0x2fa: {  	[tilespmem:s1+$0xB5B0] =	vst v10;
	v7 =	vor.u32 v39, v3;
	v8 =	vld.idx.msk [tilespmem:v9+s19+$0x0], $0xffff  }
0x2fb: {  	v9 =	vor.u32 v41, v3;
	v10 =	vld.idx.msk [tilespmem:v11+s19+$0x0], $0xffff  }
0x2fc: {  	v51 =	vld [tilespmem:$0x1FDF0];
	v11 =	vor.u32 v23, v3  }
0x2fd: {  	v15 =	vld [tilespmem:$0x1FF70];
	v13 =	vor.u32 v63, v3;
	[tilespmem:s1+$0xB440] =	vst v4  }
0x2fe: {  	[tilespmem:s1+$0xB4C0] =	vst v6;
	v4 =	vld.idx.msk [tilespmem:v5+s19+$0x0], $0xffff  }
0x2ff: {  	[tilespmem:s1+$0xB540] =	vst v8;
	v5 =	vor.u32 v45, v3;
	v6 =	vld.idx.msk [tilespmem:v7+s19+$0x0], $0xffff  }
0x300: {  	[tilespmem:s1+$0xB5C0] =	vst v10;
	v7 =	vor.u32 v48, v3;
	v8 =	vld.idx.msk [tilespmem:v9+s19+$0x0], $0xffff  }
0x301: {  	v9 =	vor.u32 v40, v3;
	v10 =	vld.idx.msk [tilespmem:v11+s19+$0x0], $0xffff  }
0x302: {  	v13 =	vld.idx.msk [tilespmem:v13+s19+$0x0], $0xffff;
	v11 =	vor.u32 v24, v3  }
0x303: {  	v55 =	vld [tilespmem:$0x1FE10];
	[tilespmem:s1+$0xB450] =	vst v4  }
0x304: {  	[tilespmem:s1+$0xB4D0] =	vst v6;
	v4 =	vld.idx.msk [tilespmem:v5+s19+$0x0], $0xffff  }
0x305: {  	[tilespmem:s1+$0xB550] =	vst v8;
	v5 =	vor.u32 v12, v3;
	v6 =	vld.idx.msk [tilespmem:v7+s19+$0x0], $0xffff  }
0x306: {  	[tilespmem:s1+$0xB5D0] =	vst v10;
	v7 =	vor.u32 v49, v3;
	v8 =	vld.idx.msk [tilespmem:v9+s19+$0x0], $0xffff  }
0x307: {  	v9 =	vor.u32 v42, v3;
	v10 =	vld.idx.msk [tilespmem:v11+s19+$0x0], $0xffff  }
0x308: {  	s2 =	sor.u32 $0x8, s10;
	v40 =	vld [tilespmem:$0x1FE30];
	v11 =	vor.u32 v32, v3  }
0x309: {  	v12 =	vmov s2;
	v42 =	vld [tilespmem:$0x1FE70];
	[tilespmem:s1+$0xB460] =	vst v4  }
0x30a: {  	v4 =	vshrl.u32 v12, $0x3;
	[tilespmem:s1+$0xB4E0] =	vst v6;
	v6 =	vor.u32 v54, v3;
	v14 =	vld.idx.msk [tilespmem:v5+s19+$0x0], $0xffff  }
0x30b: {  	s4 =	sor.u32 $0x9, s10;
	[tilespmem:s1+$0xB560] =	vst v8;
	v8 =	vor.u32 v55, v3;
	v4 =	vshll.u32 v4, v1;
	v7 =	vld.idx.msk [tilespmem:v7+s19+$0x0], $0xffff  }
0x30c: {  	v12 =	vmov s4;
	[tilespmem:s1+$0xB5E0] =	vst v10;
	v10 =	vor.u32 v59, v3;
	v9 =	vld.idx.msk [tilespmem:v9+s19+$0x0], $0xffff;
	v4 =	vbroadcast v4, $0x0  }
0x30d: {  	v5 =	vshrl.u32 v12, $0x3;
	v11 =	vld.idx.msk [tilespmem:v11+s19+$0x0], $0xffff  }
0x30e: {  	v5 =	vshll.u32 v5, v1;
	v12 =	vor.u32 v38, v4;
	v38 =	vld [tilespmem:$0x1FD50]  }
0x30f: {  	v5 =	vbroadcast v5, $0x0;
	v6 =	vld.idx.msk [tilespmem:v6+s19+$0x0], $0xffff  }
0x310: {  	v8 =	vld.idx.msk [tilespmem:v8+s19+$0x0], $0xffff  }
0x311: {  	v15 =	vor.u32 v15, v5;
	v10 =	vld.idx.msk [tilespmem:v10+s19+$0x0], $0xffff;
	[tilespmem:s1+$0xB470] =	vst v14  }
0x312: {  	[tilespmem:s1+$0xB570] =	vst v9;
	v9 =	vld [tilespmem:$0x1FE20]  }
0x313: {  	v14 =	vor.u32 v29, v3;
	[tilespmem:s1+$0xB5F0] =	vst v11;
	v11 =	vld [tilespmem:$0x1FEA0]  }
0x314: {  	[tilespmem:s1+$0xB4F0] =	vst v7;
	v7 =	vor.u32 v62, v3;
	v29 =	vld [tilespmem:$0x1FE50]  }
0x315: {  	v12 =	vld.idx.msk [tilespmem:v12+s19+$0x0], $0xffff  }
0x316: {  	[tilespmem:s1+$0xB600] =	vst v13;
	v13 =	vor.u32 v16, v4;
	v15 =	vld.idx.msk [tilespmem:v15+s19+$0x0], $0xffff  }
0x317: {  	[tilespmem:s1+$0xB680] =	vst v6;
	v6 =	vld [tilespmem:$0x1FFE0];
	v9 =	vor.u32 v9, v3  }
0x318: {  	s2 =	sshll.u32 s2, $0x7;
	v11 =	vor.u32 v11, v3;
	v14 =	vld.idx.msk [tilespmem:v14+s19+$0x0], $0xffff  }
0x319: {  	s11 =	sand.u32 $0x3FFFFF80, s2;
	[tilespmem:s1+$0xB700] =	vst v8;
	v7 =	vld.idx.msk [tilespmem:v7+s19+$0x0], $0xffff  }
0x31a: {  	v16 =	vor.u32 v34, v3;
	v8 =	vor.u32 v35, v3;
	v35 =	vld [tilespmem:$0x1FD40];
	[tilespmem:s11+$0xB400] =	vst v12  }
0x31b: {  	v13 =	vld.idx.msk [tilespmem:v13+s19+$0x0], $0xffff  }
0x31c: {  	[tilespmem:s1+$0xB780] =	vst v10;
	v6 =	vor.u32 v6, v5;
	v9 =	vld.idx.msk [tilespmem:v9+s19+$0x0], $0xffff  }
0x31d: {  	s16 =	sshll.u32 s4, $0x7;
	v11 =	vld.idx.msk [tilespmem:v11+s19+$0x0], $0xffff;
	[tilespmem:s1+$0xB610] =	vst v14  }
0x31e: {  	s2 =	sand.u32 $0xC00, s16;
	v10 =	vor.u32 v40, v3;
	[tilespmem:s1+$0xB690] =	vst v7;
	v7 =	vld [tilespmem:$0x1FF90]  }
0x31f: {  	v12 =	vor.u32 v57, v3;
	[tilespmem:s2+$0xB480] =	vst v15;
	v15 =	vld.idx.msk [tilespmem:v16+s19+$0x0], $0xffff  }
0x320: {  	v8 =	vld.idx.msk [tilespmem:v8+s19+$0x0], $0xffff  }
0x321: {  	v16 =	vor.u32 v35, v3;
	v6 =	vld.idx.msk [tilespmem:v6+s19+$0x0], $0xffff;
	[tilespmem:s1+$0xB710] =	vst v9  }
0x322: {  	v14 =	vor.u32 v17, v4;
	[tilespmem:s1+$0xB790] =	vst v11;
	v11 =	vld [tilespmem:$0x1FE40]  }
0x323: {  	v7 =	vor.u32 v7, v5;
	v10 =	vld.idx.msk [tilespmem:v10+s19+$0x0], $0xffff  }
0x324: {  	v9 =	vor.u32 v25, v3;
	v12 =	vld.idx.msk [tilespmem:v12+s19+$0x0], $0xffff;
	[tilespmem:s1+$0xB620] =	vst v15  }
0x325: {  	[tilespmem:s1+$0xB6A0] =	vst v8;
	v8 =	vld [tilespmem:$0x1FFA0]  }
0x326: {  	[tilespmem:s11+$0xB410] =	vst v13;
	v13 =	vor.u32 v36, v3;
	v15 =	vld.idx.msk [tilespmem:v16+s19+$0x0], $0xffff  }
0x327: {  	v14 =	vld.idx.msk [tilespmem:v14+s19+$0x0], $0xffff;
	v16 =	vor.u32 v38, v3;
	[tilespmem:s2+$0xB490] =	vst v6  }
0x328: {  	v6 =	vor.u32 v18, v4;
	v7 =	vld.idx.msk [tilespmem:v7+s19+$0x0], $0xffff  }
0x329: {  	v11 =	vor.u32 v11, v3;
	v9 =	vld.idx.msk [tilespmem:v9+s19+$0x0], $0xffff;
	[tilespmem:s1+$0xB720] =	vst v10  }
0x32a: {  	v10 =	vor.u32 v26, v3;
	[tilespmem:s1+$0xB7A0] =	vst v12;
	v26 =	vld [tilespmem:$0x1FD60]  }
0x32b: {  	v8 =	vor.u32 v8, v5;
	v13 =	vld.idx.msk [tilespmem:v13+s19+$0x0], $0xffff;
	[tilespmem:s1+$0xB630] =	vst v15  }
0x32c: {  	[tilespmem:s11+$0xB420] =	vst v14;
	v15 =	vld.idx.msk [tilespmem:v16+s19+$0x0], $0xffff  }
0x32d: {  	v6 =	vld.idx.msk [tilespmem:v6+s19+$0x0], $0xffff  }
0x32e: {  	v14 =	vor.u32 v31, v3;
	v11 =	vld.idx.msk [tilespmem:v11+s19+$0x0], $0xffff;
	[tilespmem:s2+$0xB4A0] =	vst v7  }
0x32f: {  	[tilespmem:s1+$0xB6B0] =	vst v9;
	v9 =	vor.u32 v46, v5;
	v46 =	vld [tilespmem:$0x1FD80]  }
0x330: {  	v12 =	vor.u32 v29, v3;
	v8 =	vld.idx.msk [tilespmem:v8+s19+$0x0], $0xffff  }
0x331: {  	v7 =	vor.u32 v19, v4;
	[tilespmem:s1+$0xB7B0] =	vst v13;
	v13 =	vld [tilespmem:$0x1FE60]  }
0x332: {  	v16 =	vor.u32 v26, v3;
	v10 =	vld.idx.msk [tilespmem:v10+s19+$0x0], $0xffff  }
0x333: {  	v14 =	vld.idx.msk [tilespmem:v14+s19+$0x0], $0xffff;
	[tilespmem:s11+$0xB430] =	vst v6  }
0x334: {  	v6 =	vor.u32 v37, v3;
	v37 =	vld [tilespmem:$0x1FD70];
	[tilespmem:s1+$0xB730] =	vst v11  }
0x335: {  	v12 =	vld.idx.msk [tilespmem:v12+s19+$0x0], $0xffff  }
0x336: {  	[tilespmem:s1+$0xB640] =	vst v15;
	v7 =	vld.idx.msk [tilespmem:v7+s19+$0x0], $0xffff;
	v13 =	vor.u32 v13, v3  }
0x337: {  	v11 =	vor.u32 v30, v3;
	v15 =	vld.idx.msk [tilespmem:v16+s19+$0x0], $0xffff  }
0x338: {  	[tilespmem:s2+$0xB4B0] =	vst v8;
	v8 =	vor.u32 v61, v4;
	v61 =	vld [tilespmem:$0x1FF50]  }
0x339: {  	v9 =	vld.idx.msk [tilespmem:v9+s19+$0x0], $0xffff;
	[tilespmem:s1+$0xB7C0] =	vst v14  }
0x33a: {  	v6 =	vld.idx.msk [tilespmem:v6+s19+$0x0], $0xffff;
	[tilespmem:s1+$0xB740] =	vst v12  }
0x33b: {  	[tilespmem:s1+$0xB6C0] =	vst v10;
	v13 =	vld.idx.msk [tilespmem:v13+s19+$0x0], $0xffff  }
0x33c: {  	v10 =	vor.u32 v39, v5;
	v11 =	vld.idx.msk [tilespmem:v11+s19+$0x0], $0xffff;
	[tilespmem:s11+$0xB440] =	vst v7  }
0x33d: {  	v8 =	vld.idx.msk [tilespmem:v8+s19+$0x0], $0xffff  }
0x33e: {  	v16 =	vor.u32 v37, v3;
	[tilespmem:s1+$0xB650] =	vst v15;
	v15 =	vor.u32 v45, v4;
	v45 =	vld [tilespmem:$0x1FF60]  }
0x33f: {  	v14 =	vor.u32 v42, v3;
	[tilespmem:s2+$0xB4C0] =	vst v9;
	v9 =	vld [tilespmem:$0x1FE00]  }
0x340: {  	v17 =	vor.u32 v52, v3;
	[tilespmem:s1+$0xB750] =	vst v13;
	v13 =	vld [tilespmem:$0x1FE80]  }
0x341: {  	v12 =	vor.u32 v51, v3;
	v10 =	vld.idx.msk [tilespmem:v10+s19+$0x0], $0xffff  }
0x342: {  	[tilespmem:s11+$0xB450] =	vst v8;
	v8 =	vld [tilespmem:$0x1FF80]  }
0x343: {  	s9 =	sor.u32 $0xB, s10;
	v16 =	vld.idx.msk [tilespmem:v16+s19+$0x0], $0xffff  }
0x344: {  	s30 =	sor.u32 $0xA, s10;
	v20 =	vor.u32 v2, v3;
	v19 =	vmov s9;
	v7 =	vor.u32 v46, v3;
	[tilespmem:s1+$0xB7D0] =	vst v6;
	v14 =	vld.idx.msk [tilespmem:v14+s19+$0x0], $0xffff  }
0x345: {  	v18 =	vmov s30;
	v19 =	vshrl.u32 v19, $0x3;
	[tilespmem:s1+$0xB6D0] =	vst v11;
	v17 =	vld.idx.msk [tilespmem:v17+s19+$0x0], $0xffff;
	v13 =	vor.u32 v13, v3  }
0x346: {  	s12 =	sor.u32 $0xC, s10;
	v6 =	vshll.u32 v19, v1;
	v11 =	vor.u32 v48, v5;
	v12 =	vld.idx.msk [tilespmem:v12+s19+$0x0], $0xffff;
	v9 =	vor.u32 v9, v3  }
0x347: {  	v15 =	vld.idx.msk [tilespmem:v15+s19+$0x0], $0xffff;
	[tilespmem:s2+$0xB4D0] =	vst v10;
	v8 =	vor.u32 v8, v4;
	v4 =	vbroadcast v6, $0x0;
	v6 =	vmov s12  }
0x348: {  	v18 =	vshrl.u32 v18, $0x3;
	v10 =	vor.u32 v49, v5;
	[tilespmem:s1+$0xB660] =	vst v16;
	v5 =	vshrl.u32 v6, $0x3;
	v6 =	vld [tilespmem:$0x1FFD0]  }
0x349: {  	s13 =	sor.u32 $0xE, s10;
	v18 =	vshll.u32 v18, v1;
	v19 =	vld.idx.msk [tilespmem:v7+s19+$0x0], $0xffff;
	[tilespmem:s1+$0xB760] =	vst v14  }
0x34a: {  	s16 =	sor.u32 $0xF, s10;
	v7 =	vmov s13;
	[tilespmem:s1+$0xB7E0] =	vst v17;
	v3 =	vbroadcast v18, $0x0;
	v13 =	vld.idx.msk [tilespmem:v13+s19+$0x0], $0xffff  }
0x34b: {  	v11 =	vld.idx.msk [tilespmem:v11+s19+$0x0], $0xffff;
	[tilespmem:s1+$0xB6E0] =	vst v12;
	v7 =	vshrl.u32 v7, $0x3;
	v12 =	vmov s16  }
0x34c: {  	s6 =	sor.u32 $0xD, s10;
	v9 =	vld.idx.msk [tilespmem:v9+s19+$0x0], $0xffff;
	v7 =	vshll.u32 v7, v1;
	v5 =	vshll.u32 v5, v1;
	v18 =	vor.u32 v45, v3  }
0x34d: {  	[tilespmem:s11+$0xB460] =	vst v15;
	v14 =	vld.idx.msk [tilespmem:v20+s19+$0x0], $0xffff;
	v5 =	vbroadcast v5, $0x0;
	v16 =	vor.u32 v6, v4;
	v6 =	vmov s6  }
0x34e: {  	v12 =	vshrl.u32 v12, $0x3;
	v7 =	vbroadcast v7, $0x0;
	[tilespmem:s1+$0xB670] =	vst v19;
	v19 =	vld [tilespmem:$0x1FF30];
	v6 =	vshrl.u32 v6, $0x3  }
0x34f: {  	v12 =	vshll.u32 v12, v1;
	v15 =	vor.u32 v63, v5;
	v6 =	vshll.u32 v6, v1;
	[tilespmem:s1+$0xB770] =	vst v13;
	v13 =	vld [tilespmem:$0x1FFF0]  }
0x350: {  	[tilespmem:s2+$0xB4E0] =	vst v11;
	v17 =	vld.idx.msk [tilespmem:v8+s19+$0x0], $0xffff;
	v8 =	vbroadcast v12, $0x0;
	v12 =	vor.u32 v55, v7;
	v6 =	vbroadcast v6, $0x0  }
0x351: {  	[tilespmem:s1+$0xB6F0] =	vst v9;
	v9 =	vld.idx.msk [tilespmem:v18+s19+$0x0], $0xffff  }
0x352: {  	v10 =	vld.idx.msk [tilespmem:v10+s19+$0x0], $0xffff;
	v11 =	vor.u32 v54, v6  }
0x353: {  	v16 =	vld.idx.msk [tilespmem:v16+s19+$0x0], $0xffff  }
0x354: {  	s10 =	sshll.u32 s30, $0x7;
	[tilespmem:s1+$0xB7F0] =	vst v14;
	v15 =	vld.idx.msk [tilespmem:v15+s19+$0x0], $0xffff;
	v13 =	vor.u32 v13, v3  }
0x355: {  	[tilespmem:s11+$0xB470] =	vst v17;
	v17 =	vor.u32 v33, v5;
	v12 =	vld.idx.msk [tilespmem:v12+s19+$0x0], $0xffff;
	s1 =	sand.u32 $0xC00, s10  }
0x356: {  	s11 =	sshll.u32 s9, $0x7;
	[tilespmem:s1+$0xB500] =	vst v9;
	v9 =	vld [tilespmem:$0x1FE20]  }
0x357: {  	s30 =	sshll.u32 s12, $0x7;
	v18 =	vor.u32 v59, v8;
	[tilespmem:s2+$0xB4F0] =	vst v10;
	s2 =	sand.u32 $0xC00, s11;
	v11 =	vld.idx.msk [tilespmem:v11+s19+$0x0], $0xffff  }
0x358: {  	v14 =	vor.u32 v47, v4;
	s9 =	sand.u32 $0xC00, s30;
	[tilespmem:s2+$0xB580] =	vst v16;
	v16 =	vld [tilespmem:$0x1FEA0]  }
0x359: {  	s13 =	sshll.u32 s13, $0x7;
	v10 =	vor.u32 v62, v6;
	[tilespmem:s9+$0xB600] =	vst v15;
	v13 =	vld.idx.msk [tilespmem:v13+s19+$0x0], $0xffff  }
0x35a: {  	s4 =	sand.u32 $0xC00, s13;
	v15 =	vor.u32 v50, v3;
	v17 =	vld.idx.msk [tilespmem:v17+s19+$0x0], $0xffff  }
0x35b: {  	v55 =	vld [tilespmem:$0x1FC60];
	s11 =	sshll.u32 s6, $0x7;
	[tilespmem:s4+$0xB700] =	vst v12;
	v12 =	vor.u32 v34, v5  }
0x35c: {  	s12 =	sand.u32 $0xC00, s11;
	v18 =	vld.idx.msk [tilespmem:v18+s19+$0x0], $0xffff;
	v9 =	vor.u32 v9, v7  }
0x35d: {  	v14 =	vld.idx.msk [tilespmem:v14+s19+$0x0], $0xffff;
	v16 =	vor.u32 v16, v8;
	[tilespmem:s12+$0xB680] =	vst v11  }
0x35e: {  	v11 =	vor.u32 v44, v4;
	v10 =	vld.idx.msk [tilespmem:v10+s19+$0x0], $0xffff;
	[tilespmem:s1+$0xB510] =	vst v13  }
0x35f: {  	s16 =	sshll.u32 s16, $0x7;
	[tilespmem:s9+$0xB610] =	vst v17;
	v15 =	vld.idx.msk [tilespmem:v15+s19+$0x0], $0xffff  }
0x360: {  	s30 =	sand.u32 $0xC00, s16;
	v17 =	vor.u32 v55, v3;
	v12 =	vld.idx.msk [tilespmem:v12+s19+$0x0], $0xffff  }
0x361: {  	[tilespmem:s30+$0xB780] =	vst v18;
	v9 =	vld.idx.msk [tilespmem:v9+s19+$0x0], $0xffff  }
0x362: {  	v18 =	vor.u32 v28, v6;
	[tilespmem:s2+$0xB590] =	vst v14;
	v16 =	vld.idx.msk [tilespmem:v16+s19+$0x0], $0xffff  }
0x363: {  	v13 =	vor.u32 v40, v7;
	v11 =	vld.idx.msk [tilespmem:v11+s19+$0x0], $0xffff  }
0x364: {  	v14 =	vor.u32 v57, v8;
	[tilespmem:s1+$0xB520] =	vst v15;
	v15 =	vld [tilespmem:$0x1FE40]  }
0x365: {  	[tilespmem:s12+$0xB690] =	vst v10;
	v10 =	vor.u32 v21, v4;
	v17 =	vld.idx.msk [tilespmem:v17+s19+$0x0], $0xffff  }
0x366: {  	v40 =	vld [tilespmem:$0x1FC90];
	[tilespmem:s9+$0xB620] =	vst v12;
	v12 =	vor.u32 v58, v3  }
0x367: {  	[tilespmem:s4+$0xB710] =	vst v9;
	v9 =	vor.u32 v35, v5;
	v18 =	vld.idx.msk [tilespmem:v18+s19+$0x0], $0xffff  }
0x368: {  	[tilespmem:s30+$0xB790] =	vst v16;
	v16 =	vor.u32 v25, v6;
	v13 =	vld.idx.msk [tilespmem:v13+s19+$0x0], $0xffff  }
0x369: {  	[tilespmem:s2+$0xB5A0] =	vst v11;
	v14 =	vld.idx.msk [tilespmem:v14+s19+$0x0], $0xffff;
	v15 =	vor.u32 v15, v7  }
0x36a: {  	v11 =	vor.u32 v36, v8;
	v10 =	vld.idx.msk [tilespmem:v10+s19+$0x0], $0xffff;
	[tilespmem:s1+$0xB530] =	vst v17  }
0x36b: {  	v12 =	vld.idx.msk [tilespmem:v12+s19+$0x0], $0xffff  }
0x36c: {  	[tilespmem:s12+$0xB6A0] =	vst v18;
	v18 =	vor.u32 v22, v4;
	v9 =	vld.idx.msk [tilespmem:v9+s19+$0x0], $0xffff  }
0x36d: {  	[tilespmem:s4+$0xB720] =	vst v13;
	v13 =	vor.u32 v38, v5;
	v16 =	vld.idx.msk [tilespmem:v16+s19+$0x0], $0xffff  }
0x36e: {  	[tilespmem:s30+$0xB7A0] =	vst v14;
	v14 =	vor.u32 v27, v6;
	v15 =	vld.idx.msk [tilespmem:v15+s19+$0x0], $0xffff  }
0x36f: {  	[tilespmem:s2+$0xB5B0] =	vst v10;
	v17 =	vor.u32 v29, v7;
	v11 =	vld.idx.msk [tilespmem:v11+s19+$0x0], $0xffff  }
0x370: {  	v10 =	vor.u32 v31, v8;
	[tilespmem:s1+$0xB540] =	vst v12;
	v12 =	vld [tilespmem:$0x1FE60]  }
0x371: {  	[tilespmem:s9+$0xB630] =	vst v9;
	v9 =	vor.u32 v41, v3;
	v18 =	vld.idx.msk [tilespmem:v18+s19+$0x0], $0xffff  }
0x372: {  	[tilespmem:s12+$0xB6B0] =	vst v16;
	v13 =	vld.idx.msk [tilespmem:v13+s19+$0x0], $0xffff  }
0x373: {  	v16 =	vor.u32 v23, v4;
	v14 =	vld.idx.msk [tilespmem:v14+s19+$0x0], $0xffff;
	[tilespmem:s4+$0xB730] =	vst v15  }
0x374: {  	[tilespmem:s30+$0xB7B0] =	vst v11;
	v11 =	vor.u32 v30, v6;
	v17 =	vld.idx.msk [tilespmem:v17+s19+$0x0], $0xffff  }
0x375: {  	v10 =	vld.idx.msk [tilespmem:v10+s19+$0x0], $0xffff;
	v12 =	vor.u32 v12, v7  }
0x376: {  	[tilespmem:s2+$0xB5C0] =	vst v18;
	v18 =	vor.u32 v43, v8;
	v9 =	vld.idx.msk [tilespmem:v9+s19+$0x0], $0xffff  }
0x377: {  	v38 =	vld [tilespmem:$0x1FFC0];
	[tilespmem:s9+$0xB640] =	vst v13;
	v13 =	vor.u32 v40, v3  }
0x378: {  	v16 =	vld.idx.msk [tilespmem:v16+s19+$0x0], $0xffff;
	v15 =	vor.u32 v26, v5;
	[tilespmem:s12+$0xB6C0] =	vst v14  }
0x379: {  	v14 =	vor.u32 v24, v4;
	v11 =	vld.idx.msk [tilespmem:v11+s19+$0x0], $0xffff;
	[tilespmem:s4+$0xB740] =	vst v17  }
0x37a: {  	[tilespmem:s30+$0xB7C0] =	vst v10;
	v12 =	vld.idx.msk [tilespmem:v12+s19+$0x0], $0xffff  }
0x37b: {  	v10 =	vor.u32 v51, v6;
	[tilespmem:s1+$0xB550] =	vst v9;
	v18 =	vld.idx.msk [tilespmem:v18+s19+$0x0], $0xffff  }
0x37c: {  	v13 =	vld.idx.msk [tilespmem:v13+s19+$0x0], $0xffff  }
0x37d: {  	[tilespmem:s2+$0xB5D0] =	vst v16;
	v15 =	vld.idx.msk [tilespmem:v15+s19+$0x0], $0xffff  }
0x37e: {  	v14 =	vld.idx.msk [tilespmem:v14+s19+$0x0], $0xffff;
	[tilespmem:s12+$0xB6D0] =	vst v11  }
0x37f: {  	[tilespmem:s4+$0xB750] =	vst v12;
	v12 =	vld [tilespmem:$0x1FE00]  }
0x380: {  	v10 =	vld.idx.msk [tilespmem:v10+s19+$0x0], $0xffff  }
0x381: {  	v17 =	vor.u32 v37, v5;
	[tilespmem:s30+$0xB7D0] =	vst v18;
	v18 =	vld [tilespmem:$0x1FF20]  }
0x382: {  	v3 =	vor.u32 v0, v3;
	[tilespmem:s1+$0xB560] =	vst v13;
	v13 =	vld [tilespmem:$0x1FF90]  }
0x383: {  	v9 =	vor.u32 v42, v7;
	[tilespmem:s9+$0xB650] =	vst v15;
	v15 =	vld [tilespmem:$0x1FF70]  }
0x384: {  	v16 =	vor.u32 v52, v8;
	v6 =	vor.u32 v12, v6;
	v12 =	vld [tilespmem:$0x1FE80]  }
0x385: {  	[tilespmem:s2+$0xB5E0] =	vst v14;
	v14 =	vld [tilespmem:$0x1FFA0]  }
0x386: {  	v4 =	vor.u32 v32, v4;
	v11 =	vld.idx.msk [tilespmem:v17+s19+$0x0], $0xffff  }
0x387: {  	v5 =	vor.u32 v46, v5;
	v3 =	vld.idx.msk [tilespmem:v3+s19+$0x0], $0xffff  }
0x388: {  	v9 =	vld.idx.msk [tilespmem:v9+s19+$0x0], $0xffff  }
0x389: {  	v7 =	vor.u32 v12, v7;
	v12 =	vld.idx.msk [tilespmem:v16+s19+$0x0], $0xffff  }
0x38a: {  	v8 =	vor.u32 v2, v8;
	v17 =	vld [tilespmem:$0x1FF10]  }
0x38b: {  	v4 =	vld.idx.msk [tilespmem:v4+s19+$0x0], $0xffff;
	[tilespmem:s9+$0xB660] =	vst v11  }
0x38c: {  	[tilespmem:s12+$0xB6E0] =	vst v10;
	v5 =	vld.idx.msk [tilespmem:v5+s19+$0x0], $0xffff  }
0x38d: {  	[tilespmem:s4+$0xB760] =	vst v9;
	v6 =	vld.idx.msk [tilespmem:v6+s19+$0x0], $0xffff  }
0x38e: {  	[tilespmem:s30+$0xB7E0] =	vst v12;
	v7 =	vld.idx.msk [tilespmem:v7+s19+$0x0], $0xffff  }
0x38f: {  	p1 =	por p0, p0;
	[tilespmem:s1+$0xB570] =	vst v3;
	v3 =	vld.idx.msk [tilespmem:v8+s19+$0x0], $0xffff  }
.Ltmp3:
0x390: {  	v10 =	vld [tilespmem:$0x1FFF0];
	[tilespmem:s2+$0xB5F0] =	vst v4;
	(pc) =	sbr.rel @p1 .LBB2_9-.Ltmp3, $4  }
0x391: {  	v9 =	vld [tilespmem:$0x1FFE0];
	[tilespmem:s9+$0xB670] =	vst v5  }
0x392: {  	v16 =	vld [tilespmem:$0x1FF00];
	[tilespmem:s12+$0xB6F0] =	vst v6  }
0x393: {  	v12 =	vld [tilespmem:$0x1FF80];
	[tilespmem:s4+$0xB770] =	vst v7  }
0x394: {  	p0 =	por $0x0, $0x0;
	s10 =	simm.s32 $0x10;
	v35 =	vmovc v28;
	v29 =	vmovc v33;
	v26 =	vmov v27;
	v42 =	vmov v0;
	v37 =	vmov v43;
	v6 =	vld [tilespmem:$0x1FFD0];
	[tilespmem:s30+$0xB7F0] =	vst v3  }
0x395: {  	s31 =	sadd.s32 $0x1, s31  }
0x396: {  	p0 =	sne.s32 s31, $0x32  }
.Ltmp4:
0x397: {  	_ = 	snop;
	(pc) =	sbr.rel @p0 .LBB2_2-.Ltmp4, $3  }
0x398: {  	_ =	sdelay $0x1  }
0x399: {  	s0 =	sadd.s32 s0, s8;
	v11 =	vld [tilespmem:$0x1FF40]  }
0x39a: {  	v5 =	vmovc v45;
	v31 =	vmov v38;
	[hbm4b:s0+s20] =	stream.strided.scatter [tilespmem:s24], [sflag:$0x6], $0x1000, s21, s20, $0x38;
	v8 =	vmov v9;
	v9 =	vmov v10;
	v10 =	vld [tilespmem:$0x1FFB0]  }
0x39b: {  	_ =	swait.ge [sflag:s26], $0x1000  }
0x39c: {  	[sflag:s26] =	ssyncset.done $0x0  }
0x39d: {  	[sflag:s26] =	ssyncadd.s32 $0xFFFFF000  }
0x39e: {  	_ =	swait.ge [sflag:s29], $0x1000  }
0x39f: {  	s1 =	rddreg [dreg:$0x6]  }
0x3a0: {  	s0 =	rddreg [dreg:$0x5];
	s1 =	sadd.s32 $0x1, s1  }
0x3a1: {  	p0 =	sne.s32 s1, s0  }
.Ltmp5:
0x3a2: {  	_ = 	snop;
	(pc) =	sbr.rel @p0 .LBB2_1-.Ltmp5, $3  }
0x3a3: {  	_ =	sdelay $0x1  }
0x3a4: {  	[sflag:s29] =	ssyncset.done $0x0  }
0x3a5: {  	[sflag:s29] =	ssyncadd.s32 $0xFFFFF000  }
0x3a6: {  	_ =	sfence.sel $0x180000  }
0x3a7: {  	[bflag:$0x0] =	sbarrier.arrive $0xFFFF  }
0x3a8: {  	_ =	strace $0x90000047  }
0x3a9: {  	s0 =	stileid.u32;
	[bflag:$0x2] =	sbarrier.arrive $0xFFFF  }
0x3aa: {  	p0 =	sne.s32 s0, $0x0;
	s0 =	rddreg [dreg:$0x2]  }
0x3ab: {  	s0 =	sadd.s32 @!p0 $0x100000, s0  }
0x3ac: {  	[sflag:s0] =	ssyncadd.tile.s32 @!p0 $0x1;
	_ =	shalt  }
.Lfunc_end2:
_tile_overlayer_lowered:
.L_overlay_start_2:
0x3ad: {  	(tag) =	ssettag $0x2  }
0x3ae: {  	s0 =	rddreg [dreg:$0x0];
	s2 =	stileid.u32  }
0x3af: {  	s1 =	rddreg [dreg:$0x1];
	p0 =	sne.s32 s2, $0x0  }
0x3b0: {  	s3 =	rddreg [dreg:$0x2];
	[bflag:$0x3] =	sbarrier.arrive $0xFFFF;
	s2 =	simm.s32 @!p0 $0x1C07  }
0x3b1: {  	[timem:s3], [sflag:s2] =	dma.local @!p0 [hbm:s0], s1  }
0x3b2: {  	s0 =	simm.s32 @!p0 $0x7  }
0x3b3: {  	_ =	swait.ge @!p0 [sflag:s0], s1  }
0x3b4: {  	s1 =	ssub.s32 @!p0 $0x0, s1;
	[sflag:s0] =	ssyncset.done @!p0 $0x0  }
0x3b5: {  	[sflag:s0] =	ssyncadd.s32 @!p0 s1  }
0x3b6: {  	[bflag:$0x3] =	sbarrier.arrive $0xFFFF  }
0x3b7: {  	_ =	shalt  }

</sc_bundles>
